<compile_context>
chip_gen: v7x
topology: tpu7x:2x2x1
jax: 0.10.2.dev20260603
libtpu: 0.0.44.dev20260713+nightly
codegen_flags: <defaults>
</compile_context>

<pallas_src>
import functools

import jax
import jax.numpy as jnp
from jax import lax
from jax.experimental import pallas as pl
from jax.experimental.pallas import tpu as pltpu
from jax.experimental.pallas import tpu_sc as plsc

C = 128
O = 128
OW = O // 2
WPT = 4
N = 10000
K = 16
L = 16

NC, NS = 2, 16
N_PAD = 10240
NSC = N_PAD // NC
CHN = 256
NCHU = NSC // CHN
BN = 2560
BN2 = 2560


def _mm_body(x_ref, wd_ref, w2_ref, hb_ref, t1_ref, t2_ref):
    xb = x_ref[...]
    hb = hb_ref[:, 0:1]
    dn = (((1,), (0,)), ((), ()))

    def pack(wmat):
        z = (lax.dot_general(wmat, xb, dn,
                             preferred_element_type=jnp.float32)
             + hb).astype(jnp.bfloat16)
        lo = lax.bitcast_convert_type(z[:OW, :], jnp.uint16).astype(jnp.uint32)
        hi = lax.bitcast_convert_type(z[OW:, :], jnp.uint16).astype(jnp.uint32)
        return lax.bitcast_convert_type(lo | (hi << 16), jnp.int32)

    t1_ref[...] = pack(wd_ref[...])
    t2_ref[...] = pack(w2_ref[...])


def _build_tables(xp, wd, w2, hb):
    return pl.pallas_call(
        _mm_body,
        grid=(N_PAD // BN,),
        in_specs=[
            pl.BlockSpec((C, BN), lambda i: (0, i)),
            pl.BlockSpec((O, C), lambda i: (0, 0)),
            pl.BlockSpec((O, C), lambda i: (0, 0)),
            pl.BlockSpec((O, 128), lambda i: (0, 0)),
        ],
        out_specs=[
            pl.BlockSpec((OW, BN), lambda i: (0, i)),
            pl.BlockSpec((OW, BN), lambda i: (0, i)),
        ],
        out_shape=[
            jax.ShapeDtypeStruct((OW, N_PAD), jnp.int32),
            jax.ShapeDtypeStruct((OW, N_PAD), jnp.int32),
        ],
    )(xp, wd, w2, hb)


def _unpack_body(t_ref, o_ref):
    u = lax.bitcast_convert_type(t_ref[...], jnp.uint32)
    lo = lax.bitcast_convert_type((u & 0xFFFF).astype(jnp.uint16),
                                  jnp.bfloat16).astype(jnp.float32)
    hi = lax.bitcast_convert_type((u >> 16).astype(jnp.uint16),
                                  jnp.bfloat16).astype(jnp.float32)
    o_ref[0:OW, :] = lo
    o_ref[OW:O, :] = hi


def _unpack(out_t):
    return pl.pallas_call(
        _unpack_body,
        grid=(N_PAD // BN2,),
        in_specs=[pl.BlockSpec((OW, BN2), lambda i: (0, i))],
        out_specs=pl.BlockSpec((O, BN2), lambda i: (0, i)),
        out_shape=jax.ShapeDtypeStruct((O, N_PAD), jnp.float32),
    )(out_t)


@functools.partial(
    pl.kernel,
    mesh=plsc.VectorSubcoreMesh(core_axis_name="c", subcore_axis_name="s"),
    out_type=jax.ShapeDtypeStruct((OW, N_PAD), jnp.int32),
    compiler_params=pltpu.CompilerParams(use_tc_tiling_on_sc=False,
                                         needs_layout_passes=False),
    scratch_types=[
        pltpu.VMEM((WPT, N_PAD), jnp.int32),
        pltpu.VMEM((WPT, N_PAD), jnp.int32),
        pltpu.VMEM((2, K, CHN), jnp.int32),
        pltpu.VMEM((2, K, CHN), jnp.int32),
        pltpu.VMEM((2, WPT, CHN), jnp.int32),
        pltpu.SemaphoreType.DMA,
        pltpu.SemaphoreType.DMA,
        pltpu.SemaphoreType.DMA,
        pltpu.SemaphoreType.DMA,
    ],
)
def _sc_gather_max(y1t_hbm, y2t_hbm, i1_hbm, i0_hbm, out_hbm,
                   tbl1, tbl2, i1_v, i0_v, o_v, si0, si1, so0, so1):
    cid = lax.axis_index("c")
    sid = lax.axis_index("s")
    sis = (si0, si1)
    sos = (so0, so1)
    wrows = pl.ds(sid * WPT, WPT)

    pltpu.sync_copy(y1t_hbm.at[wrows], tbl1)
    pltpu.sync_copy(y2t_hbm.at[wrows], tbl2)

    wvecs = [jnp.full((L,), w, jnp.int32) for w in range(WPT)]

    def issue_idx(ch, b):
        pltpu.async_copy(i1_hbm.at[cid, ch], i1_v.at[b], sis[b])
        pltpu.async_copy(i0_hbm.at[cid, ch], i0_v.at[b], sis[b])

    def wait_idx(ch, b):
        pltpu.make_async_copy(i1_hbm.at[cid, ch], i1_v.at[b], sis[b]).wait()
        pltpu.make_async_copy(i0_hbm.at[cid, ch], i0_v.at[b], sis[b]).wait()

    def out_slice(ch):
        return out_hbm.at[wrows, pl.ds(cid * NSC + ch * CHN, CHN)]

    def compute(b):
        def group_body(g, carry):
            sl = pl.ds(g * L, L)
            acc = [None] * WPT
            for k in range(K):
                idx1 = i1_v[b, k, sl]
                idx0 = i0_v[b, k, sl]
                for w in range(WPT):
                    s = (plsc.bitcast(plsc.load_gather(tbl1, [wvecs[w], idx1]),
                                      jnp.bfloat16)
                         + plsc.bitcast(plsc.load_gather(tbl2, [wvecs[w], idx0]),
                                        jnp.bfloat16))
                    acc[w] = s if k == 0 else jnp.maximum(acc[w], s)
            for w in range(WPT):
                o_v[b, w, sl] = plsc.bitcast(acc[w], jnp.int32)
            return carry

        lax.fori_loop(0, CHN // L, group_body, 0, unroll=False)

    issue_idx(0, 0)
    issue_idx(1, 1)

    def pair_body(cp, carry):
        for b in range(2):
            ch = 2 * cp + b
            wait_idx(ch, b)

            @pl.when(cp > 0)
            def _():
                pltpu.make_async_copy(o_v.at[b], out_slice(ch - 2), sos[b]).wait()

            compute(b)
            pltpu.async_copy(o_v.at[b], out_slice(ch), sos[b])

            @pl.when(cp < NCHU // 2 - 1)
            def _():
                issue_idx(ch + 2, b)
        return carry

    lax.fori_loop(0, NCHU // 2, pair_body, 0, unroll=False)
    pltpu.make_async_copy(o_v.at[0], out_slice(NCHU - 2), sos[0]).wait()
    pltpu.make_async_copy(o_v.at[1], out_slice(NCHU - 1), sos[1]).wait()


def kernel(x, edge_index, W, b):
    wd = (W[:, :C] - W[:, C:]).astype(jnp.float32)
    w2 = W[:, C:].astype(jnp.float32)
    hb = jnp.broadcast_to(0.5 * b.astype(jnp.float32)[:, None], (O, 128))

    ei = edge_index.astype(jnp.int32)

    def prep_idx(a):
        ap = jnp.pad(a, ((0, N_PAD - N), (0, 0)))
        return ap.T.reshape(K, NC, NCHU, CHN).transpose(1, 2, 0, 3)

    i1 = prep_idx(ei[1, 0])
    i0 = prep_idx(ei[0, 0])

    xp = jnp.pad(x.reshape(C, N).astype(jnp.float32), ((0, 0), (0, N_PAD - N)))
    t1, t2 = _build_tables(xp, wd, w2, hb)
    out_t = _sc_gather_max(t1, t2, i1, i0)
    return _unpack(out_t)[:, :N].reshape(1, O, N, 1)

# --- scband reference (transcript-rebuilt; emitter-appended) ---
"""Pipeline reference for scband-graph-conv2d-snn-58961311040368 (READ-ONLY COPY).

The authoritative reference and input builder live on the scoring server;
editing this copy changes nothing except your own understanding.
"""

import jax, jax.numpy as jnp
import numpy as np

IN_CH = 128
OUT_CH = 128
B, N, K = 1, 10000, 16


def batched_index_select(x, idx):
    # x: [B, C, N, 1], idx: [B, N, K] -> [B, C, N, K]
    x_sq = x[..., 0]  # [B, C, N]

    def gather_one(xb, idxb):
        # xb: [C, N], idxb: [N, K]
        return jnp.take(xb, idxb, axis=1)  # [C, N, K]

    return jax.vmap(gather_one)(x_sq, idx)


def setup_inputs(seed: int = 0) -> dict:
    key = jax.random.key(seed)
    k1, k2, k3 = jax.random.split(key, 3)
    x = jax.random.normal(k1, (B, IN_CH, N, 1), dtype=jnp.float32)
    edge_index = jax.random.randint(k2, (2, B, N, K), 0, N, dtype=jnp.int64)
    # BasicConv_snn with act=None, norm=None: single 1x1 Conv2d(2*C -> out) + bias
    W = jax.random.normal(k3, (OUT_CH, 2 * IN_CH), dtype=jnp.float32) * 0.05
    b = jnp.zeros((OUT_CH,), dtype=jnp.float32)
    return {"x": x, "edge_index": edge_index, "W": W, "b": b}


def reference(x, edge_index, W, b):
    # EdgeConv2d_snn forward (T == 1 path)
    x_i = batched_index_select(x, edge_index[1])  # [B, C, N, K]
    x_j = batched_index_select(x, edge_index[0])  # [B, C, N, K]
    out = jnp.concatenate([x_i, x_j - x_i], axis=1)  # [B, 2C, N, K]
    # 1x1 conv: [O, 2C] x [B, 2C, N, K] -> [B, O, N, K]
    out = jnp.einsum("oc,bcnk->bonk", W, out) + b[None, :, None, None]
    max_value = jnp.max(out, axis=-1, keepdims=True)  # [B, O, N, 1]
    return max_value

if __name__ == "__main__":
    import jax
    _d = setup_inputs()
    print(jax.jit(kernel)(*tuple(_d.values())))

</pallas_src>

<mosaic_0001>
#map = affine_map<(d0, d1) -> (0, 0)>
#map1 = affine_map<(d0, d1) -> (0, 0, 0, 0)>
module attributes {stable_mosaic.version = 14 : i64} {
  func.func @_sc_gather_max(%arg0: i32, %arg1: i32, %arg2: memref<64x10240xi32, #tpu.memory_space<hbm>>, %arg3: memref<64x10240xi32, #tpu.memory_space<hbm>>, %arg4: memref<2x20x16x256xi32, #tpu.memory_space<hbm>>, %arg5: memref<2x20x16x256xi32, #tpu.memory_space<hbm>>, %arg6: memref<64x10240xi32, #tpu.memory_space<hbm>>, %arg7: memref<4x10240xi32, #tpu.memory_space<vmem>>, %arg8: memref<4x10240xi32, #tpu.memory_space<vmem>>, %arg9: memref<2x16x256xi32, #tpu.memory_space<vmem>>, %arg10: memref<2x16x256xi32, #tpu.memory_space<vmem>>, %arg11: memref<2x4x256xi32, #tpu.memory_space<vmem>>, %arg12: memref<!tpu.dma_semaphore, #tpu.memory_space<semaphore_mem>>, %arg13: memref<!tpu.dma_semaphore, #tpu.memory_space<semaphore_mem>>, %arg14: memref<!tpu.dma_semaphore, #tpu.memory_space<semaphore_mem>>, %arg15: memref<!tpu.dma_semaphore, #tpu.memory_space<semaphore_mem>>) attributes {dimension_semantics = [#tpu.dimension_semantics<core_parallel>, #tpu.dimension_semantics<subcore_parallel>], iteration_bounds = array<i64: 2, 16>, scalar_prefetch = 0 : i64, scratch_operands = 9 : i64, tpu.core_type = #tpu.core_type<sc_vector_subcore>, window_params = [{transform_indices = #map}, {transform_indices = #map}, {transform_indices = #map1}, {transform_indices = #map1}, {transform_indices = #map}]} {
    %mul3A = arith.constant 4 : i32
    %mul3A_0 = arith.muli %arg1, %mul3A : i32
    "tpu.region"() ({
      %run_scoped3A = tpu.sem_alloc : memref<!tpu.dma_semaphore, #tpu.memory_space<semaphore_mem>>
      %dma_start3A_112 = arith.constant 0 : i32
      %dma_start3A_113 = tpu.memref_slice %arg2[%mul3A_0, %dma_start3A_112] : memref<64x10240xi32, #tpu.memory_space<hbm>> -> memref<4x10240xi32, #tpu.memory_space<hbm>>
      %dma_start3A_114 = arith.constant 0 : i32
      %dma_start3A_115 = tpu.memref_slice %arg2[%mul3A_0, %dma_start3A_114] : memref<64x10240xi32, #tpu.memory_space<hbm>> -> memref<4x10240xi32, #tpu.memory_space<hbm>>
      tpu.enqueue_dma source(%dma_start3A_115 : memref<4x10240xi32, #tpu.memory_space<hbm>>) target(%arg7 : memref<4x10240xi32, #tpu.memory_space<vmem>>) target_semaphore(%run_scoped3A : memref<!tpu.dma_semaphore, #tpu.memory_space<semaphore_mem>>)
      %dma_wait3A_116 = arith.constant 0 : i32
      %dma_wait3A_117 = tpu.memref_slice %arg2[%mul3A_0, %dma_wait3A_116] : memref<64x10240xi32, #tpu.memory_space<hbm>> -> memref<4x10240xi32, #tpu.memory_space<hbm>>
      %dma_wait3A_118 = arith.constant 0 : i32
      %dma_wait3A_119 = tpu.memref_slice %arg2[%mul3A_0, %dma_wait3A_118] : memref<64x10240xi32, #tpu.memory_space<hbm>> -> memref<4x10240xi32, #tpu.memory_space<hbm>>
      tpu.wait_dma2 semaphore(%run_scoped3A : memref<!tpu.dma_semaphore, #tpu.memory_space<semaphore_mem>>) src(%dma_wait3A_119 : memref<4x10240xi32, #tpu.memory_space<hbm>>) dst(%arg7 : memref<4x10240xi32, #tpu.memory_space<vmem>>)
      tpu.yield
    }) : () -> ()
    "tpu.region"() ({
      %run_scoped3A = tpu.sem_alloc : memref<!tpu.dma_semaphore, #tpu.memory_space<semaphore_mem>>
      %dma_start3A_112 = arith.constant 0 : i32
      %dma_start3A_113 = tpu.memref_slice %arg3[%mul3A_0, %dma_start3A_112] : memref<64x10240xi32, #tpu.memory_space<hbm>> -> memref<4x10240xi32, #tpu.memory_space<hbm>>
      %dma_start3A_114 = arith.constant 0 : i32
      %dma_start3A_115 = tpu.memref_slice %arg3[%mul3A_0, %dma_start3A_114] : memref<64x10240xi32, #tpu.memory_space<hbm>> -> memref<4x10240xi32, #tpu.memory_space<hbm>>
      tpu.enqueue_dma source(%dma_start3A_115 : memref<4x10240xi32, #tpu.memory_space<hbm>>) target(%arg8 : memref<4x10240xi32, #tpu.memory_space<vmem>>) target_semaphore(%run_scoped3A : memref<!tpu.dma_semaphore, #tpu.memory_space<semaphore_mem>>)
      %dma_wait3A_116 = arith.constant 0 : i32
      %dma_wait3A_117 = tpu.memref_slice %arg3[%mul3A_0, %dma_wait3A_116] : memref<64x10240xi32, #tpu.memory_space<hbm>> -> memref<4x10240xi32, #tpu.memory_space<hbm>>
      %dma_wait3A_118 = arith.constant 0 : i32
      %dma_wait3A_119 = tpu.memref_slice %arg3[%mul3A_0, %dma_wait3A_118] : memref<64x10240xi32, #tpu.memory_space<hbm>> -> memref<4x10240xi32, #tpu.memory_space<hbm>>
      tpu.wait_dma2 semaphore(%run_scoped3A : memref<!tpu.dma_semaphore, #tpu.memory_space<semaphore_mem>>) src(%dma_wait3A_119 : memref<4x10240xi32, #tpu.memory_space<hbm>>) dst(%arg8 : memref<4x10240xi32, #tpu.memory_space<vmem>>)
      tpu.yield
    }) : () -> ()
    %broadcast_in_dim3A = arith.constant 0 : i32
    %broadcast_in_dim3A_1 = vector.broadcast %broadcast_in_dim3A : i32 to vector<16xi32>
    %broadcast_in_dim3A_2 = arith.constant 1 : i32
    %broadcast_in_dim3A_3 = vector.broadcast %broadcast_in_dim3A_2 : i32 to vector<16xi32>
    %broadcast_in_dim3A_4 = arith.constant 2 : i32
    %broadcast_in_dim3A_5 = vector.broadcast %broadcast_in_dim3A_4 : i32 to vector<16xi32>
    %broadcast_in_dim3A_6 = arith.constant 3 : i32
    %broadcast_in_dim3A_7 = vector.broadcast %broadcast_in_dim3A_6 : i32 to vector<16xi32>
    %dma_start3A = arith.constant 0 : i32
    %dma_start3A_8 = arith.constant 0 : i32
    %dma_start3A_9 = arith.constant 0 : i32
    %dma_start3A_10 = arith.constant 0 : i32
    %dma_start3A_11 = tpu.memref_slice %arg9[%dma_start3A_8, %dma_start3A_9, %dma_start3A_10] : memref<2x16x256xi32, #tpu.memory_space<vmem>> -> memref<1x16x256xi32, #tpu.memory_space<vmem>>
    %dma_start3A_12 = tpu.memref_squeeze %dma_start3A_11 : memref<1x16x256xi32, #tpu.memory_space<vmem>> -> memref<16x256xi32, #tpu.memory_space<vmem>>
    %dma_start3A_13 = arith.constant 0 : i32
    %dma_start3A_14 = arith.constant 0 : i32
    %dma_start3A_15 = tpu.memref_slice %arg4[%arg0, %dma_start3A, %dma_start3A_13, %dma_start3A_14] : memref<2x20x16x256xi32, #tpu.memory_space<hbm>> -> memref<1x1x16x256xi32, #tpu.memory_space<hbm>>
    %dma_start3A_16 = tpu.memref_squeeze %dma_start3A_15 : memref<1x1x16x256xi32, #tpu.memory_space<hbm>> -> memref<16x256xi32, #tpu.memory_space<hbm>>
    %dma_start3A_17 = arith.constant 0 : i32
    %dma_start3A_18 = arith.constant 0 : i32
    %dma_start3A_19 = tpu.memref_slice %arg9[%dma_start3A_8, %dma_start3A_17, %dma_start3A_18] : memref<2x16x256xi32, #tpu.memory_space<vmem>> -> memref<1x16x256xi32, #tpu.memory_space<vmem>>
    %dma_start3A_20 = tpu.memref_squeeze %dma_start3A_19 : memref<1x16x256xi32, #tpu.memory_space<vmem>> -> memref<16x256xi32, #tpu.memory_space<vmem>>
    %dma_start3A_21 = arith.constant 0 : i32
    %dma_start3A_22 = arith.constant 0 : i32
    %dma_start3A_23 = tpu.memref_slice %arg4[%arg0, %dma_start3A, %dma_start3A_21, %dma_start3A_22] : memref<2x20x16x256xi32, #tpu.memory_space<hbm>> -> memref<1x1x16x256xi32, #tpu.memory_space<hbm>>
    %dma_start3A_24 = tpu.memref_squeeze %dma_start3A_23 : memref<1x1x16x256xi32, #tpu.memory_space<hbm>> -> memref<16x256xi32, #tpu.memory_space<hbm>>
    tpu.enqueue_dma source(%dma_start3A_24 : memref<16x256xi32, #tpu.memory_space<hbm>>) target(%dma_start3A_20 : memref<16x256xi32, #tpu.memory_space<vmem>>) target_semaphore(%arg12 : memref<!tpu.dma_semaphore, #tpu.memory_space<semaphore_mem>>)
    %dma_start3A_25 = arith.constant 0 : i32
    %dma_start3A_26 = arith.constant 0 : i32
    %dma_start3A_27 = arith.constant 0 : i32
    %dma_start3A_28 = arith.constant 0 : i32
    %dma_start3A_29 = tpu.memref_slice %arg10[%dma_start3A_26, %dma_start3A_27, %dma_start3A_28] : memref<2x16x256xi32, #tpu.memory_space<vmem>> -> memref<1x16x256xi32, #tpu.memory_space<vmem>>
    %dma_start3A_30 = tpu.memref_squeeze %dma_start3A_29 : memref<1x16x256xi32, #tpu.memory_space<vmem>> -> memref<16x256xi32, #tpu.memory_space<vmem>>
    %dma_start3A_31 = arith.constant 0 : i32
    %dma_start3A_32 = arith.constant 0 : i32
    %dma_start3A_33 = tpu.memref_slice %arg5[%arg0, %dma_start3A_25, %dma_start3A_31, %dma_start3A_32] : memref<2x20x16x256xi32, #tpu.memory_space<hbm>> -> memref<1x1x16x256xi32, #tpu.memory_space<hbm>>
    %dma_start3A_34 = tpu.memref_squeeze %dma_start3A_33 : memref<1x1x16x256xi32, #tpu.memory_space<hbm>> -> memref<16x256xi32, #tpu.memory_space<hbm>>
    %dma_start3A_35 = arith.constant 0 : i32
    %dma_start3A_36 = arith.constant 0 : i32
    %dma_start3A_37 = tpu.memref_slice %arg10[%dma_start3A_26, %dma_start3A_35, %dma_start3A_36] : memref<2x16x256xi32, #tpu.memory_space<vmem>> -> memref<1x16x256xi32, #tpu.memory_space<vmem>>
    %dma_start3A_38 = tpu.memref_squeeze %dma_start3A_37 : memref<1x16x256xi32, #tpu.memory_space<vmem>> -> memref<16x256xi32, #tpu.memory_space<vmem>>
    %dma_start3A_39 = arith.constant 0 : i32
    %dma_start3A_40 = arith.constant 0 : i32
    %dma_start3A_41 = tpu.memref_slice %arg5[%arg0, %dma_start3A_25, %dma_start3A_39, %dma_start3A_40] : memref<2x20x16x256xi32, #tpu.memory_space<hbm>> -> memref<1x1x16x256xi32, #tpu.memory_space<hbm>>
    %dma_start3A_42 = tpu.memref_squeeze %dma_start3A_41 : memref<1x1x16x256xi32, #tpu.memory_space<hbm>> -> memref<16x256xi32, #tpu.memory_space<hbm>>
    tpu.enqueue_dma source(%dma_start3A_42 : memref<16x256xi32, #tpu.memory_space<hbm>>) target(%dma_start3A_38 : memref<16x256xi32, #tpu.memory_space<vmem>>) target_semaphore(%arg12 : memref<!tpu.dma_semaphore, #tpu.memory_space<semaphore_mem>>)
    %dma_start3A_43 = arith.constant 1 : i32
    %dma_start3A_44 = arith.constant 1 : i32
    %dma_start3A_45 = arith.constant 0 : i32
    %dma_start3A_46 = arith.constant 0 : i32
    %dma_start3A_47 = tpu.memref_slice %arg9[%dma_start3A_44, %dma_start3A_45, %dma_start3A_46] : memref<2x16x256xi32, #tpu.memory_space<vmem>> -> memref<1x16x256xi32, #tpu.memory_space<vmem>>
    %dma_start3A_48 = tpu.memref_squeeze %dma_start3A_47 : memref<1x16x256xi32, #tpu.memory_space<vmem>> -> memref<16x256xi32, #tpu.memory_space<vmem>>
    %dma_start3A_49 = arith.constant 0 : i32
    %dma_start3A_50 = arith.constant 0 : i32
    %dma_start3A_51 = tpu.memref_slice %arg4[%arg0, %dma_start3A_43, %dma_start3A_49, %dma_start3A_50] : memref<2x20x16x256xi32, #tpu.memory_space<hbm>> -> memref<1x1x16x256xi32, #tpu.memory_space<hbm>>
    %dma_start3A_52 = tpu.memref_squeeze %dma_start3A_51 : memref<1x1x16x256xi32, #tpu.memory_space<hbm>> -> memref<16x256xi32, #tpu.memory_space<hbm>>
    %dma_start3A_53 = arith.constant 0 : i32
    %dma_start3A_54 = arith.constant 0 : i32
    %dma_start3A_55 = tpu.memref_slice %arg9[%dma_start3A_44, %dma_start3A_53, %dma_start3A_54] : memref<2x16x256xi32, #tpu.memory_space<vmem>> -> memref<1x16x256xi32, #tpu.memory_space<vmem>>
    %dma_start3A_56 = tpu.memref_squeeze %dma_start3A_55 : memref<1x16x256xi32, #tpu.memory_space<vmem>> -> memref<16x256xi32, #tpu.memory_space<vmem>>
    %dma_start3A_57 = arith.constant 0 : i32
    %dma_start3A_58 = arith.constant 0 : i32
    %dma_start3A_59 = tpu.memref_slice %arg4[%arg0, %dma_start3A_43, %dma_start3A_57, %dma_start3A_58] : memref<2x20x16x256xi32, #tpu.memory_space<hbm>> -> memref<1x1x16x256xi32, #tpu.memory_space<hbm>>
    %dma_start3A_60 = tpu.memref_squeeze %dma_start3A_59 : memref<1x1x16x256xi32, #tpu.memory_space<hbm>> -> memref<16x256xi32, #tpu.memory_space<hbm>>
    tpu.enqueue_dma source(%dma_start3A_60 : memref<16x256xi32, #tpu.memory_space<hbm>>) target(%dma_start3A_56 : memref<16x256xi32, #tpu.memory_space<vmem>>) target_semaphore(%arg13 : memref<!tpu.dma_semaphore, #tpu.memory_space<semaphore_mem>>)
    %dma_start3A_61 = arith.constant 1 : i32
    %dma_start3A_62 = arith.constant 1 : i32
    %dma_start3A_63 = arith.constant 0 : i32
    %dma_start3A_64 = arith.constant 0 : i32
    %dma_start3A_65 = tpu.memref_slice %arg10[%dma_start3A_62, %dma_start3A_63, %dma_start3A_64] : memref<2x16x256xi32, #tpu.memory_space<vmem>> -> memref<1x16x256xi32, #tpu.memory_space<vmem>>
    %dma_start3A_66 = tpu.memref_squeeze %dma_start3A_65 : memref<1x16x256xi32, #tpu.memory_space<vmem>> -> memref<16x256xi32, #tpu.memory_space<vmem>>
    %dma_start3A_67 = arith.constant 0 : i32
    %dma_start3A_68 = arith.constant 0 : i32
    %dma_start3A_69 = tpu.memref_slice %arg5[%arg0, %dma_start3A_61, %dma_start3A_67, %dma_start3A_68] : memref<2x20x16x256xi32, #tpu.memory_space<hbm>> -> memref<1x1x16x256xi32, #tpu.memory_space<hbm>>
    %dma_start3A_70 = tpu.memref_squeeze %dma_start3A_69 : memref<1x1x16x256xi32, #tpu.memory_space<hbm>> -> memref<16x256xi32, #tpu.memory_space<hbm>>
    %dma_start3A_71 = arith.constant 0 : i32
    %dma_start3A_72 = arith.constant 0 : i32
    %dma_start3A_73 = tpu.memref_slice %arg10[%dma_start3A_62, %dma_start3A_71, %dma_start3A_72] : memref<2x16x256xi32, #tpu.memory_space<vmem>> -> memref<1x16x256xi32, #tpu.memory_space<vmem>>
    %dma_start3A_74 = tpu.memref_squeeze %dma_start3A_73 : memref<1x16x256xi32, #tpu.memory_space<vmem>> -> memref<16x256xi32, #tpu.memory_space<vmem>>
    %dma_start3A_75 = arith.constant 0 : i32
    %dma_start3A_76 = arith.constant 0 : i32
    %dma_start3A_77 = tpu.memref_slice %arg5[%arg0, %dma_start3A_61, %dma_start3A_75, %dma_start3A_76] : memref<2x20x16x256xi32, #tpu.memory_space<hbm>> -> memref<1x1x16x256xi32, #tpu.memory_space<hbm>>
    %dma_start3A_78 = tpu.memref_squeeze %dma_start3A_77 : memref<1x1x16x256xi32, #tpu.memory_space<hbm>> -> memref<16x256xi32, #tpu.memory_space<hbm>>
    tpu.enqueue_dma source(%dma_start3A_78 : memref<16x256xi32, #tpu.memory_space<hbm>>) target(%dma_start3A_74 : memref<16x256xi32, #tpu.memory_space<vmem>>) target_semaphore(%arg13 : memref<!tpu.dma_semaphore, #tpu.memory_space<semaphore_mem>>)
    %scan3A = arith.constant 0 : i32
    %scan3A_79 = arith.constant 0 : i32
    %scan3A_80 = arith.constant 10 : i32
    %scan3A_81 = arith.addi %scan3A_79, %scan3A_80 : i32
    %scan3A_82 = arith.constant 1 : i32
    scf.for %scan3A_112 = %scan3A_79 to %scan3A_81 step %scan3A_82  : i32 {
      %mul3A_113 = arith.constant 2 : i32
      %mul3A_114 = arith.muli %mul3A_113, %scan3A_112 : i32
      %add3A_115 = arith.constant 0 : i32
      %add3A_116 = arith.addi %mul3A_114, %add3A_115 : i32
      %dma_wait3A_117 = arith.constant 0 : i32
      %dma_wait3A_118 = arith.constant 0 : i32
      %dma_wait3A_119 = arith.constant 0 : i32
      %dma_wait3A_120 = tpu.memref_slice %arg9[%dma_wait3A_117, %dma_wait3A_118, %dma_wait3A_119] : memref<2x16x256xi32, #tpu.memory_space<vmem>> -> memref<1x16x256xi32, #tpu.memory_space<vmem>>
      %dma_wait3A_121 = tpu.memref_squeeze %dma_wait3A_120 : memref<1x16x256xi32, #tpu.memory_space<vmem>> -> memref<16x256xi32, #tpu.memory_space<vmem>>
      %dma_wait3A_122 = arith.constant 0 : i32
      %dma_wait3A_123 = arith.constant 0 : i32
      %dma_wait3A_124 = tpu.memref_slice %arg4[%arg0, %add3A_116, %dma_wait3A_122, %dma_wait3A_123] : memref<2x20x16x256xi32, #tpu.memory_space<hbm>> -> memref<1x1x16x256xi32, #tpu.memory_space<hbm>>
      %dma_wait3A_125 = tpu.memref_squeeze %dma_wait3A_124 : memref<1x1x16x256xi32, #tpu.memory_space<hbm>> -> memref<16x256xi32, #tpu.memory_space<hbm>>
      %dma_wait3A_126 = arith.constant 0 : i32
      %dma_wait3A_127 = arith.constant 0 : i32
      %dma_wait3A_128 = tpu.memref_slice %arg9[%dma_wait3A_117, %dma_wait3A_126, %dma_wait3A_127] : memref<2x16x256xi32, #tpu.memory_space<vmem>> -> memref<1x16x256xi32, #tpu.memory_space<vmem>>
      %dma_wait3A_129 = tpu.memref_squeeze %dma_wait3A_128 : memref<1x16x256xi32, #tpu.memory_space<vmem>> -> memref<16x256xi32, #tpu.memory_space<vmem>>
      %dma_wait3A_130 = arith.constant 0 : i32
      %dma_wait3A_131 = arith.constant 0 : i32
      %dma_wait3A_132 = tpu.memref_slice %arg4[%arg0, %add3A_116, %dma_wait3A_130, %dma_wait3A_131] : memref<2x20x16x256xi32, #tpu.memory_space<hbm>> -> memref<1x1x16x256xi32, #tpu.memory_space<hbm>>
      %dma_wait3A_133 = tpu.memref_squeeze %dma_wait3A_132 : memref<1x1x16x256xi32, #tpu.memory_space<hbm>> -> memref<16x256xi32, #tpu.memory_space<hbm>>
      tpu.wait_dma2 semaphore(%arg12 : memref<!tpu.dma_semaphore, #tpu.memory_space<semaphore_mem>>) src(%dma_wait3A_133 : memref<16x256xi32, #tpu.memory_space<hbm>>) dst(%dma_wait3A_129 : memref<16x256xi32, #tpu.memory_space<vmem>>)
      %dma_wait3A_134 = arith.constant 0 : i32
      %dma_wait3A_135 = arith.constant 0 : i32
      %dma_wait3A_136 = arith.constant 0 : i32
      %dma_wait3A_137 = tpu.memref_slice %arg10[%dma_wait3A_134, %dma_wait3A_135, %dma_wait3A_136] : memref<2x16x256xi32, #tpu.memory_space<vmem>> -> memref<1x16x256xi32, #tpu.memory_space<vmem>>
      %dma_wait3A_138 = tpu.memref_squeeze %dma_wait3A_137 : memref<1x16x256xi32, #tpu.memory_space<vmem>> -> memref<16x256xi32, #tpu.memory_space<vmem>>
      %dma_wait3A_139 = arith.constant 0 : i32
      %dma_wait3A_140 = arith.constant 0 : i32
      %dma_wait3A_141 = tpu.memref_slice %arg5[%arg0, %add3A_116, %dma_wait3A_139, %dma_wait3A_140] : memref<2x20x16x256xi32, #tpu.memory_space<hbm>> -> memref<1x1x16x256xi32, #tpu.memory_space<hbm>>
      %dma_wait3A_142 = tpu.memref_squeeze %dma_wait3A_141 : memref<1x1x16x256xi32, #tpu.memory_space<hbm>> -> memref<16x256xi32, #tpu.memory_space<hbm>>
      %dma_wait3A_143 = arith.constant 0 : i32
      %dma_wait3A_144 = arith.constant 0 : i32
      %dma_wait3A_145 = tpu.memref_slice %arg10[%dma_wait3A_134, %dma_wait3A_143, %dma_wait3A_144] : memref<2x16x256xi32, #tpu.memory_space<vmem>> -> memref<1x16x256xi32, #tpu.memory_space<vmem>>
      %dma_wait3A_146 = tpu.memref_squeeze %dma_wait3A_145 : memref<1x16x256xi32, #tpu.memory_space<vmem>> -> memref<16x256xi32, #tpu.memory_space<vmem>>
      %dma_wait3A_147 = arith.constant 0 : i32
      %dma_wait3A_148 = arith.constant 0 : i32
      %dma_wait3A_149 = tpu.memref_slice %arg5[%arg0, %add3A_116, %dma_wait3A_147, %dma_wait3A_148] : memref<2x20x16x256xi32, #tpu.memory_space<hbm>> -> memref<1x1x16x256xi32, #tpu.memory_space<hbm>>
      %dma_wait3A_150 = tpu.memref_squeeze %dma_wait3A_149 : memref<1x1x16x256xi32, #tpu.memory_space<hbm>> -> memref<16x256xi32, #tpu.memory_space<hbm>>
      tpu.wait_dma2 semaphore(%arg12 : memref<!tpu.dma_semaphore, #tpu.memory_space<semaphore_mem>>) src(%dma_wait3A_150 : memref<16x256xi32, #tpu.memory_space<hbm>>) dst(%dma_wait3A_146 : memref<16x256xi32, #tpu.memory_space<vmem>>)
      %gt3A = arith.constant 0 : i32
      %gt3A_151 = arith.cmpi sgt, %scan3A_112, %gt3A : i32
      %convert_element_type3A = arith.extui %gt3A_151 : i1 to i32
      %cond3A = arith.constant 0 : i32
      %cond3A_152 = arith.cmpi ne, %convert_element_type3A, %cond3A : i32
      scf.if %cond3A_152 {
        %sub3A = arith.constant 2 : i32
        %sub3A_249 = arith.subi %add3A_116, %sub3A : i32
        %mul3A_250 = arith.constant 5120 : i32
        %mul3A_251 = arith.muli %arg0, %mul3A_250 : i32
        %mul3A_252 = arith.constant 256 : i32
        %mul3A_253 = arith.muli %sub3A_249, %mul3A_252 : i32
        %add3A_254 = arith.addi %mul3A_251, %mul3A_253 : i32
        %dma_wait3A_255 = arith.constant 0 : i32
        %dma_wait3A_256 = arith.constant 0 : i32
        %dma_wait3A_257 = arith.constant 0 : i32
        %dma_wait3A_258 = tpu.memref_slice %arg11[%dma_wait3A_255, %dma_wait3A_256, %dma_wait3A_257] : memref<2x4x256xi32, #tpu.memory_space<vmem>> -> memref<1x4x256xi32, #tpu.memory_space<vmem>>
        %dma_wait3A_259 = tpu.memref_squeeze %dma_wait3A_258 : memref<1x4x256xi32, #tpu.memory_space<vmem>> -> memref<4x256xi32, #tpu.memory_space<vmem>>
        %dma_wait3A_260 = tpu.memref_slice %arg6[%mul3A_0, %add3A_254] : memref<64x10240xi32, #tpu.memory_space<hbm>> -> memref<4x256xi32, #tpu.memory_space<hbm>>
        %dma_wait3A_261 = tpu.memref_slice %arg6[%mul3A_0, %add3A_254] : memref<64x10240xi32, #tpu.memory_space<hbm>> -> memref<4x256xi32, #tpu.memory_space<hbm>>
        %dma_wait3A_262 = arith.constant 0 : i32
        %dma_wait3A_263 = arith.constant 0 : i32
        %dma_wait3A_264 = tpu.memref_slice %arg11[%dma_wait3A_255, %dma_wait3A_262, %dma_wait3A_263] : memref<2x4x256xi32, #tpu.memory_space<vmem>> -> memref<1x4x256xi32, #tpu.memory_space<vmem>>
        %dma_wait3A_265 = tpu.memref_squeeze %dma_wait3A_264 : memref<1x4x256xi32, #tpu.memory_space<vmem>> -> memref<4x256xi32, #tpu.memory_space<vmem>>
        tpu.wait_dma2 semaphore(%arg14 : memref<!tpu.dma_semaphore, #tpu.memory_space<semaphore_mem>>) src(%dma_wait3A_265 : memref<4x256xi32, #tpu.memory_space<vmem>>) dst(%dma_wait3A_261 : memref<4x256xi32, #tpu.memory_space<hbm>>)
      } else {
      }
      %scan3A_153 = arith.constant 0 : i32
      %scan3A_154 = arith.constant 0 : i32
      %scan3A_155 = arith.constant 16 : i32
      %scan3A_156 = arith.addi %scan3A_154, %scan3A_155 : i32
      %scan3A_157 = arith.constant 1 : i32
      scf.for %scan3A_249 = %scan3A_154 to %scan3A_156 step %scan3A_157  : i32 {
        %mul3A_250 = arith.constant 16 : i32
        %mul3A_251 = arith.muli %scan3A_249, %mul3A_250 : i32
        %get3A = arith.constant 0 : i32
        %get3A_252 = arith.constant 0 : i32
        %get3A_253 = arith.index_cast %get3A : i32 to index
        %get3A_254 = arith.index_cast %get3A_252 : i32 to index
        %get3A_255 = arith.index_cast %mul3A_251 : i32 to index
        %get3A_256 = tpu.vector_load %arg9[%get3A_253, %get3A_254, %get3A_255] {strides = array<i32>} : memref<2x16x256xi32, #tpu.memory_space<vmem>>, vector<16xi32>,
        %get3A_257 = arith.constant 0 : i32
        %get3A_258 = arith.constant 0 : i32
        %get3A_259 = arith.index_cast %get3A_257 : i32 to index
        %get3A_260 = arith.index_cast %get3A_258 : i32 to index
        %get3A_261 = arith.index_cast %mul3A_251 : i32 to index
        %get3A_262 = tpu.vector_load %arg10[%get3A_259, %get3A_260, %get3A_261] {strides = array<i32>} : memref<2x16x256xi32, #tpu.memory_space<vmem>>, vector<16xi32>,
        %gather3A = tpu.vector_load_idx %arg7[%broadcast_in_dim3A_1, %get3A_256] : memref<4x10240xi32, #tpu.memory_space<vmem>>[vector<16xi32>, vector<16xi32>], vector<16xi32>,
        %bitcast3A = vector.bitcast %gather3A : vector<16xi32> to vector<32xbf16>
        %gather3A_263 = tpu.vector_load_idx %arg8[%broadcast_in_dim3A_1, %get3A_262] : memref<4x10240xi32, #tpu.memory_space<vmem>>[vector<16xi32>, vector<16xi32>], vector<16xi32>,
        %bitcast3A_264 = vector.bitcast %gather3A_263 : vector<16xi32> to vector<32xbf16>
        %add3A_265 = arith.addf %bitcast3A, %bitcast3A_264 : vector<32xbf16>
        %gather3A_266 = tpu.vector_load_idx %arg7[%broadcast_in_dim3A_3, %get3A_256] : memref<4x10240xi32, #tpu.memory_space<vmem>>[vector<16xi32>, vector<16xi32>], vector<16xi32>,
        %bitcast3A_267 = vector.bitcast %gather3A_266 : vector<16xi32> to vector<32xbf16>
        %gather3A_268 = tpu.vector_load_idx %arg8[%broadcast_in_dim3A_3, %get3A_262] : memref<4x10240xi32, #tpu.memory_space<vmem>>[vector<16xi32>, vector<16xi32>], vector<16xi32>,
        %bitcast3A_269 = vector.bitcast %gather3A_268 : vector<16xi32> to vector<32xbf16>
        %add3A_270 = arith.addf %bitcast3A_267, %bitcast3A_269 : vector<32xbf16>
        %gather3A_271 = tpu.vector_load_idx %arg7[%broadcast_in_dim3A_5, %get3A_256] : memref<4x10240xi32, #tpu.memory_space<vmem>>[vector<16xi32>, vector<16xi32>], vector<16xi32>,
        %bitcast3A_272 = vector.bitcast %gather3A_271 : vector<16xi32> to vector<32xbf16>
        %gather3A_273 = tpu.vector_load_idx %arg8[%broadcast_in_dim3A_5, %get3A_262] : memref<4x10240xi32, #tpu.memory_space<vmem>>[vector<16xi32>, vector<16xi32>], vector<16xi32>,
        %bitcast3A_274 = vector.bitcast %gather3A_273 : vector<16xi32> to vector<32xbf16>
        %add3A_275 = arith.addf %bitcast3A_272, %bitcast3A_274 : vector<32xbf16>
        %gather3A_276 = tpu.vector_load_idx %arg7[%broadcast_in_dim3A_7, %get3A_256] : memref<4x10240xi32, #tpu.memory_space<vmem>>[vector<16xi32>, vector<16xi32>], vector<16xi32>,
        %bitcast3A_277 = vector.bitcast %gather3A_276 : vector<16xi32> to vector<32xbf16>
        %gather3A_278 = tpu.vector_load_idx %arg8[%broadcast_in_dim3A_7, %get3A_262] : memref<4x10240xi32, #tpu.memory_space<vmem>>[vector<16xi32>, vector<16xi32>], vector<16xi32>,
        %bitcast3A_279 = vector.bitcast %gather3A_278 : vector<16xi32> to vector<32xbf16>
        %add3A_280 = arith.addf %bitcast3A_277, %bitcast3A_279 : vector<32xbf16>
        %get3A_281 = arith.constant 0 : i32
        %get3A_282 = arith.constant 1 : i32
        %get3A_283 = arith.index_cast %get3A_281 : i32 to index
        %get3A_284 = arith.index_cast %get3A_282 : i32 to index
        %get3A_285 = arith.index_cast %mul3A_251 : i32 to index
        %get3A_286 = tpu.vector_load %arg9[%get3A_283, %get3A_284, %get3A_285] {strides = array<i32>} : memref<2x16x256xi32, #tpu.memory_space<vmem>>, vector<16xi32>,
        %get3A_287 = arith.constant 0 : i32
        %get3A_288 = arith.constant 1 : i32
        %get3A_289 = arith.index_cast %get3A_287 : i32 to index
        %get3A_290 = arith.index_cast %get3A_288 : i32 to index
        %get3A_291 = arith.index_cast %mul3A_251 : i32 to index
        %get3A_292 = tpu.vector_load %arg10[%get3A_289, %get3A_290, %get3A_291] {strides = array<i32>} : memref<2x16x256xi32, #tpu.memory_space<vmem>>, vector<16xi32>,
        %gather3A_293 = tpu.vector_load_idx %arg7[%broadcast_in_dim3A_1, %get3A_286] : memref<4x10240xi32, #tpu.memory_space<vmem>>[vector<16xi32>, vector<16xi32>], vector<16xi32>,
        %bitcast3A_294 = vector.bitcast %gather3A_293 : vector<16xi32> to vector<32xbf16>
        %gather3A_295 = tpu.vector_load_idx %arg8[%broadcast_in_dim3A_1, %get3A_292] : memref<4x10240xi32, #tpu.memory_space<vmem>>[vector<16xi32>, vector<16xi32>], vector<16xi32>,
        %bitcast3A_296 = vector.bitcast %gather3A_295 : vector<16xi32> to vector<32xbf16>
        %add3A_297 = arith.addf %bitcast3A_294, %bitcast3A_296 : vector<32xbf16>
        %max3A = arith.maximumf %add3A_265, %add3A_297 : vector<32xbf16>
        %gather3A_298 = tpu.vector_load_idx %arg7[%broadcast_in_dim3A_3, %get3A_286] : memref<4x10240xi32, #tpu.memory_space<vmem>>[vector<16xi32>, vector<16xi32>], vector<16xi32>,
        %bitcast3A_299 = vector.bitcast %gather3A_298 : vector<16xi32> to vector<32xbf16>
        %gather3A_300 = tpu.vector_load_idx %arg8[%broadcast_in_dim3A_3, %get3A_292] : memref<4x10240xi32, #tpu.memory_space<vmem>>[vector<16xi32>, vector<16xi32>], vector<16xi32>,
        %bitcast3A_301 = vector.bitcast %gather3A_300 : vector<16xi32> to vector<32xbf16>
        %add3A_302 = arith.addf %bitcast3A_299, %bitcast3A_301 : vector<32xbf16>
        %max3A_303 = arith.maximumf %add3A_270, %add3A_302 : vector<32xbf16>
        %gather3A_304 = tpu.vector_load_idx %arg7[%broadcast_in_dim3A_5, %get3A_286] : memref<4x10240xi32, #tpu.memory_space<vmem>>[vector<16xi32>, vector<16xi32>], vector<16xi32>,
        %bitcast3A_305 = vector.bitcast %gather3A_304 : vector<16xi32> to vector<32xbf16>
        %gather3A_306 = tpu.vector_load_idx %arg8[%broadcast_in_dim3A_5, %get3A_292] : memref<4x10240xi32, #tpu.memory_space<vmem>>[vector<16xi32>, vector<16xi32>], vector<16xi32>,
        %bitcast3A_307 = vector.bitcast %gather3A_306 : vector<16xi32> to vector<32xbf16>
        %add3A_308 = arith.addf %bitcast3A_305, %bitcast3A_307 : vector<32xbf16>
        %max3A_309 = arith.maximumf %add3A_275, %add3A_308 : vector<32xbf16>
        %gather3A_310 = tpu.vector_load_idx %arg7[%broadcast_in_dim3A_7, %get3A_286] : memref<4x10240xi32, #tpu.memory_space<vmem>>[vector<16xi32>, vector<16xi32>], vector<16xi32>,
        %bitcast3A_311 = vector.bitcast %gather3A_310 : vector<16xi32> to vector<32xbf16>
        %gather3A_312 = tpu.vector_load_idx %arg8[%broadcast_in_dim3A_7, %get3A_292] : memref<4x10240xi32, #tpu.memory_space<vmem>>[vector<16xi32>, vector<16xi32>], vector<16xi32>,
        %bitcast3A_313 = vector.bitcast %gather3A_312 : vector<16xi32> to vector<32xbf16>
        %add3A_314 = arith.addf %bitcast3A_311, %bitcast3A_313 : vector<32xbf16>
        %max3A_315 = arith.maximumf %add3A_280, %add3A_314 : vector<32xbf16>
        %get3A_316 = arith.constant 0 : i32
        %get3A_317 = arith.constant 2 : i32
        %get3A_318 = arith.index_cast %get3A_316 : i32 to index
        %get3A_319 = arith.index_cast %get3A_317 : i32 to index
        %get3A_320 = arith.index_cast %mul3A_251 : i32 to index
        %get3A_321 = tpu.vector_load %arg9[%get3A_318, %get3A_319, %get3A_320] {strides = array<i32>} : memref<2x16x256xi32, #tpu.memory_space<vmem>>, vector<16xi32>,
        %get3A_322 = arith.constant 0 : i32
        %get3A_323 = arith.constant 2 : i32
        %get3A_324 = arith.index_cast %get3A_322 : i32 to index
        %get3A_325 = arith.index_cast %get3A_323 : i32 to index
        %get3A_326 = arith.index_cast %mul3A_251 : i32 to index
        %get3A_327 = tpu.vector_load %arg10[%get3A_324, %get3A_325, %get3A_326] {strides = array<i32>} : memref<2x16x256xi32, #tpu.memory_space<vmem>>, vector<16xi32>,
        %gather3A_328 = tpu.vector_load_idx %arg7[%broadcast_in_dim3A_1, %get3A_321] : memref<4x10240xi32, #tpu.memory_space<vmem>>[vector<16xi32>, vector<16xi32>], vector<16xi32>,
        %bitcast3A_329 = vector.bitcast %gather3A_328 : vector<16xi32> to vector<32xbf16>
        %gather3A_330 = tpu.vector_load_idx %arg8[%broadcast_in_dim3A_1, %get3A_327] : memref<4x10240xi32, #tpu.memory_space<vmem>>[vector<16xi32>, vector<16xi32>], vector<16xi32>,
        %bitcast3A_331 = vector.bitcast %gather3A_330 : vector<16xi32> to vector<32xbf16>
        %add3A_332 = arith.addf %bitcast3A_329, %bitcast3A_331 : vector<32xbf16>
        %max3A_333 = arith.maximumf %max3A, %add3A_332 : vector<32xbf16>
        %gather3A_334 = tpu.vector_load_idx %arg7[%broadcast_in_dim3A_3, %get3A_321] : memref<4x10240xi32, #tpu.memory_space<vmem>>[vector<16xi32>, vector<16xi32>], vector<16xi32>,
        %bitcast3A_335 = vector.bitcast %gather3A_334 : vector<16xi32> to vector<32xbf16>
        %gather3A_336 = tpu.vector_load_idx %arg8[%broadcast_in_dim3A_3, %get3A_327] : memref<4x10240xi32, #tpu.memory_space<vmem>>[vector<16xi32>, vector<16xi32>], vector<16xi32>,
        %bitcast3A_337 = vector.bitcast %gather3A_336 : vector<16xi32> to vector<32xbf16>
        %add3A_338 = arith.addf %bitcast3A_335, %bitcast3A_337 : vector<32xbf16>
        %max3A_339 = arith.maximumf %max3A_303, %add3A_338 : vector<32xbf16>
        %gather3A_340 = tpu.vector_load_idx %arg7[%broadcast_in_dim3A_5, %get3A_321] : memref<4x10240xi32, #tpu.memory_space<vmem>>[vector<16xi32>, vector<16xi32>], vector<16xi32>,
        %bitcast3A_341 = vector.bitcast %gather3A_340 : vector<16xi32> to vector<32xbf16>
        %gather3A_342 = tpu.vector_load_idx %arg8[%broadcast_in_dim3A_5, %get3A_327] : memref<4x10240xi32, #tpu.memory_space<vmem>>[vector<16xi32>, vector<16xi32>], vector<16xi32>,
        %bitcast3A_343 = vector.bitcast %gather3A_342 : vector<16xi32> to vector<32xbf16>
        %add3A_344 = arith.addf %bitcast3A_341, %bitcast3A_343 : vector<32xbf16>
        %max3A_345 = arith.maximumf %max3A_309, %add3A_344 : vector<32xbf16>
        %gather3A_346 = tpu.vector_load_idx %arg7[%broadcast_in_dim3A_7, %get3A_321] : memref<4x10240xi32, #tpu.memory_space<vmem>>[vector<16xi32>, vector<16xi32>], vector<16xi32>,
        %bitcast3A_347 = vector.bitcast %gather3A_346 : vector<16xi32> to vector<32xbf16>
        %gather3A_348 = tpu.vector_load_idx %arg8[%broadcast_in_dim3A_7, %get3A_327] : memref<4x10240xi32, #tpu.memory_space<vmem>>[vector<16xi32>, vector<16xi32>], vector<16xi32>,
        %bitcast3A_349 = vector.bitcast %gather3A_348 : vector<16xi32> to vector<32xbf16>
        %add3A_350 = arith.addf %bitcast3A_347, %bitcast3A_349 : vector<32xbf16>
        %max3A_351 = arith.maximumf %max3A_315, %add3A_350 : vector<32xbf16>
        %get3A_352 = arith.constant 0 : i32
        %get3A_353 = arith.constant 3 : i32
        %get3A_354 = arith.index_cast %get3A_352 : i32 to index
        %get3A_355 = arith.index_cast %get3A_353 : i32 to index
        %get3A_356 = arith.index_cast %mul3A_251 : i32 to index
        %get3A_357 = tpu.vector_load %arg9[%get3A_354, %get3A_355, %get3A_356] {strides = array<i32>} : memref<2x16x256xi32, #tpu.memory_space<vmem>>, vector<16xi32>,
        %get3A_358 = arith.constant 0 : i32
        %get3A_359 = arith.constant 3 : i32
        %get3A_360 = arith.index_cast %get3A_358 : i32 to index
        %get3A_361 = arith.index_cast %get3A_359 : i32 to index
        %get3A_362 = arith.index_cast %mul3A_251 : i32 to index
        %get3A_363 = tpu.vector_load %arg10[%get3A_360, %get3A_361, %get3A_362] {strides = array<i32>} : memref<2x16x256xi32, #tpu.memory_space<vmem>>, vector<16xi32>,
        %gather3A_364 = tpu.vector_load_idx %arg7[%broadcast_in_dim3A_1, %get3A_357] : memref<4x10240xi32, #tpu.memory_space<vmem>>[vector<16xi32>, vector<16xi32>], vector<16xi32>,
        %bitcast3A_365 = vector.bitcast %gather3A_364 : vector<16xi32> to vector<32xbf16>
        %gather3A_366 = tpu.vector_load_idx %arg8[%broadcast_in_dim3A_1, %get3A_363] : memref<4x10240xi32, #tpu.memory_space<vmem>>[vector<16xi32>, vector<16xi32>], vector<16xi32>,
        %bitcast3A_367 = vector.bitcast %gather3A_366 : vector<16xi32> to vector<32xbf16>
        %add3A_368 = arith.addf %bitcast3A_365, %bitcast3A_367 : vector<32xbf16>
        %max3A_369 = arith.maximumf %max3A_333, %add3A_368 : vector<32xbf16>
        %gather3A_370 = tpu.vector_load_idx %arg7[%broadcast_in_dim3A_3, %get3A_357] : memref<4x10240xi32, #tpu.memory_space<vmem>>[vector<16xi32>, vector<16xi32>], vector<16xi32>,
        %bitcast3A_371 = vector.bitcast %gather3A_370 : vector<16xi32> to vector<32xbf16>
        %gather3A_372 = tpu.vector_load_idx %arg8[%broadcast_in_dim3A_3, %get3A_363] : memref<4x10240xi32, #tpu.memory_space<vmem>>[vector<16xi32>, vector<16xi32>], vector<16xi32>,
        %bitcast3A_373 = vector.bitcast %gather3A_372 : vector<16xi32> to vector<32xbf16>
        %add3A_374 = arith.addf %bitcast3A_371, %bitcast3A_373 : vector<32xbf16>
        %max3A_375 = arith.maximumf %max3A_339, %add3A_374 : vector<32xbf16>
        %gather3A_376 = tpu.vector_load_idx %arg7[%broadcast_in_dim3A_5, %get3A_357] : memref<4x10240xi32, #tpu.memory_space<vmem>>[vector<16xi32>, vector<16xi32>], vector<16xi32>,
        %bitcast3A_377 = vector.bitcast %gather3A_376 : vector<16xi32> to vector<32xbf16>
        %gather3A_378 = tpu.vector_load_idx %arg8[%broadcast_in_dim3A_5, %get3A_363] : memref<4x10240xi32, #tpu.memory_space<vmem>>[vector<16xi32>, vector<16xi32>], vector<16xi32>,
        %bitcast3A_379 = vector.bitcast %gather3A_378 : vector<16xi32> to vector<32xbf16>
        %add3A_380 = arith.addf %bitcast3A_377, %bitcast3A_379 : vector<32xbf16>
        %max3A_381 = arith.maximumf %max3A_345, %add3A_380 : vector<32xbf16>
        %gather3A_382 = tpu.vector_load_idx %arg7[%broadcast_in_dim3A_7, %get3A_357] : memref<4x10240xi32, #tpu.memory_space<vmem>>[vector<16xi32>, vector<16xi32>], vector<16xi32>,
        %bitcast3A_383 = vector.bitcast %gather3A_382 : vector<16xi32> to vector<32xbf16>
        %gather3A_384 = tpu.vector_load_idx %arg8[%broadcast_in_dim3A_7, %get3A_363] : memref<4x10240xi32, #tpu.memory_space<vmem>>[vector<16xi32>, vector<16xi32>], vector<16xi32>,
        %bitcast3A_385 = vector.bitcast %gather3A_384 : vector<16xi32> to vector<32xbf16>
        %add3A_386 = arith.addf %bitcast3A_383, %bitcast3A_385 : vector<32xbf16>
        %max3A_387 = arith.maximumf %max3A_351, %add3A_386 : vector<32xbf16>
        %get3A_388 = arith.constant 0 : i32
        %get3A_389 = arith.constant 4 : i32
        %get3A_390 = arith.index_cast %get3A_388 : i32 to index
        %get3A_391 = arith.index_cast %get3A_389 : i32 to index
        %get3A_392 = arith.index_cast %mul3A_251 : i32 to index
        %get3A_393 = tpu.vector_load %arg9[%get3A_390, %get3A_391, %get3A_392] {strides = array<i32>} : memref<2x16x256xi32, #tpu.memory_space<vmem>>, vector<16xi32>,
        %get3A_394 = arith.constant 0 : i32
        %get3A_395 = arith.constant 4 : i32
        %get3A_396 = arith.index_cast %get3A_394 : i32 to index
        %get3A_397 = arith.index_cast %get3A_395 : i32 to index
        %get3A_398 = arith.index_cast %mul3A_251 : i32 to index
        %get3A_399 = tpu.vector_load %arg10[%get3A_396, %get3A_397, %get3A_398] {strides = array<i32>} : memref<2x16x256xi32, #tpu.memory_space<vmem>>, vector<16xi32>,
        %gather3A_400 = tpu.vector_load_idx %arg7[%broadcast_in_dim3A_1, %get3A_393] : memref<4x10240xi32, #tpu.memory_space<vmem>>[vector<16xi32>, vector<16xi32>], vector<16xi32>,
        %bitcast3A_401 = vector.bitcast %gather3A_400 : vector<16xi32> to vector<32xbf16>
        %gather3A_402 = tpu.vector_load_idx %arg8[%broadcast_in_dim3A_1, %get3A_399] : memref<4x10240xi32, #tpu.memory_space<vmem>>[vector<16xi32>, vector<16xi32>], vector<16xi32>,
        %bitcast3A_403 = vector.bitcast %gather3A_402 : vector<16xi32> to vector<32xbf16>
        %add3A_404 = arith.addf %bitcast3A_401, %bitcast3A_403 : vector<32xbf16>
        %max3A_405 = arith.maximumf %max3A_369, %add3A_404 : vector<32xbf16>
        %gather3A_406 = tpu.vector_load_idx %arg7[%broadcast_in_dim3A_3, %get3A_393] : memref<4x10240xi32, #tpu.memory_space<vmem>>[vector<16xi32>, vector<16xi32>], vector<16xi32>,
        %bitcast3A_407 = vector.bitcast %gather3A_406 : vector<16xi32> to vector<32xbf16>
        %gather3A_408 = tpu.vector_load_idx %arg8[%broadcast_in_dim3A_3, %get3A_399] : memref<4x10240xi32, #tpu.memory_space<vmem>>[vector<16xi32>, vector<16xi32>], vector<16xi32>,
        %bitcast3A_409 = vector.bitcast %gather3A_408 : vector<16xi32> to vector<32xbf16>
        %add3A_410 = arith.addf %bitcast3A_407, %bitcast3A_409 : vector<32xbf16>
        %max3A_411 = arith.maximumf %max3A_375, %add3A_410 : vector<32xbf16>
        %gather3A_412 = tpu.vector_load_idx %arg7[%broadcast_in_dim3A_5, %get3A_393] : memref<4x10240xi32, #tpu.memory_space<vmem>>[vector<16xi32>, vector<16xi32>], vector<16xi32>,
        %bitcast3A_413 = vector.bitcast %gather3A_412 : vector<16xi32> to vector<32xbf16>
        %gather3A_414 = tpu.vector_load_idx %arg8[%broadcast_in_dim3A_5, %get3A_399] : memref<4x10240xi32, #tpu.memory_space<vmem>>[vector<16xi32>, vector<16xi32>], vector<16xi32>,
        %bitcast3A_415 = vector.bitcast %gather3A_414 : vector<16xi32> to vector<32xbf16>
        %add3A_416 = arith.addf %bitcast3A_413, %bitcast3A_415 : vector<32xbf16>
        %max3A_417 = arith.maximumf %max3A_381, %add3A_416 : vector<32xbf16>
        %gather3A_418 = tpu.vector_load_idx %arg7[%broadcast_in_dim3A_7, %get3A_393] : memref<4x10240xi32, #tpu.memory_space<vmem>>[vector<16xi32>, vector<16xi32>], vector<16xi32>,
        %bitcast3A_419 = vector.bitcast %gather3A_418 : vector<16xi32> to vector<32xbf16>
        %gather3A_420 = tpu.vector_load_idx %arg8[%broadcast_in_dim3A_7, %get3A_399] : memref<4x10240xi32, #tpu.memory_space<vmem>>[vector<16xi32>, vector<16xi32>], vector<16xi32>,
        %bitcast3A_421 = vector.bitcast %gather3A_420 : vector<16xi32> to vector<32xbf16>
        %add3A_422 = arith.addf %bitcast3A_419, %bitcast3A_421 : vector<32xbf16>
        %max3A_423 = arith.maximumf %max3A_387, %add3A_422 : vector<32xbf16>
        %get3A_424 = arith.constant 0 : i32
        %get3A_425 = arith.constant 5 : i32
        %get3A_426 = arith.index_cast %get3A_424 : i32 to index
        %get3A_427 = arith.index_cast %get3A_425 : i32 to index
        %get3A_428 = arith.index_cast %mul3A_251 : i32 to index
        %get3A_429 = tpu.vector_load %arg9[%get3A_426, %get3A_427, %get3A_428] {strides = array<i32>} : memref<2x16x256xi32, #tpu.memory_space<vmem>>, vector<16xi32>,
        %get3A_430 = arith.constant 0 : i32
        %get3A_431 = arith.constant 5 : i32
        %get3A_432 = arith.index_cast %get3A_430 : i32 to index
        %get3A_433 = arith.index_cast %get3A_431 : i32 to index
        %get3A_434 = arith.index_cast %mul3A_251 : i32 to index
        %get3A_435 = tpu.vector_load %arg10[%get3A_432, %get3A_433, %get3A_434] {strides = array<i32>} : memref<2x16x256xi32, #tpu.memory_space<vmem>>, vector<16xi32>,
        %gather3A_436 = tpu.vector_load_idx %arg7[%broadcast_in_dim3A_1, %get3A_429] : memref<4x10240xi32, #tpu.memory_space<vmem>>[vector<16xi32>, vector<16xi32>], vector<16xi32>,
        %bitcast3A_437 = vector.bitcast %gather3A_436 : vector<16xi32> to vector<32xbf16>
        %gather3A_438 = tpu.vector_load_idx %arg8[%broadcast_in_dim3A_1, %get3A_435] : memref<4x10240xi32, #tpu.memory_space<vmem>>[vector<16xi32>, vector<16xi32>], vector<16xi32>,
        %bitcast3A_439 = vector.bitcast %gather3A_438 : vector<16xi32> to vector<32xbf16>
        %add3A_440 = arith.addf %bitcast3A_437, %bitcast3A_439 : vector<32xbf16>
        %max3A_441 = arith.maximumf %max3A_405, %add3A_440 : vector<32xbf16>
        %gather3A_442 = tpu.vector_load_idx %arg7[%broadcast_in_dim3A_3, %get3A_429] : memref<4x10240xi32, #tpu.memory_space<vmem>>[vector<16xi32>, vector<16xi32>], vector<16xi32>,
        %bitcast3A_443 = vector.bitcast %gather3A_442 : vector<16xi32> to vector<32xbf16>
        %gather3A_444 = tpu.vector_load_idx %arg8[%broadcast_in_dim3A_3, %get3A_435] : memref<4x10240xi32, #tpu.memory_space<vmem>>[vector<16xi32>, vector<16xi32>], vector<16xi32>,
        %bitcast3A_445 = vector.bitcast %gather3A_444 : vector<16xi32> to vector<32xbf16>
        %add3A_446 = arith.addf %bitcast3A_443, %bitcast3A_445 : vector<32xbf16>
        %max3A_447 = arith.maximumf %max3A_411, %add3A_446 : vector<32xbf16>
        %gather3A_448 = tpu.vector_load_idx %arg7[%broadcast_in_dim3A_5, %get3A_429] : memref<4x10240xi32, #tpu.memory_space<vmem>>[vector<16xi32>, vector<16xi32>], vector<16xi32>,
        %bitcast3A_449 = vector.bitcast %gather3A_448 : vector<16xi32> to vector<32xbf16>
        %gather3A_450 = tpu.vector_load_idx %arg8[%broadcast_in_dim3A_5, %get3A_435] : memref<4x10240xi32, #tpu.memory_space<vmem>>[vector<16xi32>, vector<16xi32>], vector<16xi32>,
        %bitcast3A_451 = vector.bitcast %gather3A_450 : vector<16xi32> to vector<32xbf16>
        %add3A_452 = arith.addf %bitcast3A_449, %bitcast3A_451 : vector<32xbf16>
        %max3A_453 = arith.maximumf %max3A_417, %add3A_452 : vector<32xbf16>
        %gather3A_454 = tpu.vector_load_idx %arg7[%broadcast_in_dim3A_7, %get3A_429] : memref<4x10240xi32, #tpu.memory_space<vmem>>[vector<16xi32>, vector<16xi32>], vector<16xi32>,
        %bitcast3A_455 = vector.bitcast %gather3A_454 : vector<16xi32> to vector<32xbf16>
        %gather3A_456 = tpu.vector_load_idx %arg8[%broadcast_in_dim3A_7, %get3A_435] : memref<4x10240xi32, #tpu.memory_space<vmem>>[vector<16xi32>, vector<16xi32>], vector<16xi32>,
        %bitcast3A_457 = vector.bitcast %gather3A_456 : vector<16xi32> to vector<32xbf16>
        %add3A_458 = arith.addf %bitcast3A_455, %bitcast3A_457 : vector<32xbf16>
        %max3A_459 = arith.maximumf %max3A_423, %add3A_458 : vector<32xbf16>
        %get3A_460 = arith.constant 0 : i32
        %get3A_461 = arith.constant 6 : i32
        %get3A_462 = arith.index_cast %get3A_460 : i32 to index
        %get3A_463 = arith.index_cast %get3A_461 : i32 to index
        %get3A_464 = arith.index_cast %mul3A_251 : i32 to index
        %get3A_465 = tpu.vector_load %arg9[%get3A_462, %get3A_463, %get3A_464] {strides = array<i32>} : memref<2x16x256xi32, #tpu.memory_space<vmem>>, vector<16xi32>,
        %get3A_466 = arith.constant 0 : i32
        %get3A_467 = arith.constant 6 : i32
        %get3A_468 = arith.index_cast %get3A_466 : i32 to index
        %get3A_469 = arith.index_cast %get3A_467 : i32 to index
        %get3A_470 = arith.index_cast %mul3A_251 : i32 to index
        %get3A_471 = tpu.vector_load %arg10[%get3A_468, %get3A_469, %get3A_470] {strides = array<i32>} : memref<2x16x256xi32, #tpu.memory_space<vmem>>, vector<16xi32>,
        %gather3A_472 = tpu.vector_load_idx %arg7[%broadcast_in_dim3A_1, %get3A_465] : memref<4x10240xi32, #tpu.memory_space<vmem>>[vector<16xi32>, vector<16xi32>], vector<16xi32>,
        %bitcast3A_473 = vector.bitcast %gather3A_472 : vector<16xi32> to vector<32xbf16>
        %gather3A_474 = tpu.vector_load_idx %arg8[%broadcast_in_dim3A_1, %get3A_471] : memref<4x10240xi32, #tpu.memory_space<vmem>>[vector<16xi32>, vector<16xi32>], vector<16xi32>,
        %bitcast3A_475 = vector.bitcast %gather3A_474 : vector<16xi32> to vector<32xbf16>
        %add3A_476 = arith.addf %bitcast3A_473, %bitcast3A_475 : vector<32xbf16>
        %max3A_477 = arith.maximumf %max3A_441, %add3A_476 : vector<32xbf16>
        %gather3A_478 = tpu.vector_load_idx %arg7[%broadcast_in_dim3A_3, %get3A_465] : memref<4x10240xi32, #tpu.memory_space<vmem>>[vector<16xi32>, vector<16xi32>], vector<16xi32>,
        %bitcast3A_479 = vector.bitcast %gather3A_478 : vector<16xi32> to vector<32xbf16>
        %gather3A_480 = tpu.vector_load_idx %arg8[%broadcast_in_dim3A_3, %get3A_471] : memref<4x10240xi32, #tpu.memory_space<vmem>>[vector<16xi32>, vector<16xi32>], vector<16xi32>,
        %bitcast3A_481 = vector.bitcast %gather3A_480 : vector<16xi32> to vector<32xbf16>
        %add3A_482 = arith.addf %bitcast3A_479, %bitcast3A_481 : vector<32xbf16>
        %max3A_483 = arith.maximumf %max3A_447, %add3A_482 : vector<32xbf16>
        %gather3A_484 = tpu.vector_load_idx %arg7[%broadcast_in_dim3A_5, %get3A_465] : memref<4x10240xi32, #tpu.memory_space<vmem>>[vector<16xi32>, vector<16xi32>], vector<16xi32>,
        %bitcast3A_485 = vector.bitcast %gather3A_484 : vector<16xi32> to vector<32xbf16>
        %gather3A_486 = tpu.vector_load_idx %arg8[%broadcast_in_dim3A_5, %get3A_471] : memref<4x10240xi32, #tpu.memory_space<vmem>>[vector<16xi32>, vector<16xi32>], vector<16xi32>,
        %bitcast3A_487 = vector.bitcast %gather3A_486 : vector<16xi32> to vector<32xbf16>
        %add3A_488 = arith.addf %bitcast3A_485, %bitcast3A_487 : vector<32xbf16>
        %max3A_489 = arith.maximumf %max3A_453, %add3A_488 : vector<32xbf16>
        %gather3A_490 = tpu.vector_load_idx %arg7[%broadcast_in_dim3A_7, %get3A_465] : memref<4x10240xi32, #tpu.memory_space<vmem>>[vector<16xi32>, vector<16xi32>], vector<16xi32>,
        %bitcast3A_491 = vector.bitcast %gather3A_490 : vector<16xi32> to vector<32xbf16>
        %gather3A_492 = tpu.vector_load_idx %arg8[%broadcast_in_dim3A_7, %get3A_471] : memref<4x10240xi32, #tpu.memory_space<vmem>>[vector<16xi32>, vector<16xi32>], vector<16xi32>,
        %bitcast3A_493 = vector.bitcast %gather3A_492 : vector<16xi32> to vector<32xbf16>
        %add3A_494 = arith.addf %bitcast3A_491, %bitcast3A_493 : vector<32xbf16>
        %max3A_495 = arith.maximumf %max3A_459, %add3A_494 : vector<32xbf16>
        %get3A_496 = arith.constant 0 : i32
        %get3A_497 = arith.constant 7 : i32
        %get3A_498 = arith.index_cast %get3A_496 : i32 to index
        %get3A_499 = arith.index_cast %get3A_497 : i32 to index
        %get3A_500 = arith.index_cast %mul3A_251 : i32 to index
        %get3A_501 = tpu.vector_load %arg9[%get3A_498, %get3A_499, %get3A_500] {strides = array<i32>} : memref<2x16x256xi32, #tpu.memory_space<vmem>>, vector<16xi32>,
        %get3A_502 = arith.constant 0 : i32
        %get3A_503 = arith.constant 7 : i32
        %get3A_504 = arith.index_cast %get3A_502 : i32 to index
        %get3A_505 = arith.index_cast %get3A_503 : i32 to index
        %get3A_506 = arith.index_cast %mul3A_251 : i32 to index
        %get3A_507 = tpu.vector_load %arg10[%get3A_504, %get3A_505, %get3A_506] {strides = array<i32>} : memref<2x16x256xi32, #tpu.memory_space<vmem>>, vector<16xi32>,
        %gather3A_508 = tpu.vector_load_idx %arg7[%broadcast_in_dim3A_1, %get3A_501] : memref<4x10240xi32, #tpu.memory_space<vmem>>[vector<16xi32>, vector<16xi32>], vector<16xi32>,
        %bitcast3A_509 = vector.bitcast %gather3A_508 : vector<16xi32> to vector<32xbf16>
        %gather3A_510 = tpu.vector_load_idx %arg8[%broadcast_in_dim3A_1, %get3A_507] : memref<4x10240xi32, #tpu.memory_space<vmem>>[vector<16xi32>, vector<16xi32>], vector<16xi32>,
        %bitcast3A_511 = vector.bitcast %gather3A_510 : vector<16xi32> to vector<32xbf16>
        %add3A_512 = arith.addf %bitcast3A_509, %bitcast3A_511 : vector<32xbf16>
        %max3A_513 = arith.maximumf %max3A_477, %add3A_512 : vector<32xbf16>
        %gather3A_514 = tpu.vector_load_idx %arg7[%broadcast_in_dim3A_3, %get3A_501] : memref<4x10240xi32, #tpu.memory_space<vmem>>[vector<16xi32>, vector<16xi32>], vector<16xi32>,
        %bitcast3A_515 = vector.bitcast %gather3A_514 : vector<16xi32> to vector<32xbf16>
        %gather3A_516 = tpu.vector_load_idx %arg8[%broadcast_in_dim3A_3, %get3A_507] : memref<4x10240xi32, #tpu.memory_space<vmem>>[vector<16xi32>, vector<16xi32>], vector<16xi32>,
        %bitcast3A_517 = vector.bitcast %gather3A_516 : vector<16xi32> to vector<32xbf16>
        %add3A_518 = arith.addf %bitcast3A_515, %bitcast3A_517 : vector<32xbf16>
        %max3A_519 = arith.maximumf %max3A_483, %add3A_518 : vector<32xbf16>
        %gather3A_520 = tpu.vector_load_idx %arg7[%broadcast_in_dim3A_5, %get3A_501] : memref<4x10240xi32, #tpu.memory_space<vmem>>[vector<16xi32>, vector<16xi32>], vector<16xi32>,
        %bitcast3A_521 = vector.bitcast %gather3A_520 : vector<16xi32> to vector<32xbf16>
        %gather3A_522 = tpu.vector_load_idx %arg8[%broadcast_in_dim3A_5, %get3A_507] : memref<4x10240xi32, #tpu.memory_space<vmem>>[vector<16xi32>, vector<16xi32>], vector<16xi32>,
        %bitcast3A_523 = vector.bitcast %gather3A_522 : vector<16xi32> to vector<32xbf16>
        %add3A_524 = arith.addf %bitcast3A_521, %bitcast3A_523 : vector<32xbf16>
        %max3A_525 = arith.maximumf %max3A_489, %add3A_524 : vector<32xbf16>
        %gather3A_526 = tpu.vector_load_idx %arg7[%broadcast_in_dim3A_7, %get3A_501] : memref<4x10240xi32, #tpu.memory_space<vmem>>[vector<16xi32>, vector<16xi32>], vector<16xi32>,
        %bitcast3A_527 = vector.bitcast %gather3A_526 : vector<16xi32> to vector<32xbf16>
        %gather3A_528 = tpu.vector_load_idx %arg8[%broadcast_in_dim3A_7, %get3A_507] : memref<4x10240xi32, #tpu.memory_space<vmem>>[vector<16xi32>, vector<16xi32>], vector<16xi32>,
        %bitcast3A_529 = vector.bitcast %gather3A_528 : vector<16xi32> to vector<32xbf16>
        %add3A_530 = arith.addf %bitcast3A_527, %bitcast3A_529 : vector<32xbf16>
        %max3A_531 = arith.maximumf %max3A_495, %add3A_530 : vector<32xbf16>
        %get3A_532 = arith.constant 0 : i32
        %get3A_533 = arith.constant 8 : i32
        %get3A_534 = arith.index_cast %get3A_532 : i32 to index
        %get3A_535 = arith.index_cast %get3A_533 : i32 to index
        %get3A_536 = arith.index_cast %mul3A_251 : i32 to index
        %get3A_537 = tpu.vector_load %arg9[%get3A_534, %get3A_535, %get3A_536] {strides = array<i32>} : memref<2x16x256xi32, #tpu.memory_space<vmem>>, vector<16xi32>,
        %get3A_538 = arith.constant 0 : i32
        %get3A_539 = arith.constant 8 : i32
        %get3A_540 = arith.index_cast %get3A_538 : i32 to index
        %get3A_541 = arith.index_cast %get3A_539 : i32 to index
        %get3A_542 = arith.index_cast %mul3A_251 : i32 to index
        %get3A_543 = tpu.vector_load %arg10[%get3A_540, %get3A_541, %get3A_542] {strides = array<i32>} : memref<2x16x256xi32, #tpu.memory_space<vmem>>, vector<16xi32>,
        %gather3A_544 = tpu.vector_load_idx %arg7[%broadcast_in_dim3A_1, %get3A_537] : memref<4x10240xi32, #tpu.memory_space<vmem>>[vector<16xi32>, vector<16xi32>], vector<16xi32>,
        %bitcast3A_545 = vector.bitcast %gather3A_544 : vector<16xi32> to vector<32xbf16>
        %gather3A_546 = tpu.vector_load_idx %arg8[%broadcast_in_dim3A_1, %get3A_543] : memref<4x10240xi32, #tpu.memory_space<vmem>>[vector<16xi32>, vector<16xi32>], vector<16xi32>,
        %bitcast3A_547 = vector.bitcast %gather3A_546 : vector<16xi32> to vector<32xbf16>
        %add3A_548 = arith.addf %bitcast3A_545, %bitcast3A_547 : vector<32xbf16>
        %max3A_549 = arith.maximumf %max3A_513, %add3A_548 : vector<32xbf16>
        %gather3A_550 = tpu.vector_load_idx %arg7[%broadcast_in_dim3A_3, %get3A_537] : memref<4x10240xi32, #tpu.memory_space<vmem>>[vector<16xi32>, vector<16xi32>], vector<16xi32>,
        %bitcast3A_551 = vector.bitcast %gather3A_550 : vector<16xi32> to vector<32xbf16>
        %gather3A_552 = tpu.vector_load_idx %arg8[%broadcast_in_dim3A_3, %get3A_543] : memref<4x10240xi32, #tpu.memory_space<vmem>>[vector<16xi32>, vector<16xi32>], vector<16xi32>,
        %bitcast3A_553 = vector.bitcast %gather3A_552 : vector<16xi32> to vector<32xbf16>
        %add3A_554 = arith.addf %bitcast3A_551, %bitcast3A_553 : vector<32xbf16>
        %max3A_555 = arith.maximumf %max3A_519, %add3A_554 : vector<32xbf16>
        %gather3A_556 = tpu.vector_load_idx %arg7[%broadcast_in_dim3A_5, %get3A_537] : memref<4x10240xi32, #tpu.memory_space<vmem>>[vector<16xi32>, vector<16xi32>], vector<16xi32>,
        %bitcast3A_557 = vector.bitcast %gather3A_556 : vector<16xi32> to vector<32xbf16>
        %gather3A_558 = tpu.vector_load_idx %arg8[%broadcast_in_dim3A_5, %get3A_543] : memref<4x10240xi32, #tpu.memory_space<vmem>>[vector<16xi32>, vector<16xi32>], vector<16xi32>,
        %bitcast3A_559 = vector.bitcast %gather3A_558 : vector<16xi32> to vector<32xbf16>
        %add3A_560 = arith.addf %bitcast3A_557, %bitcast3A_559 : vector<32xbf16>
        %max3A_561 = arith.maximumf %max3A_525, %add3A_560 : vector<32xbf16>
        %gather3A_562 = tpu.vector_load_idx %arg7[%broadcast_in_dim3A_7, %get3A_537] : memref<4x10240xi32, #tpu.memory_space<vmem>>[vector<16xi32>, vector<16xi32>], vector<16xi32>,
        %bitcast3A_563 = vector.bitcast %gather3A_562 : vector<16xi32> to vector<32xbf16>
        %gather3A_564 = tpu.vector_load_idx %arg8[%broadcast_in_dim3A_7, %get3A_543] : memref<4x10240xi32, #tpu.memory_space<vmem>>[vector<16xi32>, vector<16xi32>], vector<16xi32>,
        %bitcast3A_565 = vector.bitcast %gather3A_564 : vector<16xi32> to vector<32xbf16>
        %add3A_566 = arith.addf %bitcast3A_563, %bitcast3A_565 : vector<32xbf16>
        %max3A_567 = arith.maximumf %max3A_531, %add3A_566 : vector<32xbf16>
        %get3A_568 = arith.constant 0 : i32
        %get3A_569 = arith.constant 9 : i32
        %get3A_570 = arith.index_cast %get3A_568 : i32 to index
        %get3A_571 = arith.index_cast %get3A_569 : i32 to index
        %get3A_572 = arith.index_cast %mul3A_251 : i32 to index
        %get3A_573 = tpu.vector_load %arg9[%get3A_570, %get3A_571, %get3A_572] {strides = array<i32>} : memref<2x16x256xi32, #tpu.memory_space<vmem>>, vector<16xi32>,
        %get3A_574 = arith.constant 0 : i32
        %get3A_575 = arith.constant 9 : i32
        %get3A_576 = arith.index_cast %get3A_574 : i32 to index
        %get3A_577 = arith.index_cast %get3A_575 : i32 to index
        %get3A_578 = arith.index_cast %mul3A_251 : i32 to index
        %get3A_579 = tpu.vector_load %arg10[%get3A_576, %get3A_577, %get3A_578] {strides = array<i32>} : memref<2x16x256xi32, #tpu.memory_space<vmem>>, vector<16xi32>,
        %gather3A_580 = tpu.vector_load_idx %arg7[%broadcast_in_dim3A_1, %get3A_573] : memref<4x10240xi32, #tpu.memory_space<vmem>>[vector<16xi32>, vector<16xi32>], vector<16xi32>,
        %bitcast3A_581 = vector.bitcast %gather3A_580 : vector<16xi32> to vector<32xbf16>
        %gather3A_582 = tpu.vector_load_idx %arg8[%broadcast_in_dim3A_1, %get3A_579] : memref<4x10240xi32, #tpu.memory_space<vmem>>[vector<16xi32>, vector<16xi32>], vector<16xi32>,
        %bitcast3A_583 = vector.bitcast %gather3A_582 : vector<16xi32> to vector<32xbf16>
        %add3A_584 = arith.addf %bitcast3A_581, %bitcast3A_583 : vector<32xbf16>
        %max3A_585 = arith.maximumf %max3A_549, %add3A_584 : vector<32xbf16>
        %gather3A_586 = tpu.vector_load_idx %arg7[%broadcast_in_dim3A_3, %get3A_573] : memref<4x10240xi32, #tpu.memory_space<vmem>>[vector<16xi32>, vector<16xi32>], vector<16xi32>,
        %bitcast3A_587 = vector.bitcast %gather3A_586 : vector<16xi32> to vector<32xbf16>
        %gather3A_588 = tpu.vector_load_idx %arg8[%broadcast_in_dim3A_3, %get3A_579] : memref<4x10240xi32, #tpu.memory_space<vmem>>[vector<16xi32>, vector<16xi32>], vector<16xi32>,
        %bitcast3A_589 = vector.bitcast %gather3A_588 : vector<16xi32> to vector<32xbf16>
        %add3A_590 = arith.addf %bitcast3A_587, %bitcast3A_589 : vector<32xbf16>
        %max3A_591 = arith.maximumf %max3A_555, %add3A_590 : vector<32xbf16>
        %gather3A_592 = tpu.vector_load_idx %arg7[%broadcast_in_dim3A_5, %get3A_573] : memref<4x10240xi32, #tpu.memory_space<vmem>>[vector<16xi32>, vector<16xi32>], vector<16xi32>,
        %bitcast3A_593 = vector.bitcast %gather3A_592 : vector<16xi32> to vector<32xbf16>
        %gather3A_594 = tpu.vector_load_idx %arg8[%broadcast_in_dim3A_5, %get3A_579] : memref<4x10240xi32, #tpu.memory_space<vmem>>[vector<16xi32>, vector<16xi32>], vector<16xi32>,
        %bitcast3A_595 = vector.bitcast %gather3A_594 : vector<16xi32> to vector<32xbf16>
        %add3A_596 = arith.addf %bitcast3A_593, %bitcast3A_595 : vector<32xbf16>
        %max3A_597 = arith.maximumf %max3A_561, %add3A_596 : vector<32xbf16>
        %gather3A_598 = tpu.vector_load_idx %arg7[%broadcast_in_dim3A_7, %get3A_573] : memref<4x10240xi32, #tpu.memory_space<vmem>>[vector<16xi32>, vector<16xi32>], vector<16xi32>,
        %bitcast3A_599 = vector.bitcast %gather3A_598 : vector<16xi32> to vector<32xbf16>
        %gather3A_600 = tpu.vector_load_idx %arg8[%broadcast_in_dim3A_7, %get3A_579] : memref<4x10240xi32, #tpu.memory_space<vmem>>[vector<16xi32>, vector<16xi32>], vector<16xi32>,
        %bitcast3A_601 = vector.bitcast %gather3A_600 : vector<16xi32> to vector<32xbf16>
        %add3A_602 = arith.addf %bitcast3A_599, %bitcast3A_601 : vector<32xbf16>
        %max3A_603 = arith.maximumf %max3A_567, %add3A_602 : vector<32xbf16>
        %get3A_604 = arith.constant 0 : i32
        %get3A_605 = arith.constant 10 : i32
        %get3A_606 = arith.index_cast %get3A_604 : i32 to index
        %get3A_607 = arith.index_cast %get3A_605 : i32 to index
        %get3A_608 = arith.index_cast %mul3A_251 : i32 to index
        %get3A_609 = tpu.vector_load %arg9[%get3A_606, %get3A_607, %get3A_608] {strides = array<i32>} : memref<2x16x256xi32, #tpu.memory_space<vmem>>, vector<16xi32>,
        %get3A_610 = arith.constant 0 : i32
        %get3A_611 = arith.constant 10 : i32
        %get3A_612 = arith.index_cast %get3A_610 : i32 to index
        %get3A_613 = arith.index_cast %get3A_611 : i32 to index
        %get3A_614 = arith.index_cast %mul3A_251 : i32 to index
        %get3A_615 = tpu.vector_load %arg10[%get3A_612, %get3A_613, %get3A_614] {strides = array<i32>} : memref<2x16x256xi32, #tpu.memory_space<vmem>>, vector<16xi32>,
        %gather3A_616 = tpu.vector_load_idx %arg7[%broadcast_in_dim3A_1, %get3A_609] : memref<4x10240xi32, #tpu.memory_space<vmem>>[vector<16xi32>, vector<16xi32>], vector<16xi32>,
        %bitcast3A_617 = vector.bitcast %gather3A_616 : vector<16xi32> to vector<32xbf16>
        %gather3A_618 = tpu.vector_load_idx %arg8[%broadcast_in_dim3A_1, %get3A_615] : memref<4x10240xi32, #tpu.memory_space<vmem>>[vector<16xi32>, vector<16xi32>], vector<16xi32>,
        %bitcast3A_619 = vector.bitcast %gather3A_618 : vector<16xi32> to vector<32xbf16>
        %add3A_620 = arith.addf %bitcast3A_617, %bitcast3A_619 : vector<32xbf16>
        %max3A_621 = arith.maximumf %max3A_585, %add3A_620 : vector<32xbf16>
        %gather3A_622 = tpu.vector_load_idx %arg7[%broadcast_in_dim3A_3, %get3A_609] : memref<4x10240xi32, #tpu.memory_space<vmem>>[vector<16xi32>, vector<16xi32>], vector<16xi32>,
        %bitcast3A_623 = vector.bitcast %gather3A_622 : vector<16xi32> to vector<32xbf16>
        %gather3A_624 = tpu.vector_load_idx %arg8[%broadcast_in_dim3A_3, %get3A_615] : memref<4x10240xi32, #tpu.memory_space<vmem>>[vector<16xi32>, vector<16xi32>], vector<16xi32>,
        %bitcast3A_625 = vector.bitcast %gather3A_624 : vector<16xi32> to vector<32xbf16>
        %add3A_626 = arith.addf %bitcast3A_623, %bitcast3A_625 : vector<32xbf16>
        %max3A_627 = arith.maximumf %max3A_591, %add3A_626 : vector<32xbf16>
        %gather3A_628 = tpu.vector_load_idx %arg7[%broadcast_in_dim3A_5, %get3A_609] : memref<4x10240xi32, #tpu.memory_space<vmem>>[vector<16xi32>, vector<16xi32>], vector<16xi32>,
        %bitcast3A_629 = vector.bitcast %gather3A_628 : vector<16xi32> to vector<32xbf16>
        %gather3A_630 = tpu.vector_load_idx %arg8[%broadcast_in_dim3A_5, %get3A_615] : memref<4x10240xi32, #tpu.memory_space<vmem>>[vector<16xi32>, vector<16xi32>], vector<16xi32>,
        %bitcast3A_631 = vector.bitcast %gather3A_630 : vector<16xi32> to vector<32xbf16>
        %add3A_632 = arith.addf %bitcast3A_629, %bitcast3A_631 : vector<32xbf16>
        %max3A_633 = arith.maximumf %max3A_597, %add3A_632 : vector<32xbf16>
        %gather3A_634 = tpu.vector_load_idx %arg7[%broadcast_in_dim3A_7, %get3A_609] : memref<4x10240xi32, #tpu.memory_space<vmem>>[vector<16xi32>, vector<16xi32>], vector<16xi32>,
        %bitcast3A_635 = vector.bitcast %gather3A_634 : vector<16xi32> to vector<32xbf16>
        %gather3A_636 = tpu.vector_load_idx %arg8[%broadcast_in_dim3A_7, %get3A_615] : memref<4x10240xi32, #tpu.memory_space<vmem>>[vector<16xi32>, vector<16xi32>], vector<16xi32>,
        %bitcast3A_637 = vector.bitcast %gather3A_636 : vector<16xi32> to vector<32xbf16>
        %add3A_638 = arith.addf %bitcast3A_635, %bitcast3A_637 : vector<32xbf16>
        %max3A_639 = arith.maximumf %max3A_603, %add3A_638 : vector<32xbf16>
        %get3A_640 = arith.constant 0 : i32
        %get3A_641 = arith.constant 11 : i32
        %get3A_642 = arith.index_cast %get3A_640 : i32 to index
        %get3A_643 = arith.index_cast %get3A_641 : i32 to index
        %get3A_644 = arith.index_cast %mul3A_251 : i32 to index
        %get3A_645 = tpu.vector_load %arg9[%get3A_642, %get3A_643, %get3A_644] {strides = array<i32>} : memref<2x16x256xi32, #tpu.memory_space<vmem>>, vector<16xi32>,
        %get3A_646 = arith.constant 0 : i32
        %get3A_647 = arith.constant 11 : i32
        %get3A_648 = arith.index_cast %get3A_646 : i32 to index
        %get3A_649 = arith.index_cast %get3A_647 : i32 to index
        %get3A_650 = arith.index_cast %mul3A_251 : i32 to index
        %get3A_651 = tpu.vector_load %arg10[%get3A_648, %get3A_649, %get3A_650] {strides = array<i32>} : memref<2x16x256xi32, #tpu.memory_space<vmem>>, vector<16xi32>,
        %gather3A_652 = tpu.vector_load_idx %arg7[%broadcast_in_dim3A_1, %get3A_645] : memref<4x10240xi32, #tpu.memory_space<vmem>>[vector<16xi32>, vector<16xi32>], vector<16xi32>,
        %bitcast3A_653 = vector.bitcast %gather3A_652 : vector<16xi32> to vector<32xbf16>
        %gather3A_654 = tpu.vector_load_idx %arg8[%broadcast_in_dim3A_1, %get3A_651] : memref<4x10240xi32, #tpu.memory_space<vmem>>[vector<16xi32>, vector<16xi32>], vector<16xi32>,
        %bitcast3A_655 = vector.bitcast %gather3A_654 : vector<16xi32> to vector<32xbf16>
        %add3A_656 = arith.addf %bitcast3A_653, %bitcast3A_655 : vector<32xbf16>
        %max3A_657 = arith.maximumf %max3A_621, %add3A_656 : vector<32xbf16>
        %gather3A_658 = tpu.vector_load_idx %arg7[%broadcast_in_dim3A_3, %get3A_645] : memref<4x10240xi32, #tpu.memory_space<vmem>>[vector<16xi32>, vector<16xi32>], vector<16xi32>,
        %bitcast3A_659 = vector.bitcast %gather3A_658 : vector<16xi32> to vector<32xbf16>
        %gather3A_660 = tpu.vector_load_idx %arg8[%broadcast_in_dim3A_3, %get3A_651] : memref<4x10240xi32, #tpu.memory_space<vmem>>[vector<16xi32>, vector<16xi32>], vector<16xi32>,
        %bitcast3A_661 = vector.bitcast %gather3A_660 : vector<16xi32> to vector<32xbf16>
        %add3A_662 = arith.addf %bitcast3A_659, %bitcast3A_661 : vector<32xbf16>
        %max3A_663 = arith.maximumf %max3A_627, %add3A_662 : vector<32xbf16>
        %gather3A_664 = tpu.vector_load_idx %arg7[%broadcast_in_dim3A_5, %get3A_645] : memref<4x10240xi32, #tpu.memory_space<vmem>>[vector<16xi32>, vector<16xi32>], vector<16xi32>,
        %bitcast3A_665 = vector.bitcast %gather3A_664 : vector<16xi32> to vector<32xbf16>
        %gather3A_666 = tpu.vector_load_idx %arg8[%broadcast_in_dim3A_5, %get3A_651] : memref<4x10240xi32, #tpu.memory_space<vmem>>[vector<16xi32>, vector<16xi32>], vector<16xi32>,
        %bitcast3A_667 = vector.bitcast %gather3A_666 : vector<16xi32> to vector<32xbf16>
        %add3A_668 = arith.addf %bitcast3A_665, %bitcast3A_667 : vector<32xbf16>
        %max3A_669 = arith.maximumf %max3A_633, %add3A_668 : vector<32xbf16>
        %gather3A_670 = tpu.vector_load_idx %arg7[%broadcast_in_dim3A_7, %get3A_645] : memref<4x10240xi32, #tpu.memory_space<vmem>>[vector<16xi32>, vector<16xi32>], vector<16xi32>,
        %bitcast3A_671 = vector.bitcast %gather3A_670 : vector<16xi32> to vector<32xbf16>
        %gather3A_672 = tpu.vector_load_idx %arg8[%broadcast_in_dim3A_7, %get3A_651] : memref<4x10240xi32, #tpu.memory_space<vmem>>[vector<16xi32>, vector<16xi32>], vector<16xi32>,
        %bitcast3A_673 = vector.bitcast %gather3A_672 : vector<16xi32> to vector<32xbf16>
        %add3A_674 = arith.addf %bitcast3A_671, %bitcast3A_673 : vector<32xbf16>
        %max3A_675 = arith.maximumf %max3A_639, %add3A_674 : vector<32xbf16>
        %get3A_676 = arith.constant 0 : i32
        %get3A_677 = arith.constant 12 : i32
        %get3A_678 = arith.index_cast %get3A_676 : i32 to index
        %get3A_679 = arith.index_cast %get3A_677 : i32 to index
        %get3A_680 = arith.index_cast %mul3A_251 : i32 to index
        %get3A_681 = tpu.vector_load %arg9[%get3A_678, %get3A_679, %get3A_680] {strides = array<i32>} : memref<2x16x256xi32, #tpu.memory_space<vmem>>, vector<16xi32>,
        %get3A_682 = arith.constant 0 : i32
        %get3A_683 = arith.constant 12 : i32
        %get3A_684 = arith.index_cast %get3A_682 : i32 to index
        %get3A_685 = arith.index_cast %get3A_683 : i32 to index
        %get3A_686 = arith.index_cast %mul3A_251 : i32 to index
        %get3A_687 = tpu.vector_load %arg10[%get3A_684, %get3A_685, %get3A_686] {strides = array<i32>} : memref<2x16x256xi32, #tpu.memory_space<vmem>>, vector<16xi32>,
        %gather3A_688 = tpu.vector_load_idx %arg7[%broadcast_in_dim3A_1, %get3A_681] : memref<4x10240xi32, #tpu.memory_space<vmem>>[vector<16xi32>, vector<16xi32>], vector<16xi32>,
        %bitcast3A_689 = vector.bitcast %gather3A_688 : vector<16xi32> to vector<32xbf16>
        %gather3A_690 = tpu.vector_load_idx %arg8[%broadcast_in_dim3A_1, %get3A_687] : memref<4x10240xi32, #tpu.memory_space<vmem>>[vector<16xi32>, vector<16xi32>], vector<16xi32>,
        %bitcast3A_691 = vector.bitcast %gather3A_690 : vector<16xi32> to vector<32xbf16>
        %add3A_692 = arith.addf %bitcast3A_689, %bitcast3A_691 : vector<32xbf16>
        %max3A_693 = arith.maximumf %max3A_657, %add3A_692 : vector<32xbf16>
        %gather3A_694 = tpu.vector_load_idx %arg7[%broadcast_in_dim3A_3, %get3A_681] : memref<4x10240xi32, #tpu.memory_space<vmem>>[vector<16xi32>, vector<16xi32>], vector<16xi32>,
        %bitcast3A_695 = vector.bitcast %gather3A_694 : vector<16xi32> to vector<32xbf16>
        %gather3A_696 = tpu.vector_load_idx %arg8[%broadcast_in_dim3A_3, %get3A_687] : memref<4x10240xi32, #tpu.memory_space<vmem>>[vector<16xi32>, vector<16xi32>], vector<16xi32>,
        %bitcast3A_697 = vector.bitcast %gather3A_696 : vector<16xi32> to vector<32xbf16>
        %add3A_698 = arith.addf %bitcast3A_695, %bitcast3A_697 : vector<32xbf16>
        %max3A_699 = arith.maximumf %max3A_663, %add3A_698 : vector<32xbf16>
        %gather3A_700 = tpu.vector_load_idx %arg7[%broadcast_in_dim3A_5, %get3A_681] : memref<4x10240xi32, #tpu.memory_space<vmem>>[vector<16xi32>, vector<16xi32>], vector<16xi32>,
        %bitcast3A_701 = vector.bitcast %gather3A_700 : vector<16xi32> to vector<32xbf16>
        %gather3A_702 = tpu.vector_load_idx %arg8[%broadcast_in_dim3A_5, %get3A_687] : memref<4x10240xi32, #tpu.memory_space<vmem>>[vector<16xi32>, vector<16xi32>], vector<16xi32>,
        %bitcast3A_703 = vector.bitcast %gather3A_702 : vector<16xi32> to vector<32xbf16>
        %add3A_704 = arith.addf %bitcast3A_701, %bitcast3A_703 : vector<32xbf16>
        %max3A_705 = arith.maximumf %max3A_669, %add3A_704 : vector<32xbf16>
        %gather3A_706 = tpu.vector_load_idx %arg7[%broadcast_in_dim3A_7, %get3A_681] : memref<4x10240xi32, #tpu.memory_space<vmem>>[vector<16xi32>, vector<16xi32>], vector<16xi32>,
        %bitcast3A_707 = vector.bitcast %gather3A_706 : vector<16xi32> to vector<32xbf16>
        %gather3A_708 = tpu.vector_load_idx %arg8[%broadcast_in_dim3A_7, %get3A_687] : memref<4x10240xi32, #tpu.memory_space<vmem>>[vector<16xi32>, vector<16xi32>], vector<16xi32>,
        %bitcast3A_709 = vector.bitcast %gather3A_708 : vector<16xi32> to vector<32xbf16>
        %add3A_710 = arith.addf %bitcast3A_707, %bitcast3A_709 : vector<32xbf16>
        %max3A_711 = arith.maximumf %max3A_675, %add3A_710 : vector<32xbf16>
        %get3A_712 = arith.constant 0 : i32
        %get3A_713 = arith.constant 13 : i32
        %get3A_714 = arith.index_cast %get3A_712 : i32 to index
        %get3A_715 = arith.index_cast %get3A_713 : i32 to index
        %get3A_716 = arith.index_cast %mul3A_251 : i32 to index
        %get3A_717 = tpu.vector_load %arg9[%get3A_714, %get3A_715, %get3A_716] {strides = array<i32>} : memref<2x16x256xi32, #tpu.memory_space<vmem>>, vector<16xi32>,
        %get3A_718 = arith.constant 0 : i32
        %get3A_719 = arith.constant 13 : i32
        %get3A_720 = arith.index_cast %get3A_718 : i32 to index
        %get3A_721 = arith.index_cast %get3A_719 : i32 to index
        %get3A_722 = arith.index_cast %mul3A_251 : i32 to index
        %get3A_723 = tpu.vector_load %arg10[%get3A_720, %get3A_721, %get3A_722] {strides = array<i32>} : memref<2x16x256xi32, #tpu.memory_space<vmem>>, vector<16xi32>,
        %gather3A_724 = tpu.vector_load_idx %arg7[%broadcast_in_dim3A_1, %get3A_717] : memref<4x10240xi32, #tpu.memory_space<vmem>>[vector<16xi32>, vector<16xi32>], vector<16xi32>,
        %bitcast3A_725 = vector.bitcast %gather3A_724 : vector<16xi32> to vector<32xbf16>
        %gather3A_726 = tpu.vector_load_idx %arg8[%broadcast_in_dim3A_1, %get3A_723] : memref<4x10240xi32, #tpu.memory_space<vmem>>[vector<16xi32>, vector<16xi32>], vector<16xi32>,
        %bitcast3A_727 = vector.bitcast %gather3A_726 : vector<16xi32> to vector<32xbf16>
        %add3A_728 = arith.addf %bitcast3A_725, %bitcast3A_727 : vector<32xbf16>
        %max3A_729 = arith.maximumf %max3A_693, %add3A_728 : vector<32xbf16>
        %gather3A_730 = tpu.vector_load_idx %arg7[%broadcast_in_dim3A_3, %get3A_717] : memref<4x10240xi32, #tpu.memory_space<vmem>>[vector<16xi32>, vector<16xi32>], vector<16xi32>,
        %bitcast3A_731 = vector.bitcast %gather3A_730 : vector<16xi32> to vector<32xbf16>
        %gather3A_732 = tpu.vector_load_idx %arg8[%broadcast_in_dim3A_3, %get3A_723] : memref<4x10240xi32, #tpu.memory_space<vmem>>[vector<16xi32>, vector<16xi32>], vector<16xi32>,
        %bitcast3A_733 = vector.bitcast %gather3A_732 : vector<16xi32> to vector<32xbf16>
        %add3A_734 = arith.addf %bitcast3A_731, %bitcast3A_733 : vector<32xbf16>
        %max3A_735 = arith.maximumf %max3A_699, %add3A_734 : vector<32xbf16>
        %gather3A_736 = tpu.vector_load_idx %arg7[%broadcast_in_dim3A_5, %get3A_717] : memref<4x10240xi32, #tpu.memory_space<vmem>>[vector<16xi32>, vector<16xi32>], vector<16xi32>,
        %bitcast3A_737 = vector.bitcast %gather3A_736 : vector<16xi32> to vector<32xbf16>
        %gather3A_738 = tpu.vector_load_idx %arg8[%broadcast_in_dim3A_5, %get3A_723] : memref<4x10240xi32, #tpu.memory_space<vmem>>[vector<16xi32>, vector<16xi32>], vector<16xi32>,
        %bitcast3A_739 = vector.bitcast %gather3A_738 : vector<16xi32> to vector<32xbf16>
        %add3A_740 = arith.addf %bitcast3A_737, %bitcast3A_739 : vector<32xbf16>
        %max3A_741 = arith.maximumf %max3A_705, %add3A_740 : vector<32xbf16>
        %gather3A_742 = tpu.vector_load_idx %arg7[%broadcast_in_dim3A_7, %get3A_717] : memref<4x10240xi32, #tpu.memory_space<vmem>>[vector<16xi32>, vector<16xi32>], vector<16xi32>,
        %bitcast3A_743 = vector.bitcast %gather3A_742 : vector<16xi32> to vector<32xbf16>
        %gather3A_744 = tpu.vector_load_idx %arg8[%broadcast_in_dim3A_7, %get3A_723] : memref<4x10240xi32, #tpu.memory_space<vmem>>[vector<16xi32>, vector<16xi32>], vector<16xi32>,
        %bitcast3A_745 = vector.bitcast %gather3A_744 : vector<16xi32> to vector<32xbf16>
        %add3A_746 = arith.addf %bitcast3A_743, %bitcast3A_745 : vector<32xbf16>
        %max3A_747 = arith.maximumf %max3A_711, %add3A_746 : vector<32xbf16>
        %get3A_748 = arith.constant 0 : i32
        %get3A_749 = arith.constant 14 : i32
        %get3A_750 = arith.index_cast %get3A_748 : i32 to index
        %get3A_751 = arith.index_cast %get3A_749 : i32 to index
        %get3A_752 = arith.index_cast %mul3A_251 : i32 to index
        %get3A_753 = tpu.vector_load %arg9[%get3A_750, %get3A_751, %get3A_752] {strides = array<i32>} : memref<2x16x256xi32, #tpu.memory_space<vmem>>, vector<16xi32>,
        %get3A_754 = arith.constant 0 : i32
        %get3A_755 = arith.constant 14 : i32
        %get3A_756 = arith.index_cast %get3A_754 : i32 to index
        %get3A_757 = arith.index_cast %get3A_755 : i32 to index
        %get3A_758 = arith.index_cast %mul3A_251 : i32 to index
        %get3A_759 = tpu.vector_load %arg10[%get3A_756, %get3A_757, %get3A_758] {strides = array<i32>} : memref<2x16x256xi32, #tpu.memory_space<vmem>>, vector<16xi32>,
        %gather3A_760 = tpu.vector_load_idx %arg7[%broadcast_in_dim3A_1, %get3A_753] : memref<4x10240xi32, #tpu.memory_space<vmem>>[vector<16xi32>, vector<16xi32>], vector<16xi32>,
        %bitcast3A_761 = vector.bitcast %gather3A_760 : vector<16xi32> to vector<32xbf16>
        %gather3A_762 = tpu.vector_load_idx %arg8[%broadcast_in_dim3A_1, %get3A_759] : memref<4x10240xi32, #tpu.memory_space<vmem>>[vector<16xi32>, vector<16xi32>], vector<16xi32>,
        %bitcast3A_763 = vector.bitcast %gather3A_762 : vector<16xi32> to vector<32xbf16>
        %add3A_764 = arith.addf %bitcast3A_761, %bitcast3A_763 : vector<32xbf16>
        %max3A_765 = arith.maximumf %max3A_729, %add3A_764 : vector<32xbf16>
        %gather3A_766 = tpu.vector_load_idx %arg7[%broadcast_in_dim3A_3, %get3A_753] : memref<4x10240xi32, #tpu.memory_space<vmem>>[vector<16xi32>, vector<16xi32>], vector<16xi32>,
        %bitcast3A_767 = vector.bitcast %gather3A_766 : vector<16xi32> to vector<32xbf16>
        %gather3A_768 = tpu.vector_load_idx %arg8[%broadcast_in_dim3A_3, %get3A_759] : memref<4x10240xi32, #tpu.memory_space<vmem>>[vector<16xi32>, vector<16xi32>], vector<16xi32>,
        %bitcast3A_769 = vector.bitcast %gather3A_768 : vector<16xi32> to vector<32xbf16>
        %add3A_770 = arith.addf %bitcast3A_767, %bitcast3A_769 : vector<32xbf16>
        %max3A_771 = arith.maximumf %max3A_735, %add3A_770 : vector<32xbf16>
        %gather3A_772 = tpu.vector_load_idx %arg7[%broadcast_in_dim3A_5, %get3A_753] : memref<4x10240xi32, #tpu.memory_space<vmem>>[vector<16xi32>, vector<16xi32>], vector<16xi32>,
        %bitcast3A_773 = vector.bitcast %gather3A_772 : vector<16xi32> to vector<32xbf16>
        %gather3A_774 = tpu.vector_load_idx %arg8[%broadcast_in_dim3A_5, %get3A_759] : memref<4x10240xi32, #tpu.memory_space<vmem>>[vector<16xi32>, vector<16xi32>], vector<16xi32>,
        %bitcast3A_775 = vector.bitcast %gather3A_774 : vector<16xi32> to vector<32xbf16>
        %add3A_776 = arith.addf %bitcast3A_773, %bitcast3A_775 : vector<32xbf16>
        %max3A_777 = arith.maximumf %max3A_741, %add3A_776 : vector<32xbf16>
        %gather3A_778 = tpu.vector_load_idx %arg7[%broadcast_in_dim3A_7, %get3A_753] : memref<4x10240xi32, #tpu.memory_space<vmem>>[vector<16xi32>, vector<16xi32>], vector<16xi32>,
        %bitcast3A_779 = vector.bitcast %gather3A_778 : vector<16xi32> to vector<32xbf16>
        %gather3A_780 = tpu.vector_load_idx %arg8[%broadcast_in_dim3A_7, %get3A_759] : memref<4x10240xi32, #tpu.memory_space<vmem>>[vector<16xi32>, vector<16xi32>], vector<16xi32>,
        %bitcast3A_781 = vector.bitcast %gather3A_780 : vector<16xi32> to vector<32xbf16>
        %add3A_782 = arith.addf %bitcast3A_779, %bitcast3A_781 : vector<32xbf16>
        %max3A_783 = arith.maximumf %max3A_747, %add3A_782 : vector<32xbf16>
        %get3A_784 = arith.constant 0 : i32
        %get3A_785 = arith.constant 15 : i32
        %get3A_786 = arith.index_cast %get3A_784 : i32 to index
        %get3A_787 = arith.index_cast %get3A_785 : i32 to index
        %get3A_788 = arith.index_cast %mul3A_251 : i32 to index
        %get3A_789 = tpu.vector_load %arg9[%get3A_786, %get3A_787, %get3A_788] {strides = array<i32>} : memref<2x16x256xi32, #tpu.memory_space<vmem>>, vector<16xi32>,
        %get3A_790 = arith.constant 0 : i32
        %get3A_791 = arith.constant 15 : i32
        %get3A_792 = arith.index_cast %get3A_790 : i32 to index
        %get3A_793 = arith.index_cast %get3A_791 : i32 to index
        %get3A_794 = arith.index_cast %mul3A_251 : i32 to index
        %get3A_795 = tpu.vector_load %arg10[%get3A_792, %get3A_793, %get3A_794] {strides = array<i32>} : memref<2x16x256xi32, #tpu.memory_space<vmem>>, vector<16xi32>,
        %gather3A_796 = tpu.vector_load_idx %arg7[%broadcast_in_dim3A_1, %get3A_789] : memref<4x10240xi32, #tpu.memory_space<vmem>>[vector<16xi32>, vector<16xi32>], vector<16xi32>,
        %bitcast3A_797 = vector.bitcast %gather3A_796 : vector<16xi32> to vector<32xbf16>
        %gather3A_798 = tpu.vector_load_idx %arg8[%broadcast_in_dim3A_1, %get3A_795] : memref<4x10240xi32, #tpu.memory_space<vmem>>[vector<16xi32>, vector<16xi32>], vector<16xi32>,
        %bitcast3A_799 = vector.bitcast %gather3A_798 : vector<16xi32> to vector<32xbf16>
        %add3A_800 = arith.addf %bitcast3A_797, %bitcast3A_799 : vector<32xbf16>
        %max3A_801 = arith.maximumf %max3A_765, %add3A_800 : vector<32xbf16>
        %gather3A_802 = tpu.vector_load_idx %arg7[%broadcast_in_dim3A_3, %get3A_789] : memref<4x10240xi32, #tpu.memory_space<vmem>>[vector<16xi32>, vector<16xi32>], vector<16xi32>,
        %bitcast3A_803 = vector.bitcast %gather3A_802 : vector<16xi32> to vector<32xbf16>
        %gather3A_804 = tpu.vector_load_idx %arg8[%broadcast_in_dim3A_3, %get3A_795] : memref<4x10240xi32, #tpu.memory_space<vmem>>[vector<16xi32>, vector<16xi32>], vector<16xi32>,
        %bitcast3A_805 = vector.bitcast %gather3A_804 : vector<16xi32> to vector<32xbf16>
        %add3A_806 = arith.addf %bitcast3A_803, %bitcast3A_805 : vector<32xbf16>
        %max3A_807 = arith.maximumf %max3A_771, %add3A_806 : vector<32xbf16>
        %gather3A_808 = tpu.vector_load_idx %arg7[%broadcast_in_dim3A_5, %get3A_789] : memref<4x10240xi32, #tpu.memory_space<vmem>>[vector<16xi32>, vector<16xi32>], vector<16xi32>,
        %bitcast3A_809 = vector.bitcast %gather3A_808 : vector<16xi32> to vector<32xbf16>
        %gather3A_810 = tpu.vector_load_idx %arg8[%broadcast_in_dim3A_5, %get3A_795] : memref<4x10240xi32, #tpu.memory_space<vmem>>[vector<16xi32>, vector<16xi32>], vector<16xi32>,
        %bitcast3A_811 = vector.bitcast %gather3A_810 : vector<16xi32> to vector<32xbf16>
        %add3A_812 = arith.addf %bitcast3A_809, %bitcast3A_811 : vector<32xbf16>
        %max3A_813 = arith.maximumf %max3A_777, %add3A_812 : vector<32xbf16>
        %gather3A_814 = tpu.vector_load_idx %arg7[%broadcast_in_dim3A_7, %get3A_789] : memref<4x10240xi32, #tpu.memory_space<vmem>>[vector<16xi32>, vector<16xi32>], vector<16xi32>,
        %bitcast3A_815 = vector.bitcast %gather3A_814 : vector<16xi32> to vector<32xbf16>
        %gather3A_816 = tpu.vector_load_idx %arg8[%broadcast_in_dim3A_7, %get3A_795] : memref<4x10240xi32, #tpu.memory_space<vmem>>[vector<16xi32>, vector<16xi32>], vector<16xi32>,
        %bitcast3A_817 = vector.bitcast %gather3A_816 : vector<16xi32> to vector<32xbf16>
        %add3A_818 = arith.addf %bitcast3A_815, %bitcast3A_817 : vector<32xbf16>
        %max3A_819 = arith.maximumf %max3A_783, %add3A_818 : vector<32xbf16>
        %bitcast3A_820 = vector.bitcast %max3A_801 : vector<32xbf16> to vector<16xi32>
        %swap3A = arith.constant 0 : i32
        %swap3A_821 = arith.constant 0 : i32
        %swap3A_822 = arith.index_cast %swap3A : i32 to index
        %swap3A_823 = arith.index_cast %swap3A_821 : i32 to index
        %swap3A_824 = arith.index_cast %mul3A_251 : i32 to index
        %swap3A_825 = tpu.vector_load %arg11[%swap3A_822, %swap3A_823, %swap3A_824] {strides = array<i32>} : memref<2x4x256xi32, #tpu.memory_space<vmem>>, vector<16xi32>,
        tpu.vector_store %arg11[%swap3A_822, %swap3A_823, %swap3A_824], %bitcast3A_820 {strides = array<i32>} : memref<2x4x256xi32, #tpu.memory_space<vmem>>, vector<16xi32>,
        %bitcast3A_826 = vector.bitcast %max3A_807 : vector<32xbf16> to vector<16xi32>
        %swap3A_827 = arith.constant 0 : i32
        %swap3A_828 = arith.constant 1 : i32
        %swap3A_829 = arith.index_cast %swap3A_827 : i32 to index
        %swap3A_830 = arith.index_cast %swap3A_828 : i32 to index
        %swap3A_831 = arith.index_cast %mul3A_251 : i32 to index
        %swap3A_832 = tpu.vector_load %arg11[%swap3A_829, %swap3A_830, %swap3A_831] {strides = array<i32>} : memref<2x4x256xi32, #tpu.memory_space<vmem>>, vector<16xi32>,
        tpu.vector_store %arg11[%swap3A_829, %swap3A_830, %swap3A_831], %bitcast3A_826 {strides = array<i32>} : memref<2x4x256xi32, #tpu.memory_space<vmem>>, vector<16xi32>,
        %bitcast3A_833 = vector.bitcast %max3A_813 : vector<32xbf16> to vector<16xi32>
        %swap3A_834 = arith.constant 0 : i32
        %swap3A_835 = arith.constant 2 : i32
        %swap3A_836 = arith.index_cast %swap3A_834 : i32 to index
        %swap3A_837 = arith.index_cast %swap3A_835 : i32 to index
        %swap3A_838 = arith.index_cast %mul3A_251 : i32 to index
        %swap3A_839 = tpu.vector_load %arg11[%swap3A_836, %swap3A_837, %swap3A_838] {strides = array<i32>} : memref<2x4x256xi32, #tpu.memory_space<vmem>>, vector<16xi32>,
        tpu.vector_store %arg11[%swap3A_836, %swap3A_837, %swap3A_838], %bitcast3A_833 {strides = array<i32>} : memref<2x4x256xi32, #tpu.memory_space<vmem>>, vector<16xi32>,
        %bitcast3A_840 = vector.bitcast %max3A_819 : vector<32xbf16> to vector<16xi32>
        %swap3A_841 = arith.constant 0 : i32
        %swap3A_842 = arith.constant 3 : i32
        %swap3A_843 = arith.index_cast %swap3A_841 : i32 to index
        %swap3A_844 = arith.index_cast %swap3A_842 : i32 to index
        %swap3A_845 = arith.index_cast %mul3A_251 : i32 to index
        %swap3A_846 = tpu.vector_load %arg11[%swap3A_843, %swap3A_844, %swap3A_845] {strides = array<i32>} : memref<2x4x256xi32, #tpu.memory_space<vmem>>, vector<16xi32>,
        tpu.vector_store %arg11[%swap3A_843, %swap3A_844, %swap3A_845], %bitcast3A_840 {strides = array<i32>} : memref<2x4x256xi32, #tpu.memory_space<vmem>>, vector<16xi32>,
      }
      %scan3A_158 = arith.constant 16 : i32
      %mul3A_159 = arith.constant 5120 : i32
      %mul3A_160 = arith.muli %arg0, %mul3A_159 : i32
      %mul3A_161 = arith.constant 256 : i32
      %mul3A_162 = arith.muli %add3A_116, %mul3A_161 : i32
      %add3A_163 = arith.addi %mul3A_160, %mul3A_162 : i32
      %dma_start3A_164 = arith.constant 0 : i32
      %dma_start3A_165 = arith.constant 0 : i32
      %dma_start3A_166 = arith.constant 0 : i32
      %dma_start3A_167 = tpu.memref_slice %arg11[%dma_start3A_164, %dma_start3A_165, %dma_start3A_166] : memref<2x4x256xi32, #tpu.memory_space<vmem>> -> memref<1x4x256xi32, #tpu.memory_space<vmem>>
      %dma_start3A_168 = tpu.memref_squeeze %dma_start3A_167 : memref<1x4x256xi32, #tpu.memory_space<vmem>> -> memref<4x256xi32, #tpu.memory_space<vmem>>
      %dma_start3A_169 = tpu.memref_slice %arg6[%mul3A_0, %add3A_163] : memref<64x10240xi32, #tpu.memory_space<hbm>> -> memref<4x256xi32, #tpu.memory_space<hbm>>
      %dma_start3A_170 = tpu.memref_slice %arg6[%mul3A_0, %add3A_163] : memref<64x10240xi32, #tpu.memory_space<hbm>> -> memref<4x256xi32, #tpu.memory_space<hbm>>
      %dma_start3A_171 = arith.constant 0 : i32
      %dma_start3A_172 = arith.constant 0 : i32
      %dma_start3A_173 = tpu.memref_slice %arg11[%dma_start3A_164, %dma_start3A_171, %dma_start3A_172] : memref<2x4x256xi32, #tpu.memory_space<vmem>> -> memref<1x4x256xi32, #tpu.memory_space<vmem>>
      %dma_start3A_174 = tpu.memref_squeeze %dma_start3A_173 : memref<1x4x256xi32, #tpu.memory_space<vmem>> -> memref<4x256xi32, #tpu.memory_space<vmem>>
      tpu.enqueue_dma source(%dma_start3A_174 : memref<4x256xi32, #tpu.memory_space<vmem>>) target(%dma_start3A_170 : memref<4x256xi32, #tpu.memory_space<hbm>>) target_semaphore(%arg14 : memref<!tpu.dma_semaphore, #tpu.memory_space<semaphore_mem>>)
      %lt3A = arith.constant 9 : i32
      %lt3A_175 = arith.cmpi slt, %scan3A_112, %lt3A : i32
      %convert_element_type3A_176 = arith.extui %lt3A_175 : i1 to i32
      %cond3A_177 = arith.constant 0 : i32
      %cond3A_178 = arith.cmpi ne, %convert_element_type3A_176, %cond3A_177 : i32
      scf.if %cond3A_178 {
        %add3A_249 = arith.constant 2 : i32
        %add3A_250 = arith.addi %add3A_116, %add3A_249 : i32
        %dma_start3A_251 = arith.constant 0 : i32
        %dma_start3A_252 = arith.constant 0 : i32
        %dma_start3A_253 = arith.constant 0 : i32
        %dma_start3A_254 = tpu.memref_slice %arg9[%dma_start3A_251, %dma_start3A_252, %dma_start3A_253] : memref<2x16x256xi32, #tpu.memory_space<vmem>> -> memref<1x16x256xi32, #tpu.memory_space<vmem>>
        %dma_start3A_255 = tpu.memref_squeeze %dma_start3A_254 : memref<1x16x256xi32, #tpu.memory_space<vmem>> -> memref<16x256xi32, #tpu.memory_space<vmem>>
        %dma_start3A_256 = arith.constant 0 : i32
        %dma_start3A_257 = arith.constant 0 : i32
        %dma_start3A_258 = tpu.memref_slice %arg4[%arg0, %add3A_250, %dma_start3A_256, %dma_start3A_257] : memref<2x20x16x256xi32, #tpu.memory_space<hbm>> -> memref<1x1x16x256xi32, #tpu.memory_space<hbm>>
        %dma_start3A_259 = tpu.memref_squeeze %dma_start3A_258 : memref<1x1x16x256xi32, #tpu.memory_space<hbm>> -> memref<16x256xi32, #tpu.memory_space<hbm>>
        %dma_start3A_260 = arith.constant 0 : i32
        %dma_start3A_261 = arith.constant 0 : i32
        %dma_start3A_262 = tpu.memref_slice %arg9[%dma_start3A_251, %dma_start3A_260, %dma_start3A_261] : memref<2x16x256xi32, #tpu.memory_space<vmem>> -> memref<1x16x256xi32, #tpu.memory_space<vmem>>
        %dma_start3A_263 = tpu.memref_squeeze %dma_start3A_262 : memref<1x16x256xi32, #tpu.memory_space<vmem>> -> memref<16x256xi32, #tpu.memory_space<vmem>>
        %dma_start3A_264 = arith.constant 0 : i32
        %dma_start3A_265 = arith.constant 0 : i32
        %dma_start3A_266 = tpu.memref_slice %arg4[%arg0, %add3A_250, %dma_start3A_264, %dma_start3A_265] : memref<2x20x16x256xi32, #tpu.memory_space<hbm>> -> memref<1x1x16x256xi32, #tpu.memory_space<hbm>>
        %dma_start3A_267 = tpu.memref_squeeze %dma_start3A_266 : memref<1x1x16x256xi32, #tpu.memory_space<hbm>> -> memref<16x256xi32, #tpu.memory_space<hbm>>
        tpu.enqueue_dma source(%dma_start3A_267 : memref<16x256xi32, #tpu.memory_space<hbm>>) target(%dma_start3A_263 : memref<16x256xi32, #tpu.memory_space<vmem>>) target_semaphore(%arg12 : memref<!tpu.dma_semaphore, #tpu.memory_space<semaphore_mem>>)
        %dma_start3A_268 = arith.constant 0 : i32
        %dma_start3A_269 = arith.constant 0 : i32
        %dma_start3A_270 = arith.constant 0 : i32
        %dma_start3A_271 = tpu.memref_slice %arg10[%dma_start3A_268, %dma_start3A_269, %dma_start3A_270] : memref<2x16x256xi32, #tpu.memory_space<vmem>> -> memref<1x16x256xi32, #tpu.memory_space<vmem>>
        %dma_start3A_272 = tpu.memref_squeeze %dma_start3A_271 : memref<1x16x256xi32, #tpu.memory_space<vmem>> -> memref<16x256xi32, #tpu.memory_space<vmem>>
        %dma_start3A_273 = arith.constant 0 : i32
        %dma_start3A_274 = arith.constant 0 : i32
        %dma_start3A_275 = tpu.memref_slice %arg5[%arg0, %add3A_250, %dma_start3A_273, %dma_start3A_274] : memref<2x20x16x256xi32, #tpu.memory_space<hbm>> -> memref<1x1x16x256xi32, #tpu.memory_space<hbm>>
        %dma_start3A_276 = tpu.memref_squeeze %dma_start3A_275 : memref<1x1x16x256xi32, #tpu.memory_space<hbm>> -> memref<16x256xi32, #tpu.memory_space<hbm>>
        %dma_start3A_277 = arith.constant 0 : i32
        %dma_start3A_278 = arith.constant 0 : i32
        %dma_start3A_279 = tpu.memref_slice %arg10[%dma_start3A_268, %dma_start3A_277, %dma_start3A_278] : memref<2x16x256xi32, #tpu.memory_space<vmem>> -> memref<1x16x256xi32, #tpu.memory_space<vmem>>
        %dma_start3A_280 = tpu.memref_squeeze %dma_start3A_279 : memref<1x16x256xi32, #tpu.memory_space<vmem>> -> memref<16x256xi32, #tpu.memory_space<vmem>>
        %dma_start3A_281 = arith.constant 0 : i32
        %dma_start3A_282 = arith.constant 0 : i32
        %dma_start3A_283 = tpu.memref_slice %arg5[%arg0, %add3A_250, %dma_start3A_281, %dma_start3A_282] : memref<2x20x16x256xi32, #tpu.memory_space<hbm>> -> memref<1x1x16x256xi32, #tpu.memory_space<hbm>>
        %dma_start3A_284 = tpu.memref_squeeze %dma_start3A_283 : memref<1x1x16x256xi32, #tpu.memory_space<hbm>> -> memref<16x256xi32, #tpu.memory_space<hbm>>
        tpu.enqueue_dma source(%dma_start3A_284 : memref<16x256xi32, #tpu.memory_space<hbm>>) target(%dma_start3A_280 : memref<16x256xi32, #tpu.memory_space<vmem>>) target_semaphore(%arg12 : memref<!tpu.dma_semaphore, #tpu.memory_space<semaphore_mem>>)
      } else {
      }
      %mul3A_179 = arith.constant 2 : i32
      %mul3A_180 = arith.muli %mul3A_179, %scan3A_112 : i32
      %add3A_181 = arith.constant 1 : i32
      %add3A_182 = arith.addi %mul3A_180, %add3A_181 : i32
      %dma_wait3A_183 = arith.constant 1 : i32
      %dma_wait3A_184 = arith.constant 0 : i32
      %dma_wait3A_185 = arith.constant 0 : i32
      %dma_wait3A_186 = tpu.memref_slice %arg9[%dma_wait3A_183, %dma_wait3A_184, %dma_wait3A_185] : memref<2x16x256xi32, #tpu.memory_space<vmem>> -> memref<1x16x256xi32, #tpu.memory_space<vmem>>
      %dma_wait3A_187 = tpu.memref_squeeze %dma_wait3A_186 : memref<1x16x256xi32, #tpu.memory_space<vmem>> -> memref<16x256xi32, #tpu.memory_space<vmem>>
      %dma_wait3A_188 = arith.constant 0 : i32
      %dma_wait3A_189 = arith.constant 0 : i32
      %dma_wait3A_190 = tpu.memref_slice %arg4[%arg0, %add3A_182, %dma_wait3A_188, %dma_wait3A_189] : memref<2x20x16x256xi32, #tpu.memory_space<hbm>> -> memref<1x1x16x256xi32, #tpu.memory_space<hbm>>
      %dma_wait3A_191 = tpu.memref_squeeze %dma_wait3A_190 : memref<1x1x16x256xi32, #tpu.memory_space<hbm>> -> memref<16x256xi32, #tpu.memory_space<hbm>>
      %dma_wait3A_192 = arith.constant 0 : i32
      %dma_wait3A_193 = arith.constant 0 : i32
      %dma_wait3A_194 = tpu.memref_slice %arg9[%dma_wait3A_183, %dma_wait3A_192, %dma_wait3A_193] : memref<2x16x256xi32, #tpu.memory_space<vmem>> -> memref<1x16x256xi32, #tpu.memory_space<vmem>>
      %dma_wait3A_195 = tpu.memref_squeeze %dma_wait3A_194 : memref<1x16x256xi32, #tpu.memory_space<vmem>> -> memref<16x256xi32, #tpu.memory_space<vmem>>
      %dma_wait3A_196 = arith.constant 0 : i32
      %dma_wait3A_197 = arith.constant 0 : i32
      %dma_wait3A_198 = tpu.memref_slice %arg4[%arg0, %add3A_182, %dma_wait3A_196, %dma_wait3A_197] : memref<2x20x16x256xi32, #tpu.memory_space<hbm>> -> memref<1x1x16x256xi32, #tpu.memory_space<hbm>>
      %dma_wait3A_199 = tpu.memref_squeeze %dma_wait3A_198 : memref<1x1x16x256xi32, #tpu.memory_space<hbm>> -> memref<16x256xi32, #tpu.memory_space<hbm>>
      tpu.wait_dma2 semaphore(%arg13 : memref<!tpu.dma_semaphore, #tpu.memory_space<semaphore_mem>>) src(%dma_wait3A_199 : memref<16x256xi32, #tpu.memory_space<hbm>>) dst(%dma_wait3A_195 : memref<16x256xi32, #tpu.memory_space<vmem>>)
      %dma_wait3A_200 = arith.constant 1 : i32
      %dma_wait3A_201 = arith.constant 0 : i32
      %dma_wait3A_202 = arith.constant 0 : i32
      %dma_wait3A_203 = tpu.memref_slice %arg10[%dma_wait3A_200, %dma_wait3A_201, %dma_wait3A_202] : memref<2x16x256xi32, #tpu.memory_space<vmem>> -> memref<1x16x256xi32, #tpu.memory_space<vmem>>
      %dma_wait3A_204 = tpu.memref_squeeze %dma_wait3A_203 : memref<1x16x256xi32, #tpu.memory_space<vmem>> -> memref<16x256xi32, #tpu.memory_space<vmem>>
      %dma_wait3A_205 = arith.constant 0 : i32
      %dma_wait3A_206 = arith.constant 0 : i32
      %dma_wait3A_207 = tpu.memref_slice %arg5[%arg0, %add3A_182, %dma_wait3A_205, %dma_wait3A_206] : memref<2x20x16x256xi32, #tpu.memory_space<hbm>> -> memref<1x1x16x256xi32, #tpu.memory_space<hbm>>
      %dma_wait3A_208 = tpu.memref_squeeze %dma_wait3A_207 : memref<1x1x16x256xi32, #tpu.memory_space<hbm>> -> memref<16x256xi32, #tpu.memory_space<hbm>>
      %dma_wait3A_209 = arith.constant 0 : i32
      %dma_wait3A_210 = arith.constant 0 : i32
      %dma_wait3A_211 = tpu.memref_slice %arg10[%dma_wait3A_200, %dma_wait3A_209, %dma_wait3A_210] : memref<2x16x256xi32, #tpu.memory_space<vmem>> -> memref<1x16x256xi32, #tpu.memory_space<vmem>>
      %dma_wait3A_212 = tpu.memref_squeeze %dma_wait3A_211 : memref<1x16x256xi32, #tpu.memory_space<vmem>> -> memref<16x256xi32, #tpu.memory_space<vmem>>
      %dma_wait3A_213 = arith.constant 0 : i32
      %dma_wait3A_214 = arith.constant 0 : i32
      %dma_wait3A_215 = tpu.memref_slice %arg5[%arg0, %add3A_182, %dma_wait3A_213, %dma_wait3A_214] : memref<2x20x16x256xi32, #tpu.memory_space<hbm>> -> memref<1x1x16x256xi32, #tpu.memory_space<hbm>>
      %dma_wait3A_216 = tpu.memref_squeeze %dma_wait3A_215 : memref<1x1x16x256xi32, #tpu.memory_space<hbm>> -> memref<16x256xi32, #tpu.memory_space<hbm>>
      tpu.wait_dma2 semaphore(%arg13 : memref<!tpu.dma_semaphore, #tpu.memory_space<semaphore_mem>>) src(%dma_wait3A_216 : memref<16x256xi32, #tpu.memory_space<hbm>>) dst(%dma_wait3A_212 : memref<16x256xi32, #tpu.memory_space<vmem>>)
      %gt3A_217 = arith.constant 0 : i32
      %gt3A_218 = arith.cmpi sgt, %scan3A_112, %gt3A_217 : i32
      %convert_element_type3A_219 = arith.extui %gt3A_218 : i1 to i32
      %cond3A_220 = arith.constant 0 : i32
      %cond3A_221 = arith.cmpi ne, %convert_element_type3A_219, %cond3A_220 : i32
      scf.if %cond3A_221 {
        %sub3A = arith.constant 2 : i32
        %sub3A_249 = arith.subi %add3A_182, %sub3A : i32
        %mul3A_250 = arith.constant 5120 : i32
        %mul3A_251 = arith.muli %arg0, %mul3A_250 : i32
        %mul3A_252 = arith.constant 256 : i32
        %mul3A_253 = arith.muli %sub3A_249, %mul3A_252 : i32
        %add3A_254 = arith.addi %mul3A_251, %mul3A_253 : i32
        %dma_wait3A_255 = arith.constant 1 : i32
        %dma_wait3A_256 = arith.constant 0 : i32
        %dma_wait3A_257 = arith.constant 0 : i32
        %dma_wait3A_258 = tpu.memref_slice %arg11[%dma_wait3A_255, %dma_wait3A_256, %dma_wait3A_257] : memref<2x4x256xi32, #tpu.memory_space<vmem>> -> memref<1x4x256xi32, #tpu.memory_space<vmem>>
        %dma_wait3A_259 = tpu.memref_squeeze %dma_wait3A_258 : memref<1x4x256xi32, #tpu.memory_space<vmem>> -> memref<4x256xi32, #tpu.memory_space<vmem>>
        %dma_wait3A_260 = tpu.memref_slice %arg6[%mul3A_0, %add3A_254] : memref<64x10240xi32, #tpu.memory_space<hbm>> -> memref<4x256xi32, #tpu.memory_space<hbm>>
        %dma_wait3A_261 = tpu.memref_slice %arg6[%mul3A_0, %add3A_254] : memref<64x10240xi32, #tpu.memory_space<hbm>> -> memref<4x256xi32, #tpu.memory_space<hbm>>
        %dma_wait3A_262 = arith.constant 0 : i32
        %dma_wait3A_263 = arith.constant 0 : i32
        %dma_wait3A_264 = tpu.memref_slice %arg11[%dma_wait3A_255, %dma_wait3A_262, %dma_wait3A_263] : memref<2x4x256xi32, #tpu.memory_space<vmem>> -> memref<1x4x256xi32, #tpu.memory_space<vmem>>
        %dma_wait3A_265 = tpu.memref_squeeze %dma_wait3A_264 : memref<1x4x256xi32, #tpu.memory_space<vmem>> -> memref<4x256xi32, #tpu.memory_space<vmem>>
        tpu.wait_dma2 semaphore(%arg15 : memref<!tpu.dma_semaphore, #tpu.memory_space<semaphore_mem>>) src(%dma_wait3A_265 : memref<4x256xi32, #tpu.memory_space<vmem>>) dst(%dma_wait3A_261 : memref<4x256xi32, #tpu.memory_space<hbm>>)
      } else {
      }
      %scan3A_222 = arith.constant 0 : i32
      %scan3A_223 = arith.constant 0 : i32
      %scan3A_224 = arith.constant 16 : i32
      %scan3A_225 = arith.addi %scan3A_223, %scan3A_224 : i32
      %scan3A_226 = arith.constant 1 : i32
      scf.for %scan3A_249 = %scan3A_223 to %scan3A_225 step %scan3A_226  : i32 {
        %mul3A_250 = arith.constant 16 : i32
        %mul3A_251 = arith.muli %scan3A_249, %mul3A_250 : i32
        %get3A = arith.constant 1 : i32
        %get3A_252 = arith.constant 0 : i32
        %get3A_253 = arith.index_cast %get3A : i32 to index
        %get3A_254 = arith.index_cast %get3A_252 : i32 to index
        %get3A_255 = arith.index_cast %mul3A_251 : i32 to index
        %get3A_256 = tpu.vector_load %arg9[%get3A_253, %get3A_254, %get3A_255] {strides = array<i32>} : memref<2x16x256xi32, #tpu.memory_space<vmem>>, vector<16xi32>,
        %get3A_257 = arith.constant 1 : i32
        %get3A_258 = arith.constant 0 : i32
        %get3A_259 = arith.index_cast %get3A_257 : i32 to index
        %get3A_260 = arith.index_cast %get3A_258 : i32 to index
        %get3A_261 = arith.index_cast %mul3A_251 : i32 to index
        %get3A_262 = tpu.vector_load %arg10[%get3A_259, %get3A_260, %get3A_261] {strides = array<i32>} : memref<2x16x256xi32, #tpu.memory_space<vmem>>, vector<16xi32>,
        %gather3A = tpu.vector_load_idx %arg7[%broadcast_in_dim3A_1, %get3A_256] : memref<4x10240xi32, #tpu.memory_space<vmem>>[vector<16xi32>, vector<16xi32>], vector<16xi32>,
        %bitcast3A = vector.bitcast %gather3A : vector<16xi32> to vector<32xbf16>
        %gather3A_263 = tpu.vector_load_idx %arg8[%broadcast_in_dim3A_1, %get3A_262] : memref<4x10240xi32, #tpu.memory_space<vmem>>[vector<16xi32>, vector<16xi32>], vector<16xi32>,
        %bitcast3A_264 = vector.bitcast %gather3A_263 : vector<16xi32> to vector<32xbf16>
        %add3A_265 = arith.addf %bitcast3A, %bitcast3A_264 : vector<32xbf16>
        %gather3A_266 = tpu.vector_load_idx %arg7[%broadcast_in_dim3A_3, %get3A_256] : memref<4x10240xi32, #tpu.memory_space<vmem>>[vector<16xi32>, vector<16xi32>], vector<16xi32>,
        %bitcast3A_267 = vector.bitcast %gather3A_266 : vector<16xi32> to vector<32xbf16>
        %gather3A_268 = tpu.vector_load_idx %arg8[%broadcast_in_dim3A_3, %get3A_262] : memref<4x10240xi32, #tpu.memory_space<vmem>>[vector<16xi32>, vector<16xi32>], vector<16xi32>,
        %bitcast3A_269 = vector.bitcast %gather3A_268 : vector<16xi32> to vector<32xbf16>
        %add3A_270 = arith.addf %bitcast3A_267, %bitcast3A_269 : vector<32xbf16>
        %gather3A_271 = tpu.vector_load_idx %arg7[%broadcast_in_dim3A_5, %get3A_256] : memref<4x10240xi32, #tpu.memory_space<vmem>>[vector<16xi32>, vector<16xi32>], vector<16xi32>,
        %bitcast3A_272 = vector.bitcast %gather3A_271 : vector<16xi32> to vector<32xbf16>
        %gather3A_273 = tpu.vector_load_idx %arg8[%broadcast_in_dim3A_5, %get3A_262] : memref<4x10240xi32, #tpu.memory_space<vmem>>[vector<16xi32>, vector<16xi32>], vector<16xi32>,
        %bitcast3A_274 = vector.bitcast %gather3A_273 : vector<16xi32> to vector<32xbf16>
        %add3A_275 = arith.addf %bitcast3A_272, %bitcast3A_274 : vector<32xbf16>
        %gather3A_276 = tpu.vector_load_idx %arg7[%broadcast_in_dim3A_7, %get3A_256] : memref<4x10240xi32, #tpu.memory_space<vmem>>[vector<16xi32>, vector<16xi32>], vector<16xi32>,
        %bitcast3A_277 = vector.bitcast %gather3A_276 : vector<16xi32> to vector<32xbf16>
        %gather3A_278 = tpu.vector_load_idx %arg8[%broadcast_in_dim3A_7, %get3A_262] : memref<4x10240xi32, #tpu.memory_space<vmem>>[vector<16xi32>, vector<16xi32>], vector<16xi32>,
        %bitcast3A_279 = vector.bitcast %gather3A_278 : vector<16xi32> to vector<32xbf16>
        %add3A_280 = arith.addf %bitcast3A_277, %bitcast3A_279 : vector<32xbf16>
        %get3A_281 = arith.constant 1 : i32
        %get3A_282 = arith.constant 1 : i32
        %get3A_283 = arith.index_cast %get3A_281 : i32 to index
        %get3A_284 = arith.index_cast %get3A_282 : i32 to index
        %get3A_285 = arith.index_cast %mul3A_251 : i32 to index
        %get3A_286 = tpu.vector_load %arg9[%get3A_283, %get3A_284, %get3A_285] {strides = array<i32>} : memref<2x16x256xi32, #tpu.memory_space<vmem>>, vector<16xi32>,
        %get3A_287 = arith.constant 1 : i32
        %get3A_288 = arith.constant 1 : i32
        %get3A_289 = arith.index_cast %get3A_287 : i32 to index
        %get3A_290 = arith.index_cast %get3A_288 : i32 to index
        %get3A_291 = arith.index_cast %mul3A_251 : i32 to index
        %get3A_292 = tpu.vector_load %arg10[%get3A_289, %get3A_290, %get3A_291] {strides = array<i32>} : memref<2x16x256xi32, #tpu.memory_space<vmem>>, vector<16xi32>,
        %gather3A_293 = tpu.vector_load_idx %arg7[%broadcast_in_dim3A_1, %get3A_286] : memref<4x10240xi32, #tpu.memory_space<vmem>>[vector<16xi32>, vector<16xi32>], vector<16xi32>,
        %bitcast3A_294 = vector.bitcast %gather3A_293 : vector<16xi32> to vector<32xbf16>
        %gather3A_295 = tpu.vector_load_idx %arg8[%broadcast_in_dim3A_1, %get3A_292] : memref<4x10240xi32, #tpu.memory_space<vmem>>[vector<16xi32>, vector<16xi32>], vector<16xi32>,
        %bitcast3A_296 = vector.bitcast %gather3A_295 : vector<16xi32> to vector<32xbf16>
        %add3A_297 = arith.addf %bitcast3A_294, %bitcast3A_296 : vector<32xbf16>
        %max3A = arith.maximumf %add3A_265, %add3A_297 : vector<32xbf16>
        %gather3A_298 = tpu.vector_load_idx %arg7[%broadcast_in_dim3A_3, %get3A_286] : memref<4x10240xi32, #tpu.memory_space<vmem>>[vector<16xi32>, vector<16xi32>], vector<16xi32>,
        %bitcast3A_299 = vector.bitcast %gather3A_298 : vector<16xi32> to vector<32xbf16>
        %gather3A_300 = tpu.vector_load_idx %arg8[%broadcast_in_dim3A_3, %get3A_292] : memref<4x10240xi32, #tpu.memory_space<vmem>>[vector<16xi32>, vector<16xi32>], vector<16xi32>,
        %bitcast3A_301 = vector.bitcast %gather3A_300 : vector<16xi32> to vector<32xbf16>
        %add3A_302 = arith.addf %bitcast3A_299, %bitcast3A_301 : vector<32xbf16>
        %max3A_303 = arith.maximumf %add3A_270, %add3A_302 : vector<32xbf16>
        %gather3A_304 = tpu.vector_load_idx %arg7[%broadcast_in_dim3A_5, %get3A_286] : memref<4x10240xi32, #tpu.memory_space<vmem>>[vector<16xi32>, vector<16xi32>], vector<16xi32>,
        %bitcast3A_305 = vector.bitcast %gather3A_304 : vector<16xi32> to vector<32xbf16>
        %gather3A_306 = tpu.vector_load_idx %arg8[%broadcast_in_dim3A_5, %get3A_292] : memref<4x10240xi32, #tpu.memory_space<vmem>>[vector<16xi32>, vector<16xi32>], vector<16xi32>,
        %bitcast3A_307 = vector.bitcast %gather3A_306 : vector<16xi32> to vector<32xbf16>
        %add3A_308 = arith.addf %bitcast3A_305, %bitcast3A_307 : vector<32xbf16>
        %max3A_309 = arith.maximumf %add3A_275, %add3A_308 : vector<32xbf16>
        %gather3A_310 = tpu.vector_load_idx %arg7[%broadcast_in_dim3A_7, %get3A_286] : memref<4x10240xi32, #tpu.memory_space<vmem>>[vector<16xi32>, vector<16xi32>], vector<16xi32>,
        %bitcast3A_311 = vector.bitcast %gather3A_310 : vector<16xi32> to vector<32xbf16>
        %gather3A_312 = tpu.vector_load_idx %arg8[%broadcast_in_dim3A_7, %get3A_292] : memref<4x10240xi32, #tpu.memory_space<vmem>>[vector<16xi32>, vector<16xi32>], vector<16xi32>,
        %bitcast3A_313 = vector.bitcast %gather3A_312 : vector<16xi32> to vector<32xbf16>
        %add3A_314 = arith.addf %bitcast3A_311, %bitcast3A_313 : vector<32xbf16>
        %max3A_315 = arith.maximumf %add3A_280, %add3A_314 : vector<32xbf16>
        %get3A_316 = arith.constant 1 : i32
        %get3A_317 = arith.constant 2 : i32
        %get3A_318 = arith.index_cast %get3A_316 : i32 to index
        %get3A_319 = arith.index_cast %get3A_317 : i32 to index
        %get3A_320 = arith.index_cast %mul3A_251 : i32 to index
        %get3A_321 = tpu.vector_load %arg9[%get3A_318, %get3A_319, %get3A_320] {strides = array<i32>} : memref<2x16x256xi32, #tpu.memory_space<vmem>>, vector<16xi32>,
        %get3A_322 = arith.constant 1 : i32
        %get3A_323 = arith.constant 2 : i32
        %get3A_324 = arith.index_cast %get3A_322 : i32 to index
        %get3A_325 = arith.index_cast %get3A_323 : i32 to index
        %get3A_326 = arith.index_cast %mul3A_251 : i32 to index
        %get3A_327 = tpu.vector_load %arg10[%get3A_324, %get3A_325, %get3A_326] {strides = array<i32>} : memref<2x16x256xi32, #tpu.memory_space<vmem>>, vector<16xi32>,
        %gather3A_328 = tpu.vector_load_idx %arg7[%broadcast_in_dim3A_1, %get3A_321] : memref<4x10240xi32, #tpu.memory_space<vmem>>[vector<16xi32>, vector<16xi32>], vector<16xi32>,
        %bitcast3A_329 = vector.bitcast %gather3A_328 : vector<16xi32> to vector<32xbf16>
        %gather3A_330 = tpu.vector_load_idx %arg8[%broadcast_in_dim3A_1, %get3A_327] : memref<4x10240xi32, #tpu.memory_space<vmem>>[vector<16xi32>, vector<16xi32>], vector<16xi32>,
        %bitcast3A_331 = vector.bitcast %gather3A_330 : vector<16xi32> to vector<32xbf16>
        %add3A_332 = arith.addf %bitcast3A_329, %bitcast3A_331 : vector<32xbf16>
        %max3A_333 = arith.maximumf %max3A, %add3A_332 : vector<32xbf16>
        %gather3A_334 = tpu.vector_load_idx %arg7[%broadcast_in_dim3A_3, %get3A_321] : memref<4x10240xi32, #tpu.memory_space<vmem>>[vector<16xi32>, vector<16xi32>], vector<16xi32>,
        %bitcast3A_335 = vector.bitcast %gather3A_334 : vector<16xi32> to vector<32xbf16>
        %gather3A_336 = tpu.vector_load_idx %arg8[%broadcast_in_dim3A_3, %get3A_327] : memref<4x10240xi32, #tpu.memory_space<vmem>>[vector<16xi32>, vector<16xi32>], vector<16xi32>,
        %bitcast3A_337 = vector.bitcast %gather3A_336 : vector<16xi32> to vector<32xbf16>
        %add3A_338 = arith.addf %bitcast3A_335, %bitcast3A_337 : vector<32xbf16>
        %max3A_339 = arith.maximumf %max3A_303, %add3A_338 : vector<32xbf16>
        %gather3A_340 = tpu.vector_load_idx %arg7[%broadcast_in_dim3A_5, %get3A_321] : memref<4x10240xi32, #tpu.memory_space<vmem>>[vector<16xi32>, vector<16xi32>], vector<16xi32>,
        %bitcast3A_341 = vector.bitcast %gather3A_340 : vector<16xi32> to vector<32xbf16>
        %gather3A_342 = tpu.vector_load_idx %arg8[%broadcast_in_dim3A_5, %get3A_327] : memref<4x10240xi32, #tpu.memory_space<vmem>>[vector<16xi32>, vector<16xi32>], vector<16xi32>,
        %bitcast3A_343 = vector.bitcast %gather3A_342 : vector<16xi32> to vector<32xbf16>
        %add3A_344 = arith.addf %bitcast3A_341, %bitcast3A_343 : vector<32xbf16>
        %max3A_345 = arith.maximumf %max3A_309, %add3A_344 : vector<32xbf16>
        %gather3A_346 = tpu.vector_load_idx %arg7[%broadcast_in_dim3A_7, %get3A_321] : memref<4x10240xi32, #tpu.memory_space<vmem>>[vector<16xi32>, vector<16xi32>], vector<16xi32>,
        %bitcast3A_347 = vector.bitcast %gather3A_346 : vector<16xi32> to vector<32xbf16>
        %gather3A_348 = tpu.vector_load_idx %arg8[%broadcast_in_dim3A_7, %get3A_327] : memref<4x10240xi32, #tpu.memory_space<vmem>>[vector<16xi32>, vector<16xi32>], vector<16xi32>,
        %bitcast3A_349 = vector.bitcast %gather3A_348 : vector<16xi32> to vector<32xbf16>
        %add3A_350 = arith.addf %bitcast3A_347, %bitcast3A_349 : vector<32xbf16>
        %max3A_351 = arith.maximumf %max3A_315, %add3A_350 : vector<32xbf16>
        %get3A_352 = arith.constant 1 : i32
        %get3A_353 = arith.constant 3 : i32
        %get3A_354 = arith.index_cast %get3A_352 : i32 to index
        %get3A_355 = arith.index_cast %get3A_353 : i32 to index
        %get3A_356 = arith.index_cast %mul3A_251 : i32 to index
        %get3A_357 = tpu.vector_load %arg9[%get3A_354, %get3A_355, %get3A_356] {strides = array<i32>} : memref<2x16x256xi32, #tpu.memory_space<vmem>>, vector<16xi32>,
        %get3A_358 = arith.constant 1 : i32
        %get3A_359 = arith.constant 3 : i32
        %get3A_360 = arith.index_cast %get3A_358 : i32 to index
        %get3A_361 = arith.index_cast %get3A_359 : i32 to index
        %get3A_362 = arith.index_cast %mul3A_251 : i32 to index
        %get3A_363 = tpu.vector_load %arg10[%get3A_360, %get3A_361, %get3A_362] {strides = array<i32>} : memref<2x16x256xi32, #tpu.memory_space<vmem>>, vector<16xi32>,
        %gather3A_364 = tpu.vector_load_idx %arg7[%broadcast_in_dim3A_1, %get3A_357] : memref<4x10240xi32, #tpu.memory_space<vmem>>[vector<16xi32>, vector<16xi32>], vector<16xi32>,
        %bitcast3A_365 = vector.bitcast %gather3A_364 : vector<16xi32> to vector<32xbf16>
        %gather3A_366 = tpu.vector_load_idx %arg8[%broadcast_in_dim3A_1, %get3A_363] : memref<4x10240xi32, #tpu.memory_space<vmem>>[vector<16xi32>, vector<16xi32>], vector<16xi32>,
        %bitcast3A_367 = vector.bitcast %gather3A_366 : vector<16xi32> to vector<32xbf16>
        %add3A_368 = arith.addf %bitcast3A_365, %bitcast3A_367 : vector<32xbf16>
        %max3A_369 = arith.maximumf %max3A_333, %add3A_368 : vector<32xbf16>
        %gather3A_370 = tpu.vector_load_idx %arg7[%broadcast_in_dim3A_3, %get3A_357] : memref<4x10240xi32, #tpu.memory_space<vmem>>[vector<16xi32>, vector<16xi32>], vector<16xi32>,
        %bitcast3A_371 = vector.bitcast %gather3A_370 : vector<16xi32> to vector<32xbf16>
        %gather3A_372 = tpu.vector_load_idx %arg8[%broadcast_in_dim3A_3, %get3A_363] : memref<4x10240xi32, #tpu.memory_space<vmem>>[vector<16xi32>, vector<16xi32>], vector<16xi32>,
        %bitcast3A_373 = vector.bitcast %gather3A_372 : vector<16xi32> to vector<32xbf16>
        %add3A_374 = arith.addf %bitcast3A_371, %bitcast3A_373 : vector<32xbf16>
        %max3A_375 = arith.maximumf %max3A_339, %add3A_374 : vector<32xbf16>
        %gather3A_376 = tpu.vector_load_idx %arg7[%broadcast_in_dim3A_5, %get3A_357] : memref<4x10240xi32, #tpu.memory_space<vmem>>[vector<16xi32>, vector<16xi32>], vector<16xi32>,
        %bitcast3A_377 = vector.bitcast %gather3A_376 : vector<16xi32> to vector<32xbf16>
        %gather3A_378 = tpu.vector_load_idx %arg8[%broadcast_in_dim3A_5, %get3A_363] : memref<4x10240xi32, #tpu.memory_space<vmem>>[vector<16xi32>, vector<16xi32>], vector<16xi32>,
        %bitcast3A_379 = vector.bitcast %gather3A_378 : vector<16xi32> to vector<32xbf16>
        %add3A_380 = arith.addf %bitcast3A_377, %bitcast3A_379 : vector<32xbf16>
        %max3A_381 = arith.maximumf %max3A_345, %add3A_380 : vector<32xbf16>
        %gather3A_382 = tpu.vector_load_idx %arg7[%broadcast_in_dim3A_7, %get3A_357] : memref<4x10240xi32, #tpu.memory_space<vmem>>[vector<16xi32>, vector<16xi32>], vector<16xi32>,
        %bitcast3A_383 = vector.bitcast %gather3A_382 : vector<16xi32> to vector<32xbf16>
        %gather3A_384 = tpu.vector_load_idx %arg8[%broadcast_in_dim3A_7, %get3A_363] : memref<4x10240xi32, #tpu.memory_space<vmem>>[vector<16xi32>, vector<16xi32>], vector<16xi32>,
        %bitcast3A_385 = vector.bitcast %gather3A_384 : vector<16xi32> to vector<32xbf16>
        %add3A_386 = arith.addf %bitcast3A_383, %bitcast3A_385 : vector<32xbf16>
        %max3A_387 = arith.maximumf %max3A_351, %add3A_386 : vector<32xbf16>
        %get3A_388 = arith.constant 1 : i32
        %get3A_389 = arith.constant 4 : i32
        %get3A_390 = arith.index_cast %get3A_388 : i32 to index
        %get3A_391 = arith.index_cast %get3A_389 : i32 to index
        %get3A_392 = arith.index_cast %mul3A_251 : i32 to index
        %get3A_393 = tpu.vector_load %arg9[%get3A_390, %get3A_391, %get3A_392] {strides = array<i32>} : memref<2x16x256xi32, #tpu.memory_space<vmem>>, vector<16xi32>,
        %get3A_394 = arith.constant 1 : i32
        %get3A_395 = arith.constant 4 : i32
        %get3A_396 = arith.index_cast %get3A_394 : i32 to index
        %get3A_397 = arith.index_cast %get3A_395 : i32 to index
        %get3A_398 = arith.index_cast %mul3A_251 : i32 to index
        %get3A_399 = tpu.vector_load %arg10[%get3A_396, %get3A_397, %get3A_398] {strides = array<i32>} : memref<2x16x256xi32, #tpu.memory_space<vmem>>, vector<16xi32>,
        %gather3A_400 = tpu.vector_load_idx %arg7[%broadcast_in_dim3A_1, %get3A_393] : memref<4x10240xi32, #tpu.memory_space<vmem>>[vector<16xi32>, vector<16xi32>], vector<16xi32>,
        %bitcast3A_401 = vector.bitcast %gather3A_400 : vector<16xi32> to vector<32xbf16>
        %gather3A_402 = tpu.vector_load_idx %arg8[%broadcast_in_dim3A_1, %get3A_399] : memref<4x10240xi32, #tpu.memory_space<vmem>>[vector<16xi32>, vector<16xi32>], vector<16xi32>,
        %bitcast3A_403 = vector.bitcast %gather3A_402 : vector<16xi32> to vector<32xbf16>
        %add3A_404 = arith.addf %bitcast3A_401, %bitcast3A_403 : vector<32xbf16>
        %max3A_405 = arith.maximumf %max3A_369, %add3A_404 : vector<32xbf16>
        %gather3A_406 = tpu.vector_load_idx %arg7[%broadcast_in_dim3A_3, %get3A_393] : memref<4x10240xi32, #tpu.memory_space<vmem>>[vector<16xi32>, vector<16xi32>], vector<16xi32>,
        %bitcast3A_407 = vector.bitcast %gather3A_406 : vector<16xi32> to vector<32xbf16>
        %gather3A_408 = tpu.vector_load_idx %arg8[%broadcast_in_dim3A_3, %get3A_399] : memref<4x10240xi32, #tpu.memory_space<vmem>>[vector<16xi32>, vector<16xi32>], vector<16xi32>,
        %bitcast3A_409 = vector.bitcast %gather3A_408 : vector<16xi32> to vector<32xbf16>
        %add3A_410 = arith.addf %bitcast3A_407, %bitcast3A_409 : vector<32xbf16>
        %max3A_411 = arith.maximumf %max3A_375, %add3A_410 : vector<32xbf16>
        %gather3A_412 = tpu.vector_load_idx %arg7[%broadcast_in_dim3A_5, %get3A_393] : memref<4x10240xi32, #tpu.memory_space<vmem>>[vector<16xi32>, vector<16xi32>], vector<16xi32>,
        %bitcast3A_413 = vector.bitcast %gather3A_412 : vector<16xi32> to vector<32xbf16>
        %gather3A_414 = tpu.vector_load_idx %arg8[%broadcast_in_dim3A_5, %get3A_399] : memref<4x10240xi32, #tpu.memory_space<vmem>>[vector<16xi32>, vector<16xi32>], vector<16xi32>,
        %bitcast3A_415 = vector.bitcast %gather3A_414 : vector<16xi32> to vector<32xbf16>
        %add3A_416 = arith.addf %bitcast3A_413, %bitcast3A_415 : vector<32xbf16>
        %max3A_417 = arith.maximumf %max3A_381, %add3A_416 : vector<32xbf16>
        %gather3A_418 = tpu.vector_load_idx %arg7[%broadcast_in_dim3A_7, %get3A_393] : memref<4x10240xi32, #tpu.memory_space<vmem>>[vector<16xi32>, vector<16xi32>], vector<16xi32>,
        %bitcast3A_419 = vector.bitcast %gather3A_418 : vector<16xi32> to vector<32xbf16>
        %gather3A_420 = tpu.vector_load_idx %arg8[%broadcast_in_dim3A_7, %get3A_399] : memref<4x10240xi32, #tpu.memory_space<vmem>>[vector<16xi32>, vector<16xi32>], vector<16xi32>,
        %bitcast3A_421 = vector.bitcast %gather3A_420 : vector<16xi32> to vector<32xbf16>
        %add3A_422 = arith.addf %bitcast3A_419, %bitcast3A_421 : vector<32xbf16>
        %max3A_423 = arith.maximumf %max3A_387, %add3A_422 : vector<32xbf16>
        %get3A_424 = arith.constant 1 : i32
        %get3A_425 = arith.constant 5 : i32
        %get3A_426 = arith.index_cast %get3A_424 : i32 to index
        %get3A_427 = arith.index_cast %get3A_425 : i32 to index
        %get3A_428 = arith.index_cast %mul3A_251 : i32 to index
        %get3A_429 = tpu.vector_load %arg9[%get3A_426, %get3A_427, %get3A_428] {strides = array<i32>} : memref<2x16x256xi32, #tpu.memory_space<vmem>>, vector<16xi32>,
        %get3A_430 = arith.constant 1 : i32
        %get3A_431 = arith.constant 5 : i32
        %get3A_432 = arith.index_cast %get3A_430 : i32 to index
        %get3A_433 = arith.index_cast %get3A_431 : i32 to index
        %get3A_434 = arith.index_cast %mul3A_251 : i32 to index
        %get3A_435 = tpu.vector_load %arg10[%get3A_432, %get3A_433, %get3A_434] {strides = array<i32>} : memref<2x16x256xi32, #tpu.memory_space<vmem>>, vector<16xi32>,
        %gather3A_436 = tpu.vector_load_idx %arg7[%broadcast_in_dim3A_1, %get3A_429] : memref<4x10240xi32, #tpu.memory_space<vmem>>[vector<16xi32>, vector<16xi32>], vector<16xi32>,
        %bitcast3A_437 = vector.bitcast %gather3A_436 : vector<16xi32> to vector<32xbf16>
        %gather3A_438 = tpu.vector_load_idx %arg8[%broadcast_in_dim3A_1, %get3A_435] : memref<4x10240xi32, #tpu.memory_space<vmem>>[vector<16xi32>, vector<16xi32>], vector<16xi32>,
        %bitcast3A_439 = vector.bitcast %gather3A_438 : vector<16xi32> to vector<32xbf16>
        %add3A_440 = arith.addf %bitcast3A_437, %bitcast3A_439 : vector<32xbf16>
        %max3A_441 = arith.maximumf %max3A_405, %add3A_440 : vector<32xbf16>
        %gather3A_442 = tpu.vector_load_idx %arg7[%broadcast_in_dim3A_3, %get3A_429] : memref<4x10240xi32, #tpu.memory_space<vmem>>[vector<16xi32>, vector<16xi32>], vector<16xi32>,
        %bitcast3A_443 = vector.bitcast %gather3A_442 : vector<16xi32> to vector<32xbf16>
        %gather3A_444 = tpu.vector_load_idx %arg8[%broadcast_in_dim3A_3, %get3A_435] : memref<4x10240xi32, #tpu.memory_space<vmem>>[vector<16xi32>, vector<16xi32>], vector<16xi32>,
        %bitcast3A_445 = vector.bitcast %gather3A_444 : vector<16xi32> to vector<32xbf16>
        %add3A_446 = arith.addf %bitcast3A_443, %bitcast3A_445 : vector<32xbf16>
        %max3A_447 = arith.maximumf %max3A_411, %add3A_446 : vector<32xbf16>
        %gather3A_448 = tpu.vector_load_idx %arg7[%broadcast_in_dim3A_5, %get3A_429] : memref<4x10240xi32, #tpu.memory_space<vmem>>[vector<16xi32>, vector<16xi32>], vector<16xi32>,
        %bitcast3A_449 = vector.bitcast %gather3A_448 : vector<16xi32> to vector<32xbf16>
        %gather3A_450 = tpu.vector_load_idx %arg8[%broadcast_in_dim3A_5, %get3A_435] : memref<4x10240xi32, #tpu.memory_space<vmem>>[vector<16xi32>, vector<16xi32>], vector<16xi32>,
        %bitcast3A_451 = vector.bitcast %gather3A_450 : vector<16xi32> to vector<32xbf16>
        %add3A_452 = arith.addf %bitcast3A_449, %bitcast3A_451 : vector<32xbf16>
        %max3A_453 = arith.maximumf %max3A_417, %add3A_452 : vector<32xbf16>
        %gather3A_454 = tpu.vector_load_idx %arg7[%broadcast_in_dim3A_7, %get3A_429] : memref<4x10240xi32, #tpu.memory_space<vmem>>[vector<16xi32>, vector<16xi32>], vector<16xi32>,
        %bitcast3A_455 = vector.bitcast %gather3A_454 : vector<16xi32> to vector<32xbf16>
        %gather3A_456 = tpu.vector_load_idx %arg8[%broadcast_in_dim3A_7, %get3A_435] : memref<4x10240xi32, #tpu.memory_space<vmem>>[vector<16xi32>, vector<16xi32>], vector<16xi32>,
        %bitcast3A_457 = vector.bitcast %gather3A_456 : vector<16xi32> to vector<32xbf16>
        %add3A_458 = arith.addf %bitcast3A_455, %bitcast3A_457 : vector<32xbf16>
        %max3A_459 = arith.maximumf %max3A_423, %add3A_458 : vector<32xbf16>
        %get3A_460 = arith.constant 1 : i32
        %get3A_461 = arith.constant 6 : i32
        %get3A_462 = arith.index_cast %get3A_460 : i32 to index
        %get3A_463 = arith.index_cast %get3A_461 : i32 to index
        %get3A_464 = arith.index_cast %mul3A_251 : i32 to index
        %get3A_465 = tpu.vector_load %arg9[%get3A_462, %get3A_463, %get3A_464] {strides = array<i32>} : memref<2x16x256xi32, #tpu.memory_space<vmem>>, vector<16xi32>,
        %get3A_466 = arith.constant 1 : i32
        %get3A_467 = arith.constant 6 : i32
        %get3A_468 = arith.index_cast %get3A_466 : i32 to index
        %get3A_469 = arith.index_cast %get3A_467 : i32 to index
        %get3A_470 = arith.index_cast %mul3A_251 : i32 to index
        %get3A_471 = tpu.vector_load %arg10[%get3A_468, %get3A_469, %get3A_470] {strides = array<i32>} : memref<2x16x256xi32, #tpu.memory_space<vmem>>, vector<16xi32>,
        %gather3A_472 = tpu.vector_load_idx %arg7[%broadcast_in_dim3A_1, %get3A_465] : memref<4x10240xi32, #tpu.memory_space<vmem>>[vector<16xi32>, vector<16xi32>], vector<16xi32>,
        %bitcast3A_473 = vector.bitcast %gather3A_472 : vector<16xi32> to vector<32xbf16>
        %gather3A_474 = tpu.vector_load_idx %arg8[%broadcast_in_dim3A_1, %get3A_471] : memref<4x10240xi32, #tpu.memory_space<vmem>>[vector<16xi32>, vector<16xi32>], vector<16xi32>,
        %bitcast3A_475 = vector.bitcast %gather3A_474 : vector<16xi32> to vector<32xbf16>
        %add3A_476 = arith.addf %bitcast3A_473, %bitcast3A_475 : vector<32xbf16>
        %max3A_477 = arith.maximumf %max3A_441, %add3A_476 : vector<32xbf16>
        %gather3A_478 = tpu.vector_load_idx %arg7[%broadcast_in_dim3A_3, %get3A_465] : memref<4x10240xi32, #tpu.memory_space<vmem>>[vector<16xi32>, vector<16xi32>], vector<16xi32>,
        %bitcast3A_479 = vector.bitcast %gather3A_478 : vector<16xi32> to vector<32xbf16>
        %gather3A_480 = tpu.vector_load_idx %arg8[%broadcast_in_dim3A_3, %get3A_471] : memref<4x10240xi32, #tpu.memory_space<vmem>>[vector<16xi32>, vector<16xi32>], vector<16xi32>,
        %bitcast3A_481 = vector.bitcast %gather3A_480 : vector<16xi32> to vector<32xbf16>
        %add3A_482 = arith.addf %bitcast3A_479, %bitcast3A_481 : vector<32xbf16>
        %max3A_483 = arith.maximumf %max3A_447, %add3A_482 : vector<32xbf16>
        %gather3A_484 = tpu.vector_load_idx %arg7[%broadcast_in_dim3A_5, %get3A_465] : memref<4x10240xi32, #tpu.memory_space<vmem>>[vector<16xi32>, vector<16xi32>], vector<16xi32>,
        %bitcast3A_485 = vector.bitcast %gather3A_484 : vector<16xi32> to vector<32xbf16>
        %gather3A_486 = tpu.vector_load_idx %arg8[%broadcast_in_dim3A_5, %get3A_471] : memref<4x10240xi32, #tpu.memory_space<vmem>>[vector<16xi32>, vector<16xi32>], vector<16xi32>,
        %bitcast3A_487 = vector.bitcast %gather3A_486 : vector<16xi32> to vector<32xbf16>
        %add3A_488 = arith.addf %bitcast3A_485, %bitcast3A_487 : vector<32xbf16>
        %max3A_489 = arith.maximumf %max3A_453, %add3A_488 : vector<32xbf16>
        %gather3A_490 = tpu.vector_load_idx %arg7[%broadcast_in_dim3A_7, %get3A_465] : memref<4x10240xi32, #tpu.memory_space<vmem>>[vector<16xi32>, vector<16xi32>], vector<16xi32>,
        %bitcast3A_491 = vector.bitcast %gather3A_490 : vector<16xi32> to vector<32xbf16>
        %gather3A_492 = tpu.vector_load_idx %arg8[%broadcast_in_dim3A_7, %get3A_471] : memref<4x10240xi32, #tpu.memory_space<vmem>>[vector<16xi32>, vector<16xi32>], vector<16xi32>,
        %bitcast3A_493 = vector.bitcast %gather3A_492 : vector<16xi32> to vector<32xbf16>
        %add3A_494 = arith.addf %bitcast3A_491, %bitcast3A_493 : vector<32xbf16>
        %max3A_495 = arith.maximumf %max3A_459, %add3A_494 : vector<32xbf16>
        %get3A_496 = arith.constant 1 : i32
        %get3A_497 = arith.constant 7 : i32
        %get3A_498 = arith.index_cast %get3A_496 : i32 to index
        %get3A_499 = arith.index_cast %get3A_497 : i32 to index
        %get3A_500 = arith.index_cast %mul3A_251 : i32 to index
        %get3A_501 = tpu.vector_load %arg9[%get3A_498, %get3A_499, %get3A_500] {strides = array<i32>} : memref<2x16x256xi32, #tpu.memory_space<vmem>>, vector<16xi32>,
        %get3A_502 = arith.constant 1 : i32
        %get3A_503 = arith.constant 7 : i32
        %get3A_504 = arith.index_cast %get3A_502 : i32 to index
        %get3A_505 = arith.index_cast %get3A_503 : i32 to index
        %get3A_506 = arith.index_cast %mul3A_251 : i32 to index
        %get3A_507 = tpu.vector_load %arg10[%get3A_504, %get3A_505, %get3A_506] {strides = array<i32>} : memref<2x16x256xi32, #tpu.memory_space<vmem>>, vector<16xi32>,
        %gather3A_508 = tpu.vector_load_idx %arg7[%broadcast_in_dim3A_1, %get3A_501] : memref<4x10240xi32, #tpu.memory_space<vmem>>[vector<16xi32>, vector<16xi32>], vector<16xi32>,
        %bitcast3A_509 = vector.bitcast %gather3A_508 : vector<16xi32> to vector<32xbf16>
        %gather3A_510 = tpu.vector_load_idx %arg8[%broadcast_in_dim3A_1, %get3A_507] : memref<4x10240xi32, #tpu.memory_space<vmem>>[vector<16xi32>, vector<16xi32>], vector<16xi32>,
        %bitcast3A_511 = vector.bitcast %gather3A_510 : vector<16xi32> to vector<32xbf16>
        %add3A_512 = arith.addf %bitcast3A_509, %bitcast3A_511 : vector<32xbf16>
        %max3A_513 = arith.maximumf %max3A_477, %add3A_512 : vector<32xbf16>
        %gather3A_514 = tpu.vector_load_idx %arg7[%broadcast_in_dim3A_3, %get3A_501] : memref<4x10240xi32, #tpu.memory_space<vmem>>[vector<16xi32>, vector<16xi32>], vector<16xi32>,
        %bitcast3A_515 = vector.bitcast %gather3A_514 : vector<16xi32> to vector<32xbf16>
        %gather3A_516 = tpu.vector_load_idx %arg8[%broadcast_in_dim3A_3, %get3A_507] : memref<4x10240xi32, #tpu.memory_space<vmem>>[vector<16xi32>, vector<16xi32>], vector<16xi32>,
        %bitcast3A_517 = vector.bitcast %gather3A_516 : vector<16xi32> to vector<32xbf16>
        %add3A_518 = arith.addf %bitcast3A_515, %bitcast3A_517 : vector<32xbf16>
        %max3A_519 = arith.maximumf %max3A_483, %add3A_518 : vector<32xbf16>
        %gather3A_520 = tpu.vector_load_idx %arg7[%broadcast_in_dim3A_5, %get3A_501] : memref<4x10240xi32, #tpu.memory_space<vmem>>[vector<16xi32>, vector<16xi32>], vector<16xi32>,
        %bitcast3A_521 = vector.bitcast %gather3A_520 : vector<16xi32> to vector<32xbf16>
        %gather3A_522 = tpu.vector_load_idx %arg8[%broadcast_in_dim3A_5, %get3A_507] : memref<4x10240xi32, #tpu.memory_space<vmem>>[vector<16xi32>, vector<16xi32>], vector<16xi32>,
        %bitcast3A_523 = vector.bitcast %gather3A_522 : vector<16xi32> to vector<32xbf16>
        %add3A_524 = arith.addf %bitcast3A_521, %bitcast3A_523 : vector<32xbf16>
        %max3A_525 = arith.maximumf %max3A_489, %add3A_524 : vector<32xbf16>
        %gather3A_526 = tpu.vector_load_idx %arg7[%broadcast_in_dim3A_7, %get3A_501] : memref<4x10240xi32, #tpu.memory_space<vmem>>[vector<16xi32>, vector<16xi32>], vector<16xi32>,
        %bitcast3A_527 = vector.bitcast %gather3A_526 : vector<16xi32> to vector<32xbf16>
        %gather3A_528 = tpu.vector_load_idx %arg8[%broadcast_in_dim3A_7, %get3A_507] : memref<4x10240xi32, #tpu.memory_space<vmem>>[vector<16xi32>, vector<16xi32>], vector<16xi32>,
        %bitcast3A_529 = vector.bitcast %gather3A_528 : vector<16xi32> to vector<32xbf16>
        %add3A_530 = arith.addf %bitcast3A_527, %bitcast3A_529 : vector<32xbf16>
        %max3A_531 = arith.maximumf %max3A_495, %add3A_530 : vector<32xbf16>
        %get3A_532 = arith.constant 1 : i32
        %get3A_533 = arith.constant 8 : i32
        %get3A_534 = arith.index_cast %get3A_532 : i32 to index
        %get3A_535 = arith.index_cast %get3A_533 : i32 to index
        %get3A_536 = arith.index_cast %mul3A_251 : i32 to index
        %get3A_537 = tpu.vector_load %arg9[%get3A_534, %get3A_535, %get3A_536] {strides = array<i32>} : memref<2x16x256xi32, #tpu.memory_space<vmem>>, vector<16xi32>,
        %get3A_538 = arith.constant 1 : i32
        %get3A_539 = arith.constant 8 : i32
        %get3A_540 = arith.index_cast %get3A_538 : i32 to index
        %get3A_541 = arith.index_cast %get3A_539 : i32 to index
        %get3A_542 = arith.index_cast %mul3A_251 : i32 to index
        %get3A_543 = tpu.vector_load %arg10[%get3A_540, %get3A_541, %get3A_542] {strides = array<i32>} : memref<2x16x256xi32, #tpu.memory_space<vmem>>, vector<16xi32>,
        %gather3A_544 = tpu.vector_load_idx %arg7[%broadcast_in_dim3A_1, %get3A_537] : memref<4x10240xi32, #tpu.memory_space<vmem>>[vector<16xi32>, vector<16xi32>], vector<16xi32>,
        %bitcast3A_545 = vector.bitcast %gather3A_544 : vector<16xi32> to vector<32xbf16>
        %gather3A_546 = tpu.vector_load_idx %arg8[%broadcast_in_dim3A_1, %get3A_543] : memref<4x10240xi32, #tpu.memory_space<vmem>>[vector<16xi32>, vector<16xi32>], vector<16xi32>,
        %bitcast3A_547 = vector.bitcast %gather3A_546 : vector<16xi32> to vector<32xbf16>
        %add3A_548 = arith.addf %bitcast3A_545, %bitcast3A_547 : vector<32xbf16>
        %max3A_549 = arith.maximumf %max3A_513, %add3A_548 : vector<32xbf16>
        %gather3A_550 = tpu.vector_load_idx %arg7[%broadcast_in_dim3A_3, %get3A_537] : memref<4x10240xi32, #tpu.memory_space<vmem>>[vector<16xi32>, vector<16xi32>], vector<16xi32>,
        %bitcast3A_551 = vector.bitcast %gather3A_550 : vector<16xi32> to vector<32xbf16>
        %gather3A_552 = tpu.vector_load_idx %arg8[%broadcast_in_dim3A_3, %get3A_543] : memref<4x10240xi32, #tpu.memory_space<vmem>>[vector<16xi32>, vector<16xi32>], vector<16xi32>,
        %bitcast3A_553 = vector.bitcast %gather3A_552 : vector<16xi32> to vector<32xbf16>
        %add3A_554 = arith.addf %bitcast3A_551, %bitcast3A_553 : vector<32xbf16>
        %max3A_555 = arith.maximumf %max3A_519, %add3A_554 : vector<32xbf16>
        %gather3A_556 = tpu.vector_load_idx %arg7[%broadcast_in_dim3A_5, %get3A_537] : memref<4x10240xi32, #tpu.memory_space<vmem>>[vector<16xi32>, vector<16xi32>], vector<16xi32>,
        %bitcast3A_557 = vector.bitcast %gather3A_556 : vector<16xi32> to vector<32xbf16>
        %gather3A_558 = tpu.vector_load_idx %arg8[%broadcast_in_dim3A_5, %get3A_543] : memref<4x10240xi32, #tpu.memory_space<vmem>>[vector<16xi32>, vector<16xi32>], vector<16xi32>,
        %bitcast3A_559 = vector.bitcast %gather3A_558 : vector<16xi32> to vector<32xbf16>
        %add3A_560 = arith.addf %bitcast3A_557, %bitcast3A_559 : vector<32xbf16>
        %max3A_561 = arith.maximumf %max3A_525, %add3A_560 : vector<32xbf16>
        %gather3A_562 = tpu.vector_load_idx %arg7[%broadcast_in_dim3A_7, %get3A_537] : memref<4x10240xi32, #tpu.memory_space<vmem>>[vector<16xi32>, vector<16xi32>], vector<16xi32>,
        %bitcast3A_563 = vector.bitcast %gather3A_562 : vector<16xi32> to vector<32xbf16>
        %gather3A_564 = tpu.vector_load_idx %arg8[%broadcast_in_dim3A_7, %get3A_543] : memref<4x10240xi32, #tpu.memory_space<vmem>>[vector<16xi32>, vector<16xi32>], vector<16xi32>,
        %bitcast3A_565 = vector.bitcast %gather3A_564 : vector<16xi32> to vector<32xbf16>
        %add3A_566 = arith.addf %bitcast3A_563, %bitcast3A_565 : vector<32xbf16>
        %max3A_567 = arith.maximumf %max3A_531, %add3A_566 : vector<32xbf16>
        %get3A_568 = arith.constant 1 : i32
        %get3A_569 = arith.constant 9 : i32
        %get3A_570 = arith.index_cast %get3A_568 : i32 to index
        %get3A_571 = arith.index_cast %get3A_569 : i32 to index
        %get3A_572 = arith.index_cast %mul3A_251 : i32 to index
        %get3A_573 = tpu.vector_load %arg9[%get3A_570, %get3A_571, %get3A_572] {strides = array<i32>} : memref<2x16x256xi32, #tpu.memory_space<vmem>>, vector<16xi32>,
        %get3A_574 = arith.constant 1 : i32
        %get3A_575 = arith.constant 9 : i32
        %get3A_576 = arith.index_cast %get3A_574 : i32 to index
        %get3A_577 = arith.index_cast %get3A_575 : i32 to index
        %get3A_578 = arith.index_cast %mul3A_251 : i32 to index
        %get3A_579 = tpu.vector_load %arg10[%get3A_576, %get3A_577, %get3A_578] {strides = array<i32>} : memref<2x16x256xi32, #tpu.memory_space<vmem>>, vector<16xi32>,
        %gather3A_580 = tpu.vector_load_idx %arg7[%broadcast_in_dim3A_1, %get3A_573] : memref<4x10240xi32, #tpu.memory_space<vmem>>[vector<16xi32>, vector<16xi32>], vector<16xi32>,
        %bitcast3A_581 = vector.bitcast %gather3A_580 : vector<16xi32> to vector<32xbf16>
        %gather3A_582 = tpu.vector_load_idx %arg8[%broadcast_in_dim3A_1, %get3A_579] : memref<4x10240xi32, #tpu.memory_space<vmem>>[vector<16xi32>, vector<16xi32>], vector<16xi32>,
        %bitcast3A_583 = vector.bitcast %gather3A_582 : vector<16xi32> to vector<32xbf16>
        %add3A_584 = arith.addf %bitcast3A_581, %bitcast3A_583 : vector<32xbf16>
        %max3A_585 = arith.maximumf %max3A_549, %add3A_584 : vector<32xbf16>
        %gather3A_586 = tpu.vector_load_idx %arg7[%broadcast_in_dim3A_3, %get3A_573] : memref<4x10240xi32, #tpu.memory_space<vmem>>[vector<16xi32>, vector<16xi32>], vector<16xi32>,
        %bitcast3A_587 = vector.bitcast %gather3A_586 : vector<16xi32> to vector<32xbf16>
        %gather3A_588 = tpu.vector_load_idx %arg8[%broadcast_in_dim3A_3, %get3A_579] : memref<4x10240xi32, #tpu.memory_space<vmem>>[vector<16xi32>, vector<16xi32>], vector<16xi32>,
        %bitcast3A_589 = vector.bitcast %gather3A_588 : vector<16xi32> to vector<32xbf16>
        %add3A_590 = arith.addf %bitcast3A_587, %bitcast3A_589 : vector<32xbf16>
        %max3A_591 = arith.maximumf %max3A_555, %add3A_590 : vector<32xbf16>
        %gather3A_592 = tpu.vector_load_idx %arg7[%broadcast_in_dim3A_5, %get3A_573] : memref<4x10240xi32, #tpu.memory_space<vmem>>[vector<16xi32>, vector<16xi32>], vector<16xi32>,
        %bitcast3A_593 = vector.bitcast %gather3A_592 : vector<16xi32> to vector<32xbf16>
        %gather3A_594 = tpu.vector_load_idx %arg8[%broadcast_in_dim3A_5, %get3A_579] : memref<4x10240xi32, #tpu.memory_space<vmem>>[vector<16xi32>, vector<16xi32>], vector<16xi32>,
        %bitcast3A_595 = vector.bitcast %gather3A_594 : vector<16xi32> to vector<32xbf16>
        %add3A_596 = arith.addf %bitcast3A_593, %bitcast3A_595 : vector<32xbf16>
        %max3A_597 = arith.maximumf %max3A_561, %add3A_596 : vector<32xbf16>
        %gather3A_598 = tpu.vector_load_idx %arg7[%broadcast_in_dim3A_7, %get3A_573] : memref<4x10240xi32, #tpu.memory_space<vmem>>[vector<16xi32>, vector<16xi32>], vector<16xi32>,
        %bitcast3A_599 = vector.bitcast %gather3A_598 : vector<16xi32> to vector<32xbf16>
        %gather3A_600 = tpu.vector_load_idx %arg8[%broadcast_in_dim3A_7, %get3A_579] : memref<4x10240xi32, #tpu.memory_space<vmem>>[vector<16xi32>, vector<16xi32>], vector<16xi32>,
        %bitcast3A_601 = vector.bitcast %gather3A_600 : vector<16xi32> to vector<32xbf16>
        %add3A_602 = arith.addf %bitcast3A_599, %bitcast3A_601 : vector<32xbf16>
        %max3A_603 = arith.maximumf %max3A_567, %add3A_602 : vector<32xbf16>
        %get3A_604 = arith.constant 1 : i32
        %get3A_605 = arith.constant 10 : i32
        %get3A_606 = arith.index_cast %get3A_604 : i32 to index
        %get3A_607 = arith.index_cast %get3A_605 : i32 to index
        %get3A_608 = arith.index_cast %mul3A_251 : i32 to index
        %get3A_609 = tpu.vector_load %arg9[%get3A_606, %get3A_607, %get3A_608] {strides = array<i32>} : memref<2x16x256xi32, #tpu.memory_space<vmem>>, vector<16xi32>,
        %get3A_610 = arith.constant 1 : i32
        %get3A_611 = arith.constant 10 : i32
        %get3A_612 = arith.index_cast %get3A_610 : i32 to index
        %get3A_613 = arith.index_cast %get3A_611 : i32 to index
        %get3A_614 = arith.index_cast %mul3A_251 : i32 to index
        %get3A_615 = tpu.vector_load %arg10[%get3A_612, %get3A_613, %get3A_614] {strides = array<i32>} : memref<2x16x256xi32, #tpu.memory_space<vmem>>, vector<16xi32>,
        %gather3A_616 = tpu.vector_load_idx %arg7[%broadcast_in_dim3A_1, %get3A_609] : memref<4x10240xi32, #tpu.memory_space<vmem>>[vector<16xi32>, vector<16xi32>], vector<16xi32>,
        %bitcast3A_617 = vector.bitcast %gather3A_616 : vector<16xi32> to vector<32xbf16>
        %gather3A_618 = tpu.vector_load_idx %arg8[%broadcast_in_dim3A_1, %get3A_615] : memref<4x10240xi32, #tpu.memory_space<vmem>>[vector<16xi32>, vector<16xi32>], vector<16xi32>,
        %bitcast3A_619 = vector.bitcast %gather3A_618 : vector<16xi32> to vector<32xbf16>
        %add3A_620 = arith.addf %bitcast3A_617, %bitcast3A_619 : vector<32xbf16>
        %max3A_621 = arith.maximumf %max3A_585, %add3A_620 : vector<32xbf16>
        %gather3A_622 = tpu.vector_load_idx %arg7[%broadcast_in_dim3A_3, %get3A_609] : memref<4x10240xi32, #tpu.memory_space<vmem>>[vector<16xi32>, vector<16xi32>], vector<16xi32>,
        %bitcast3A_623 = vector.bitcast %gather3A_622 : vector<16xi32> to vector<32xbf16>
        %gather3A_624 = tpu.vector_load_idx %arg8[%broadcast_in_dim3A_3, %get3A_615] : memref<4x10240xi32, #tpu.memory_space<vmem>>[vector<16xi32>, vector<16xi32>], vector<16xi32>,
        %bitcast3A_625 = vector.bitcast %gather3A_624 : vector<16xi32> to vector<32xbf16>
        %add3A_626 = arith.addf %bitcast3A_623, %bitcast3A_625 : vector<32xbf16>
        %max3A_627 = arith.maximumf %max3A_591, %add3A_626 : vector<32xbf16>
        %gather3A_628 = tpu.vector_load_idx %arg7[%broadcast_in_dim3A_5, %get3A_609] : memref<4x10240xi32, #tpu.memory_space<vmem>>[vector<16xi32>, vector<16xi32>], vector<16xi32>,
        %bitcast3A_629 = vector.bitcast %gather3A_628 : vector<16xi32> to vector<32xbf16>
        %gather3A_630 = tpu.vector_load_idx %arg8[%broadcast_in_dim3A_5, %get3A_615] : memref<4x10240xi32, #tpu.memory_space<vmem>>[vector<16xi32>, vector<16xi32>], vector<16xi32>,
        %bitcast3A_631 = vector.bitcast %gather3A_630 : vector<16xi32> to vector<32xbf16>
        %add3A_632 = arith.addf %bitcast3A_629, %bitcast3A_631 : vector<32xbf16>
        %max3A_633 = arith.maximumf %max3A_597, %add3A_632 : vector<32xbf16>
        %gather3A_634 = tpu.vector_load_idx %arg7[%broadcast_in_dim3A_7, %get3A_609] : memref<4x10240xi32, #tpu.memory_space<vmem>>[vector<16xi32>, vector<16xi32>], vector<16xi32>,
        %bitcast3A_635 = vector.bitcast %gather3A_634 : vector<16xi32> to vector<32xbf16>
        %gather3A_636 = tpu.vector_load_idx %arg8[%broadcast_in_dim3A_7, %get3A_615] : memref<4x10240xi32, #tpu.memory_space<vmem>>[vector<16xi32>, vector<16xi32>], vector<16xi32>,
        %bitcast3A_637 = vector.bitcast %gather3A_636 : vector<16xi32> to vector<32xbf16>
        %add3A_638 = arith.addf %bitcast3A_635, %bitcast3A_637 : vector<32xbf16>
        %max3A_639 = arith.maximumf %max3A_603, %add3A_638 : vector<32xbf16>
        %get3A_640 = arith.constant 1 : i32
        %get3A_641 = arith.constant 11 : i32
        %get3A_642 = arith.index_cast %get3A_640 : i32 to index
        %get3A_643 = arith.index_cast %get3A_641 : i32 to index
        %get3A_644 = arith.index_cast %mul3A_251 : i32 to index
        %get3A_645 = tpu.vector_load %arg9[%get3A_642, %get3A_643, %get3A_644] {strides = array<i32>} : memref<2x16x256xi32, #tpu.memory_space<vmem>>, vector<16xi32>,
        %get3A_646 = arith.constant 1 : i32
        %get3A_647 = arith.constant 11 : i32
        %get3A_648 = arith.index_cast %get3A_646 : i32 to index
        %get3A_649 = arith.index_cast %get3A_647 : i32 to index
        %get3A_650 = arith.index_cast %mul3A_251 : i32 to index
        %get3A_651 = tpu.vector_load %arg10[%get3A_648, %get3A_649, %get3A_650] {strides = array<i32>} : memref<2x16x256xi32, #tpu.memory_space<vmem>>, vector<16xi32>,
        %gather3A_652 = tpu.vector_load_idx %arg7[%broadcast_in_dim3A_1, %get3A_645] : memref<4x10240xi32, #tpu.memory_space<vmem>>[vector<16xi32>, vector<16xi32>], vector<16xi32>,
        %bitcast3A_653 = vector.bitcast %gather3A_652 : vector<16xi32> to vector<32xbf16>
        %gather3A_654 = tpu.vector_load_idx %arg8[%broadcast_in_dim3A_1, %get3A_651] : memref<4x10240xi32, #tpu.memory_space<vmem>>[vector<16xi32>, vector<16xi32>], vector<16xi32>,
        %bitcast3A_655 = vector.bitcast %gather3A_654 : vector<16xi32> to vector<32xbf16>
        %add3A_656 = arith.addf %bitcast3A_653, %bitcast3A_655 : vector<32xbf16>
        %max3A_657 = arith.maximumf %max3A_621, %add3A_656 : vector<32xbf16>
        %gather3A_658 = tpu.vector_load_idx %arg7[%broadcast_in_dim3A_3, %get3A_645] : memref<4x10240xi32, #tpu.memory_space<vmem>>[vector<16xi32>, vector<16xi32>], vector<16xi32>,
        %bitcast3A_659 = vector.bitcast %gather3A_658 : vector<16xi32> to vector<32xbf16>
        %gather3A_660 = tpu.vector_load_idx %arg8[%broadcast_in_dim3A_3, %get3A_651] : memref<4x10240xi32, #tpu.memory_space<vmem>>[vector<16xi32>, vector<16xi32>], vector<16xi32>,
        %bitcast3A_661 = vector.bitcast %gather3A_660 : vector<16xi32> to vector<32xbf16>
        %add3A_662 = arith.addf %bitcast3A_659, %bitcast3A_661 : vector<32xbf16>
        %max3A_663 = arith.maximumf %max3A_627, %add3A_662 : vector<32xbf16>
        %gather3A_664 = tpu.vector_load_idx %arg7[%broadcast_in_dim3A_5, %get3A_645] : memref<4x10240xi32, #tpu.memory_space<vmem>>[vector<16xi32>, vector<16xi32>], vector<16xi32>,
        %bitcast3A_665 = vector.bitcast %gather3A_664 : vector<16xi32> to vector<32xbf16>
        %gather3A_666 = tpu.vector_load_idx %arg8[%broadcast_in_dim3A_5, %get3A_651] : memref<4x10240xi32, #tpu.memory_space<vmem>>[vector<16xi32>, vector<16xi32>], vector<16xi32>,
        %bitcast3A_667 = vector.bitcast %gather3A_666 : vector<16xi32> to vector<32xbf16>
        %add3A_668 = arith.addf %bitcast3A_665, %bitcast3A_667 : vector<32xbf16>
        %max3A_669 = arith.maximumf %max3A_633, %add3A_668 : vector<32xbf16>
        %gather3A_670 = tpu.vector_load_idx %arg7[%broadcast_in_dim3A_7, %get3A_645] : memref<4x10240xi32, #tpu.memory_space<vmem>>[vector<16xi32>, vector<16xi32>], vector<16xi32>,
        %bitcast3A_671 = vector.bitcast %gather3A_670 : vector<16xi32> to vector<32xbf16>
        %gather3A_672 = tpu.vector_load_idx %arg8[%broadcast_in_dim3A_7, %get3A_651] : memref<4x10240xi32, #tpu.memory_space<vmem>>[vector<16xi32>, vector<16xi32>], vector<16xi32>,
        %bitcast3A_673 = vector.bitcast %gather3A_672 : vector<16xi32> to vector<32xbf16>
        %add3A_674 = arith.addf %bitcast3A_671, %bitcast3A_673 : vector<32xbf16>
        %max3A_675 = arith.maximumf %max3A_639, %add3A_674 : vector<32xbf16>
        %get3A_676 = arith.constant 1 : i32
        %get3A_677 = arith.constant 12 : i32
        %get3A_678 = arith.index_cast %get3A_676 : i32 to index
        %get3A_679 = arith.index_cast %get3A_677 : i32 to index
        %get3A_680 = arith.index_cast %mul3A_251 : i32 to index
        %get3A_681 = tpu.vector_load %arg9[%get3A_678, %get3A_679, %get3A_680] {strides = array<i32>} : memref<2x16x256xi32, #tpu.memory_space<vmem>>, vector<16xi32>,
        %get3A_682 = arith.constant 1 : i32
        %get3A_683 = arith.constant 12 : i32
        %get3A_684 = arith.index_cast %get3A_682 : i32 to index
        %get3A_685 = arith.index_cast %get3A_683 : i32 to index
        %get3A_686 = arith.index_cast %mul3A_251 : i32 to index
        %get3A_687 = tpu.vector_load %arg10[%get3A_684, %get3A_685, %get3A_686] {strides = array<i32>} : memref<2x16x256xi32, #tpu.memory_space<vmem>>, vector<16xi32>,
        %gather3A_688 = tpu.vector_load_idx %arg7[%broadcast_in_dim3A_1, %get3A_681] : memref<4x10240xi32, #tpu.memory_space<vmem>>[vector<16xi32>, vector<16xi32>], vector<16xi32>,
        %bitcast3A_689 = vector.bitcast %gather3A_688 : vector<16xi32> to vector<32xbf16>
        %gather3A_690 = tpu.vector_load_idx %arg8[%broadcast_in_dim3A_1, %get3A_687] : memref<4x10240xi32, #tpu.memory_space<vmem>>[vector<16xi32>, vector<16xi32>], vector<16xi32>,
        %bitcast3A_691 = vector.bitcast %gather3A_690 : vector<16xi32> to vector<32xbf16>
        %add3A_692 = arith.addf %bitcast3A_689, %bitcast3A_691 : vector<32xbf16>
        %max3A_693 = arith.maximumf %max3A_657, %add3A_692 : vector<32xbf16>
        %gather3A_694 = tpu.vector_load_idx %arg7[%broadcast_in_dim3A_3, %get3A_681] : memref<4x10240xi32, #tpu.memory_space<vmem>>[vector<16xi32>, vector<16xi32>], vector<16xi32>,
        %bitcast3A_695 = vector.bitcast %gather3A_694 : vector<16xi32> to vector<32xbf16>
        %gather3A_696 = tpu.vector_load_idx %arg8[%broadcast_in_dim3A_3, %get3A_687] : memref<4x10240xi32, #tpu.memory_space<vmem>>[vector<16xi32>, vector<16xi32>], vector<16xi32>,
        %bitcast3A_697 = vector.bitcast %gather3A_696 : vector<16xi32> to vector<32xbf16>
        %add3A_698 = arith.addf %bitcast3A_695, %bitcast3A_697 : vector<32xbf16>
        %max3A_699 = arith.maximumf %max3A_663, %add3A_698 : vector<32xbf16>
        %gather3A_700 = tpu.vector_load_idx %arg7[%broadcast_in_dim3A_5, %get3A_681] : memref<4x10240xi32, #tpu.memory_space<vmem>>[vector<16xi32>, vector<16xi32>], vector<16xi32>,
        %bitcast3A_701 = vector.bitcast %gather3A_700 : vector<16xi32> to vector<32xbf16>
        %gather3A_702 = tpu.vector_load_idx %arg8[%broadcast_in_dim3A_5, %get3A_687] : memref<4x10240xi32, #tpu.memory_space<vmem>>[vector<16xi32>, vector<16xi32>], vector<16xi32>,
        %bitcast3A_703 = vector.bitcast %gather3A_702 : vector<16xi32> to vector<32xbf16>
        %add3A_704 = arith.addf %bitcast3A_701, %bitcast3A_703 : vector<32xbf16>
        %max3A_705 = arith.maximumf %max3A_669, %add3A_704 : vector<32xbf16>
        %gather3A_706 = tpu.vector_load_idx %arg7[%broadcast_in_dim3A_7, %get3A_681] : memref<4x10240xi32, #tpu.memory_space<vmem>>[vector<16xi32>, vector<16xi32>], vector<16xi32>,
        %bitcast3A_707 = vector.bitcast %gather3A_706 : vector<16xi32> to vector<32xbf16>
        %gather3A_708 = tpu.vector_load_idx %arg8[%broadcast_in_dim3A_7, %get3A_687] : memref<4x10240xi32, #tpu.memory_space<vmem>>[vector<16xi32>, vector<16xi32>], vector<16xi32>,
        %bitcast3A_709 = vector.bitcast %gather3A_708 : vector<16xi32> to vector<32xbf16>
        %add3A_710 = arith.addf %bitcast3A_707, %bitcast3A_709 : vector<32xbf16>
        %max3A_711 = arith.maximumf %max3A_675, %add3A_710 : vector<32xbf16>
        %get3A_712 = arith.constant 1 : i32
        %get3A_713 = arith.constant 13 : i32
        %get3A_714 = arith.index_cast %get3A_712 : i32 to index
        %get3A_715 = arith.index_cast %get3A_713 : i32 to index
        %get3A_716 = arith.index_cast %mul3A_251 : i32 to index
        %get3A_717 = tpu.vector_load %arg9[%get3A_714, %get3A_715, %get3A_716] {strides = array<i32>} : memref<2x16x256xi32, #tpu.memory_space<vmem>>, vector<16xi32>,
        %get3A_718 = arith.constant 1 : i32
        %get3A_719 = arith.constant 13 : i32
        %get3A_720 = arith.index_cast %get3A_718 : i32 to index
        %get3A_721 = arith.index_cast %get3A_719 : i32 to index
        %get3A_722 = arith.index_cast %mul3A_251 : i32 to index
        %get3A_723 = tpu.vector_load %arg10[%get3A_720, %get3A_721, %get3A_722] {strides = array<i32>} : memref<2x16x256xi32, #tpu.memory_space<vmem>>, vector<16xi32>,
        %gather3A_724 = tpu.vector_load_idx %arg7[%broadcast_in_dim3A_1, %get3A_717] : memref<4x10240xi32, #tpu.memory_space<vmem>>[vector<16xi32>, vector<16xi32>], vector<16xi32>,
        %bitcast3A_725 = vector.bitcast %gather3A_724 : vector<16xi32> to vector<32xbf16>
        %gather3A_726 = tpu.vector_load_idx %arg8[%broadcast_in_dim3A_1, %get3A_723] : memref<4x10240xi32, #tpu.memory_space<vmem>>[vector<16xi32>, vector<16xi32>], vector<16xi32>,
        %bitcast3A_727 = vector.bitcast %gather3A_726 : vector<16xi32> to vector<32xbf16>
        %add3A_728 = arith.addf %bitcast3A_725, %bitcast3A_727 : vector<32xbf16>
        %max3A_729 = arith.maximumf %max3A_693, %add3A_728 : vector<32xbf16>
        %gather3A_730 = tpu.vector_load_idx %arg7[%broadcast_in_dim3A_3, %get3A_717] : memref<4x10240xi32, #tpu.memory_space<vmem>>[vector<16xi32>, vector<16xi32>], vector<16xi32>,
        %bitcast3A_731 = vector.bitcast %gather3A_730 : vector<16xi32> to vector<32xbf16>
        %gather3A_732 = tpu.vector_load_idx %arg8[%broadcast_in_dim3A_3, %get3A_723] : memref<4x10240xi32, #tpu.memory_space<vmem>>[vector<16xi32>, vector<16xi32>], vector<16xi32>,
        %bitcast3A_733 = vector.bitcast %gather3A_732 : vector<16xi32> to vector<32xbf16>
        %add3A_734 = arith.addf %bitcast3A_731, %bitcast3A_733 : vector<32xbf16>
        %max3A_735 = arith.maximumf %max3A_699, %add3A_734 : vector<32xbf16>
        %gather3A_736 = tpu.vector_load_idx %arg7[%broadcast_in_dim3A_5, %get3A_717] : memref<4x10240xi32, #tpu.memory_space<vmem>>[vector<16xi32>, vector<16xi32>], vector<16xi32>,
        %bitcast3A_737 = vector.bitcast %gather3A_736 : vector<16xi32> to vector<32xbf16>
        %gather3A_738 = tpu.vector_load_idx %arg8[%broadcast_in_dim3A_5, %get3A_723] : memref<4x10240xi32, #tpu.memory_space<vmem>>[vector<16xi32>, vector<16xi32>], vector<16xi32>,
        %bitcast3A_739 = vector.bitcast %gather3A_738 : vector<16xi32> to vector<32xbf16>
        %add3A_740 = arith.addf %bitcast3A_737, %bitcast3A_739 : vector<32xbf16>
        %max3A_741 = arith.maximumf %max3A_705, %add3A_740 : vector<32xbf16>
        %gather3A_742 = tpu.vector_load_idx %arg7[%broadcast_in_dim3A_7, %get3A_717] : memref<4x10240xi32, #tpu.memory_space<vmem>>[vector<16xi32>, vector<16xi32>], vector<16xi32>,
        %bitcast3A_743 = vector.bitcast %gather3A_742 : vector<16xi32> to vector<32xbf16>
        %gather3A_744 = tpu.vector_load_idx %arg8[%broadcast_in_dim3A_7, %get3A_723] : memref<4x10240xi32, #tpu.memory_space<vmem>>[vector<16xi32>, vector<16xi32>], vector<16xi32>,
        %bitcast3A_745 = vector.bitcast %gather3A_744 : vector<16xi32> to vector<32xbf16>
        %add3A_746 = arith.addf %bitcast3A_743, %bitcast3A_745 : vector<32xbf16>
        %max3A_747 = arith.maximumf %max3A_711, %add3A_746 : vector<32xbf16>
        %get3A_748 = arith.constant 1 : i32
        %get3A_749 = arith.constant 14 : i32
        %get3A_750 = arith.index_cast %get3A_748 : i32 to index
        %get3A_751 = arith.index_cast %get3A_749 : i32 to index
        %get3A_752 = arith.index_cast %mul3A_251 : i32 to index
        %get3A_753 = tpu.vector_load %arg9[%get3A_750, %get3A_751, %get3A_752] {strides = array<i32>} : memref<2x16x256xi32, #tpu.memory_space<vmem>>, vector<16xi32>,
        %get3A_754 = arith.constant 1 : i32
        %get3A_755 = arith.constant 14 : i32
        %get3A_756 = arith.index_cast %get3A_754 : i32 to index
        %get3A_757 = arith.index_cast %get3A_755 : i32 to index
        %get3A_758 = arith.index_cast %mul3A_251 : i32 to index
        %get3A_759 = tpu.vector_load %arg10[%get3A_756, %get3A_757, %get3A_758] {strides = array<i32>} : memref<2x16x256xi32, #tpu.memory_space<vmem>>, vector<16xi32>,
        %gather3A_760 = tpu.vector_load_idx %arg7[%broadcast_in_dim3A_1, %get3A_753] : memref<4x10240xi32, #tpu.memory_space<vmem>>[vector<16xi32>, vector<16xi32>], vector<16xi32>,
        %bitcast3A_761 = vector.bitcast %gather3A_760 : vector<16xi32> to vector<32xbf16>
        %gather3A_762 = tpu.vector_load_idx %arg8[%broadcast_in_dim3A_1, %get3A_759] : memref<4x10240xi32, #tpu.memory_space<vmem>>[vector<16xi32>, vector<16xi32>], vector<16xi32>,
        %bitcast3A_763 = vector.bitcast %gather3A_762 : vector<16xi32> to vector<32xbf16>
        %add3A_764 = arith.addf %bitcast3A_761, %bitcast3A_763 : vector<32xbf16>
        %max3A_765 = arith.maximumf %max3A_729, %add3A_764 : vector<32xbf16>
        %gather3A_766 = tpu.vector_load_idx %arg7[%broadcast_in_dim3A_3, %get3A_753] : memref<4x10240xi32, #tpu.memory_space<vmem>>[vector<16xi32>, vector<16xi32>], vector<16xi32>,
        %bitcast3A_767 = vector.bitcast %gather3A_766 : vector<16xi32> to vector<32xbf16>
        %gather3A_768 = tpu.vector_load_idx %arg8[%broadcast_in_dim3A_3, %get3A_759] : memref<4x10240xi32, #tpu.memory_space<vmem>>[vector<16xi32>, vector<16xi32>], vector<16xi32>,
        %bitcast3A_769 = vector.bitcast %gather3A_768 : vector<16xi32> to vector<32xbf16>
        %add3A_770 = arith.addf %bitcast3A_767, %bitcast3A_769 : vector<32xbf16>
        %max3A_771 = arith.maximumf %max3A_735, %add3A_770 : vector<32xbf16>
        %gather3A_772 = tpu.vector_load_idx %arg7[%broadcast_in_dim3A_5, %get3A_753] : memref<4x10240xi32, #tpu.memory_space<vmem>>[vector<16xi32>, vector<16xi32>], vector<16xi32>,
        %bitcast3A_773 = vector.bitcast %gather3A_772 : vector<16xi32> to vector<32xbf16>
        %gather3A_774 = tpu.vector_load_idx %arg8[%broadcast_in_dim3A_5, %get3A_759] : memref<4x10240xi32, #tpu.memory_space<vmem>>[vector<16xi32>, vector<16xi32>], vector<16xi32>,
        %bitcast3A_775 = vector.bitcast %gather3A_774 : vector<16xi32> to vector<32xbf16>
        %add3A_776 = arith.addf %bitcast3A_773, %bitcast3A_775 : vector<32xbf16>
        %max3A_777 = arith.maximumf %max3A_741, %add3A_776 : vector<32xbf16>
        %gather3A_778 = tpu.vector_load_idx %arg7[%broadcast_in_dim3A_7, %get3A_753] : memref<4x10240xi32, #tpu.memory_space<vmem>>[vector<16xi32>, vector<16xi32>], vector<16xi32>,
        %bitcast3A_779 = vector.bitcast %gather3A_778 : vector<16xi32> to vector<32xbf16>
        %gather3A_780 = tpu.vector_load_idx %arg8[%broadcast_in_dim3A_7, %get3A_759] : memref<4x10240xi32, #tpu.memory_space<vmem>>[vector<16xi32>, vector<16xi32>], vector<16xi32>,
        %bitcast3A_781 = vector.bitcast %gather3A_780 : vector<16xi32> to vector<32xbf16>
        %add3A_782 = arith.addf %bitcast3A_779, %bitcast3A_781 : vector<32xbf16>
        %max3A_783 = arith.maximumf %max3A_747, %add3A_782 : vector<32xbf16>
        %get3A_784 = arith.constant 1 : i32
        %get3A_785 = arith.constant 15 : i32
        %get3A_786 = arith.index_cast %get3A_784 : i32 to index
        %get3A_787 = arith.index_cast %get3A_785 : i32 to index
        %get3A_788 = arith.index_cast %mul3A_251 : i32 to index
        %get3A_789 = tpu.vector_load %arg9[%get3A_786, %get3A_787, %get3A_788] {strides = array<i32>} : memref<2x16x256xi32, #tpu.memory_space<vmem>>, vector<16xi32>,
        %get3A_790 = arith.constant 1 : i32
        %get3A_791 = arith.constant 15 : i32
        %get3A_792 = arith.index_cast %get3A_790 : i32 to index
        %get3A_793 = arith.index_cast %get3A_791 : i32 to index
        %get3A_794 = arith.index_cast %mul3A_251 : i32 to index
        %get3A_795 = tpu.vector_load %arg10[%get3A_792, %get3A_793, %get3A_794] {strides = array<i32>} : memref<2x16x256xi32, #tpu.memory_space<vmem>>, vector<16xi32>,
        %gather3A_796 = tpu.vector_load_idx %arg7[%broadcast_in_dim3A_1, %get3A_789] : memref<4x10240xi32, #tpu.memory_space<vmem>>[vector<16xi32>, vector<16xi32>], vector<16xi32>,
        %bitcast3A_797 = vector.bitcast %gather3A_796 : vector<16xi32> to vector<32xbf16>
        %gather3A_798 = tpu.vector_load_idx %arg8[%broadcast_in_dim3A_1, %get3A_795] : memref<4x10240xi32, #tpu.memory_space<vmem>>[vector<16xi32>, vector<16xi32>], vector<16xi32>,
        %bitcast3A_799 = vector.bitcast %gather3A_798 : vector<16xi32> to vector<32xbf16>
        %add3A_800 = arith.addf %bitcast3A_797, %bitcast3A_799 : vector<32xbf16>
        %max3A_801 = arith.maximumf %max3A_765, %add3A_800 : vector<32xbf16>
        %gather3A_802 = tpu.vector_load_idx %arg7[%broadcast_in_dim3A_3, %get3A_789] : memref<4x10240xi32, #tpu.memory_space<vmem>>[vector<16xi32>, vector<16xi32>], vector<16xi32>,
        %bitcast3A_803 = vector.bitcast %gather3A_802 : vector<16xi32> to vector<32xbf16>
        %gather3A_804 = tpu.vector_load_idx %arg8[%broadcast_in_dim3A_3, %get3A_795] : memref<4x10240xi32, #tpu.memory_space<vmem>>[vector<16xi32>, vector<16xi32>], vector<16xi32>,
        %bitcast3A_805 = vector.bitcast %gather3A_804 : vector<16xi32> to vector<32xbf16>
        %add3A_806 = arith.addf %bitcast3A_803, %bitcast3A_805 : vector<32xbf16>
        %max3A_807 = arith.maximumf %max3A_771, %add3A_806 : vector<32xbf16>
        %gather3A_808 = tpu.vector_load_idx %arg7[%broadcast_in_dim3A_5, %get3A_789] : memref<4x10240xi32, #tpu.memory_space<vmem>>[vector<16xi32>, vector<16xi32>], vector<16xi32>,
        %bitcast3A_809 = vector.bitcast %gather3A_808 : vector<16xi32> to vector<32xbf16>
        %gather3A_810 = tpu.vector_load_idx %arg8[%broadcast_in_dim3A_5, %get3A_795] : memref<4x10240xi32, #tpu.memory_space<vmem>>[vector<16xi32>, vector<16xi32>], vector<16xi32>,
        %bitcast3A_811 = vector.bitcast %gather3A_810 : vector<16xi32> to vector<32xbf16>
        %add3A_812 = arith.addf %bitcast3A_809, %bitcast3A_811 : vector<32xbf16>
        %max3A_813 = arith.maximumf %max3A_777, %add3A_812 : vector<32xbf16>
        %gather3A_814 = tpu.vector_load_idx %arg7[%broadcast_in_dim3A_7, %get3A_789] : memref<4x10240xi32, #tpu.memory_space<vmem>>[vector<16xi32>, vector<16xi32>], vector<16xi32>,
        %bitcast3A_815 = vector.bitcast %gather3A_814 : vector<16xi32> to vector<32xbf16>
        %gather3A_816 = tpu.vector_load_idx %arg8[%broadcast_in_dim3A_7, %get3A_795] : memref<4x10240xi32, #tpu.memory_space<vmem>>[vector<16xi32>, vector<16xi32>], vector<16xi32>,
        %bitcast3A_817 = vector.bitcast %gather3A_816 : vector<16xi32> to vector<32xbf16>
        %add3A_818 = arith.addf %bitcast3A_815, %bitcast3A_817 : vector<32xbf16>
        %max3A_819 = arith.maximumf %max3A_783, %add3A_818 : vector<32xbf16>
        %bitcast3A_820 = vector.bitcast %max3A_801 : vector<32xbf16> to vector<16xi32>
        %swap3A = arith.constant 1 : i32
        %swap3A_821 = arith.constant 0 : i32
        %swap3A_822 = arith.index_cast %swap3A : i32 to index
        %swap3A_823 = arith.index_cast %swap3A_821 : i32 to index
        %swap3A_824 = arith.index_cast %mul3A_251 : i32 to index
        %swap3A_825 = tpu.vector_load %arg11[%swap3A_822, %swap3A_823, %swap3A_824] {strides = array<i32>} : memref<2x4x256xi32, #tpu.memory_space<vmem>>, vector<16xi32>,
        tpu.vector_store %arg11[%swap3A_822, %swap3A_823, %swap3A_824], %bitcast3A_820 {strides = array<i32>} : memref<2x4x256xi32, #tpu.memory_space<vmem>>, vector<16xi32>,
        %bitcast3A_826 = vector.bitcast %max3A_807 : vector<32xbf16> to vector<16xi32>
        %swap3A_827 = arith.constant 1 : i32
        %swap3A_828 = arith.constant 1 : i32
        %swap3A_829 = arith.index_cast %swap3A_827 : i32 to index
        %swap3A_830 = arith.index_cast %swap3A_828 : i32 to index
        %swap3A_831 = arith.index_cast %mul3A_251 : i32 to index
        %swap3A_832 = tpu.vector_load %arg11[%swap3A_829, %swap3A_830, %swap3A_831] {strides = array<i32>} : memref<2x4x256xi32, #tpu.memory_space<vmem>>, vector<16xi32>,
        tpu.vector_store %arg11[%swap3A_829, %swap3A_830, %swap3A_831], %bitcast3A_826 {strides = array<i32>} : memref<2x4x256xi32, #tpu.memory_space<vmem>>, vector<16xi32>,
        %bitcast3A_833 = vector.bitcast %max3A_813 : vector<32xbf16> to vector<16xi32>
        %swap3A_834 = arith.constant 1 : i32
        %swap3A_835 = arith.constant 2 : i32
        %swap3A_836 = arith.index_cast %swap3A_834 : i32 to index
        %swap3A_837 = arith.index_cast %swap3A_835 : i32 to index
        %swap3A_838 = arith.index_cast %mul3A_251 : i32 to index
        %swap3A_839 = tpu.vector_load %arg11[%swap3A_836, %swap3A_837, %swap3A_838] {strides = array<i32>} : memref<2x4x256xi32, #tpu.memory_space<vmem>>, vector<16xi32>,
        tpu.vector_store %arg11[%swap3A_836, %swap3A_837, %swap3A_838], %bitcast3A_833 {strides = array<i32>} : memref<2x4x256xi32, #tpu.memory_space<vmem>>, vector<16xi32>,
        %bitcast3A_840 = vector.bitcast %max3A_819 : vector<32xbf16> to vector<16xi32>
        %swap3A_841 = arith.constant 1 : i32
        %swap3A_842 = arith.constant 3 : i32
        %swap3A_843 = arith.index_cast %swap3A_841 : i32 to index
        %swap3A_844 = arith.index_cast %swap3A_842 : i32 to index
        %swap3A_845 = arith.index_cast %mul3A_251 : i32 to index
        %swap3A_846 = tpu.vector_load %arg11[%swap3A_843, %swap3A_844, %swap3A_845] {strides = array<i32>} : memref<2x4x256xi32, #tpu.memory_space<vmem>>, vector<16xi32>,
        tpu.vector_store %arg11[%swap3A_843, %swap3A_844, %swap3A_845], %bitcast3A_840 {strides = array<i32>} : memref<2x4x256xi32, #tpu.memory_space<vmem>>, vector<16xi32>,
      }
      %scan3A_227 = arith.constant 16 : i32
      %mul3A_228 = arith.constant 5120 : i32
      %mul3A_229 = arith.muli %arg0, %mul3A_228 : i32
      %mul3A_230 = arith.constant 256 : i32
      %mul3A_231 = arith.muli %add3A_182, %mul3A_230 : i32
      %add3A_232 = arith.addi %mul3A_229, %mul3A_231 : i32
      %dma_start3A_233 = arith.constant 1 : i32
      %dma_start3A_234 = arith.constant 0 : i32
      %dma_start3A_235 = arith.constant 0 : i32
      %dma_start3A_236 = tpu.memref_slice %arg11[%dma_start3A_233, %dma_start3A_234, %dma_start3A_235] : memref<2x4x256xi32, #tpu.memory_space<vmem>> -> memref<1x4x256xi32, #tpu.memory_space<vmem>>
      %dma_start3A_237 = tpu.memref_squeeze %dma_start3A_236 : memref<1x4x256xi32, #tpu.memory_space<vmem>> -> memref<4x256xi32, #tpu.memory_space<vmem>>
      %dma_start3A_238 = tpu.memref_slice %arg6[%mul3A_0, %add3A_232] : memref<64x10240xi32, #tpu.memory_space<hbm>> -> memref<4x256xi32, #tpu.memory_space<hbm>>
      %dma_start3A_239 = tpu.memref_slice %arg6[%mul3A_0, %add3A_232] : memref<64x10240xi32, #tpu.memory_space<hbm>> -> memref<4x256xi32, #tpu.memory_space<hbm>>
      %dma_start3A_240 = arith.constant 0 : i32
      %dma_start3A_241 = arith.constant 0 : i32
      %dma_start3A_242 = tpu.memref_slice %arg11[%dma_start3A_233, %dma_start3A_240, %dma_start3A_241] : memref<2x4x256xi32, #tpu.memory_space<vmem>> -> memref<1x4x256xi32, #tpu.memory_space<vmem>>
      %dma_start3A_243 = tpu.memref_squeeze %dma_start3A_242 : memref<1x4x256xi32, #tpu.memory_space<vmem>> -> memref<4x256xi32, #tpu.memory_space<vmem>>
      tpu.enqueue_dma source(%dma_start3A_243 : memref<4x256xi32, #tpu.memory_space<vmem>>) target(%dma_start3A_239 : memref<4x256xi32, #tpu.memory_space<hbm>>) target_semaphore(%arg15 : memref<!tpu.dma_semaphore, #tpu.memory_space<semaphore_mem>>)
      %lt3A_244 = arith.constant 9 : i32
      %lt3A_245 = arith.cmpi slt, %scan3A_112, %lt3A_244 : i32
      %convert_element_type3A_246 = arith.extui %lt3A_245 : i1 to i32
      %cond3A_247 = arith.constant 0 : i32
      %cond3A_248 = arith.cmpi ne, %convert_element_type3A_246, %cond3A_247 : i32
      scf.if %cond3A_248 {
        %add3A_249 = arith.constant 2 : i32
        %add3A_250 = arith.addi %add3A_182, %add3A_249 : i32
        %dma_start3A_251 = arith.constant 1 : i32
        %dma_start3A_252 = arith.constant 0 : i32
        %dma_start3A_253 = arith.constant 0 : i32
        %dma_start3A_254 = tpu.memref_slice %arg9[%dma_start3A_251, %dma_start3A_252, %dma_start3A_253] : memref<2x16x256xi32, #tpu.memory_space<vmem>> -> memref<1x16x256xi32, #tpu.memory_space<vmem>>
        %dma_start3A_255 = tpu.memref_squeeze %dma_start3A_254 : memref<1x16x256xi32, #tpu.memory_space<vmem>> -> memref<16x256xi32, #tpu.memory_space<vmem>>
        %dma_start3A_256 = arith.constant 0 : i32
        %dma_start3A_257 = arith.constant 0 : i32
        %dma_start3A_258 = tpu.memref_slice %arg4[%arg0, %add3A_250, %dma_start3A_256, %dma_start3A_257] : memref<2x20x16x256xi32, #tpu.memory_space<hbm>> -> memref<1x1x16x256xi32, #tpu.memory_space<hbm>>
        %dma_start3A_259 = tpu.memref_squeeze %dma_start3A_258 : memref<1x1x16x256xi32, #tpu.memory_space<hbm>> -> memref<16x256xi32, #tpu.memory_space<hbm>>
        %dma_start3A_260 = arith.constant 0 : i32
        %dma_start3A_261 = arith.constant 0 : i32
        %dma_start3A_262 = tpu.memref_slice %arg9[%dma_start3A_251, %dma_start3A_260, %dma_start3A_261] : memref<2x16x256xi32, #tpu.memory_space<vmem>> -> memref<1x16x256xi32, #tpu.memory_space<vmem>>
        %dma_start3A_263 = tpu.memref_squeeze %dma_start3A_262 : memref<1x16x256xi32, #tpu.memory_space<vmem>> -> memref<16x256xi32, #tpu.memory_space<vmem>>
        %dma_start3A_264 = arith.constant 0 : i32
        %dma_start3A_265 = arith.constant 0 : i32
        %dma_start3A_266 = tpu.memref_slice %arg4[%arg0, %add3A_250, %dma_start3A_264, %dma_start3A_265] : memref<2x20x16x256xi32, #tpu.memory_space<hbm>> -> memref<1x1x16x256xi32, #tpu.memory_space<hbm>>
        %dma_start3A_267 = tpu.memref_squeeze %dma_start3A_266 : memref<1x1x16x256xi32, #tpu.memory_space<hbm>> -> memref<16x256xi32, #tpu.memory_space<hbm>>
        tpu.enqueue_dma source(%dma_start3A_267 : memref<16x256xi32, #tpu.memory_space<hbm>>) target(%dma_start3A_263 : memref<16x256xi32, #tpu.memory_space<vmem>>) target_semaphore(%arg13 : memref<!tpu.dma_semaphore, #tpu.memory_space<semaphore_mem>>)
        %dma_start3A_268 = arith.constant 1 : i32
        %dma_start3A_269 = arith.constant 0 : i32
        %dma_start3A_270 = arith.constant 0 : i32
        %dma_start3A_271 = tpu.memref_slice %arg10[%dma_start3A_268, %dma_start3A_269, %dma_start3A_270] : memref<2x16x256xi32, #tpu.memory_space<vmem>> -> memref<1x16x256xi32, #tpu.memory_space<vmem>>
        %dma_start3A_272 = tpu.memref_squeeze %dma_start3A_271 : memref<1x16x256xi32, #tpu.memory_space<vmem>> -> memref<16x256xi32, #tpu.memory_space<vmem>>
        %dma_start3A_273 = arith.constant 0 : i32
        %dma_start3A_274 = arith.constant 0 : i32
        %dma_start3A_275 = tpu.memref_slice %arg5[%arg0, %add3A_250, %dma_start3A_273, %dma_start3A_274] : memref<2x20x16x256xi32, #tpu.memory_space<hbm>> -> memref<1x1x16x256xi32, #tpu.memory_space<hbm>>
        %dma_start3A_276 = tpu.memref_squeeze %dma_start3A_275 : memref<1x1x16x256xi32, #tpu.memory_space<hbm>> -> memref<16x256xi32, #tpu.memory_space<hbm>>
        %dma_start3A_277 = arith.constant 0 : i32
        %dma_start3A_278 = arith.constant 0 : i32
        %dma_start3A_279 = tpu.memref_slice %arg10[%dma_start3A_268, %dma_start3A_277, %dma_start3A_278] : memref<2x16x256xi32, #tpu.memory_space<vmem>> -> memref<1x16x256xi32, #tpu.memory_space<vmem>>
        %dma_start3A_280 = tpu.memref_squeeze %dma_start3A_279 : memref<1x16x256xi32, #tpu.memory_space<vmem>> -> memref<16x256xi32, #tpu.memory_space<vmem>>
        %dma_start3A_281 = arith.constant 0 : i32
        %dma_start3A_282 = arith.constant 0 : i32
        %dma_start3A_283 = tpu.memref_slice %arg5[%arg0, %add3A_250, %dma_start3A_281, %dma_start3A_282] : memref<2x20x16x256xi32, #tpu.memory_space<hbm>> -> memref<1x1x16x256xi32, #tpu.memory_space<hbm>>
        %dma_start3A_284 = tpu.memref_squeeze %dma_start3A_283 : memref<1x1x16x256xi32, #tpu.memory_space<hbm>> -> memref<16x256xi32, #tpu.memory_space<hbm>>
        tpu.enqueue_dma source(%dma_start3A_284 : memref<16x256xi32, #tpu.memory_space<hbm>>) target(%dma_start3A_280 : memref<16x256xi32, #tpu.memory_space<vmem>>) target_semaphore(%arg13 : memref<!tpu.dma_semaphore, #tpu.memory_space<semaphore_mem>>)
      } else {
      }
    }
    %scan3A_83 = arith.constant 10 : i32
    %mul3A_84 = arith.constant 5120 : i32
    %mul3A_85 = arith.muli %arg0, %mul3A_84 : i32
    %add3A = arith.constant 4608 : i32
    %add3A_86 = arith.addi %mul3A_85, %add3A : i32
    %dma_wait3A = arith.constant 0 : i32
    %dma_wait3A_87 = arith.constant 0 : i32
    %dma_wait3A_88 = arith.constant 0 : i32
    %dma_wait3A_89 = tpu.memref_slice %arg11[%dma_wait3A, %dma_wait3A_87, %dma_wait3A_88] : memref<2x4x256xi32, #tpu.memory_space<vmem>> -> memref<1x4x256xi32, #tpu.memory_space<vmem>>
    %dma_wait3A_90 = tpu.memref_squeeze %dma_wait3A_89 : memref<1x4x256xi32, #tpu.memory_space<vmem>> -> memref<4x256xi32, #tpu.memory_space<vmem>>
    %dma_wait3A_91 = tpu.memref_slice %arg6[%mul3A_0, %add3A_86] : memref<64x10240xi32, #tpu.memory_space<hbm>> -> memref<4x256xi32, #tpu.memory_space<hbm>>
    %dma_wait3A_92 = tpu.memref_slice %arg6[%mul3A_0, %add3A_86] : memref<64x10240xi32, #tpu.memory_space<hbm>> -> memref<4x256xi32, #tpu.memory_space<hbm>>
    %dma_wait3A_93 = arith.constant 0 : i32
    %dma_wait3A_94 = arith.constant 0 : i32
    %dma_wait3A_95 = tpu.memref_slice %arg11[%dma_wait3A, %dma_wait3A_93, %dma_wait3A_94] : memref<2x4x256xi32, #tpu.memory_space<vmem>> -> memref<1x4x256xi32, #tpu.memory_space<vmem>>
    %dma_wait3A_96 = tpu.memref_squeeze %dma_wait3A_95 : memref<1x4x256xi32, #tpu.memory_space<vmem>> -> memref<4x256xi32, #tpu.memory_space<vmem>>
    tpu.wait_dma2 semaphore(%arg14 : memref<!tpu.dma_semaphore, #tpu.memory_space<semaphore_mem>>) src(%dma_wait3A_96 : memref<4x256xi32, #tpu.memory_space<vmem>>) dst(%dma_wait3A_92 : memref<4x256xi32, #tpu.memory_space<hbm>>)
    %mul3A_97 = arith.constant 5120 : i32
    %mul3A_98 = arith.muli %arg0, %mul3A_97 : i32
    %add3A_99 = arith.constant 4864 : i32
    %add3A_100 = arith.addi %mul3A_98, %add3A_99 : i32
    %dma_wait3A_101 = arith.constant 1 : i32
    %dma_wait3A_102 = arith.constant 0 : i32
    %dma_wait3A_103 = arith.constant 0 : i32
    %dma_wait3A_104 = tpu.memref_slice %arg11[%dma_wait3A_101, %dma_wait3A_102, %dma_wait3A_103] : memref<2x4x256xi32, #tpu.memory_space<vmem>> -> memref<1x4x256xi32, #tpu.memory_space<vmem>>
    %dma_wait3A_105 = tpu.memref_squeeze %dma_wait3A_104 : memref<1x4x256xi32, #tpu.memory_space<vmem>> -> memref<4x256xi32, #tpu.memory_space<vmem>>
    %dma_wait3A_106 = tpu.memref_slice %arg6[%mul3A_0, %add3A_100] : memref<64x10240xi32, #tpu.memory_space<hbm>> -> memref<4x256xi32, #tpu.memory_space<hbm>>
    %dma_wait3A_107 = tpu.memref_slice %arg6[%mul3A_0, %add3A_100] : memref<64x10240xi32, #tpu.memory_space<hbm>> -> memref<4x256xi32, #tpu.memory_space<hbm>>
    %dma_wait3A_108 = arith.constant 0 : i32
    %dma_wait3A_109 = arith.constant 0 : i32
    %dma_wait3A_110 = tpu.memref_slice %arg11[%dma_wait3A_101, %dma_wait3A_108, %dma_wait3A_109] : memref<2x4x256xi32, #tpu.memory_space<vmem>> -> memref<1x4x256xi32, #tpu.memory_space<vmem>>
    %dma_wait3A_111 = tpu.memref_squeeze %dma_wait3A_110 : memref<1x4x256xi32, #tpu.memory_space<vmem>> -> memref<4x256xi32, #tpu.memory_space<vmem>>
    tpu.wait_dma2 semaphore(%arg15 : memref<!tpu.dma_semaphore, #tpu.memory_space<semaphore_mem>>) src(%dma_wait3A_111 : memref<4x256xi32, #tpu.memory_space<vmem>>) dst(%dma_wait3A_107 : memref<4x256xi32, #tpu.memory_space<hbm>>)
    return
  }
}

module attributes {stable_mosaic.version = 14 : i64} {
  func.func @_mm_body(%arg0: i32, %arg1: memref<128x2560xf32, #tpu.memory_space<vmem>>, %arg2: memref<128x128xf32, #tpu.memory_space<vmem>>, %arg3: memref<128x128xf32, #tpu.memory_space<vmem>>, %arg4: memref<128x128xf32, #tpu.memory_space<vmem>>, %arg5: memref<64x2560xi32, #tpu.memory_space<vmem>>, %arg6: memref<64x2560xi32, #tpu.memory_space<vmem>>) attributes {dimension_semantics = [#tpu.dimension_semantics<arbitrary>], iteration_bounds = array<i64: 4>, scalar_prefetch = 0 : i64, scratch_operands = 0 : i64, tpu.core_type = #tpu.core_type<tc>, window_params = [{transform_indices = @transform_0, window_bounds = array<i64: 128, 2560>}, {pipeline_mode = #tpu.pipeline_mode<synchronous>, transform_indices = @transform_1, window_bounds = array<i64: 128, 128>}, {pipeline_mode = #tpu.pipeline_mode<synchronous>, transform_indices = @transform_2, window_bounds = array<i64: 128, 128>}, {pipeline_mode = #tpu.pipeline_mode<synchronous>, transform_indices = @transform_3, window_bounds = array<i64: 128, 128>}, {transform_indices = @transform_4, window_bounds = array<i64: 64, 2560>}, {transform_indices = @transform_5, window_bounds = array<i64: 64, 2560>}]} {
    %get3A = arith.constant 0 : index
    %get3A_0 = arith.constant 0 : index
    %get3A_1 = vector.load %arg1[%get3A, %get3A_0] : memref<128x2560xf32, #tpu.memory_space<vmem>>, vector<128x2560xf32>
    %get3A_2 = arith.constant 0 : index
    %get3A_3 = arith.constant 0 : index
    %get3A_4 = vector.load %arg4[%get3A_2, %get3A_3] : memref<128x128xf32, #tpu.memory_space<vmem>>, vector<128x1xf32>
    %get3A_5 = arith.constant 0 : index
    %get3A_6 = arith.constant 0 : index
    %get3A_7 = vector.load %arg2[%get3A_5, %get3A_6] : memref<128x128xf32, #tpu.memory_space<vmem>>, vector<128x128xf32>
    %dot_general3A = arith.constant dense<0.000000e+00> : vector<128x2560xf32>
    %dot_general3A_8 = tpu.matmul %get3A_7, %get3A_1, %dot_general3A {dimension_numbers = #tpu.dot_dimension_numbers<[1], [0], [0], [1], [0, 0, 1, 1], [], []>, transpose_lhs_hint = false} : vector<128x128xf32>, vector<128x2560xf32>, vector<128x2560xf32> -> vector<128x2560xf32>
    %add3A = vector.broadcast %get3A_4 : vector<128x1xf32> to vector<128x2560xf32>
    %add3A_9 = arith.addf %dot_general3A_8, %add3A : vector<128x2560xf32>
    %convert_element_type3A = arith.truncf %add3A_9 : vector<128x2560xf32> to vector<128x2560xbf16>
    %slice3A = vector.extract_strided_slice %convert_element_type3A {offsets = [0, 0], sizes = [64, 2560], strides = [1, 1]} : vector<128x2560xbf16> to vector<64x2560xbf16>
    %bitcast_convert_type3A = tpu.bitcast %slice3A : vector<64x2560xbf16> -> vector<64x2560xi16>
    %convert_element_type3A_10 = arith.extui %bitcast_convert_type3A : vector<64x2560xi16> to vector<64x2560xi32>
    %slice3A_11 = vector.extract_strided_slice %convert_element_type3A {offsets = [64, 0], sizes = [64, 2560], strides = [1, 1]} : vector<128x2560xbf16> to vector<64x2560xbf16>
    %bitcast_convert_type3A_12 = tpu.bitcast %slice3A_11 : vector<64x2560xbf16> -> vector<64x2560xi16>
    %convert_element_type3A_13 = arith.extui %bitcast_convert_type3A_12 : vector<64x2560xi16> to vector<64x2560xi32>
    %shift_left3A = arith.constant 16 : i32
    %shift_left3A_14 = vector.broadcast %shift_left3A : i32 to vector<64x2560xi32>
    %shift_left3A_15 = arith.shli %convert_element_type3A_13, %shift_left3A_14 : vector<64x2560xi32>
    %or3A = arith.ori %convert_element_type3A_10, %shift_left3A_15 : vector<64x2560xi32>
    %bitcast_convert_type3A_16 = tpu.bitcast %or3A : vector<64x2560xi32> -> vector<64x2560xi32>
    %swap3A = arith.constant 0 : index
    %swap3A_17 = arith.constant 0 : index
    %swap3A_18 = vector.load %arg5[%swap3A, %swap3A_17] : memref<64x2560xi32, #tpu.memory_space<vmem>>, vector<64x2560xi32>
    tpu.vector_store %arg5[%swap3A, %swap3A_17], %bitcast_convert_type3A_16 {strides = array<i32>} : memref<64x2560xi32, #tpu.memory_space<vmem>>, vector<64x2560xi32>,
    %get3A_19 = arith.constant 0 : index
    %get3A_20 = arith.constant 0 : index
    %get3A_21 = vector.load %arg3[%get3A_19, %get3A_20] : memref<128x128xf32, #tpu.memory_space<vmem>>, vector<128x128xf32>
    %dot_general3A_22 = arith.constant dense<0.000000e+00> : vector<128x2560xf32>
    %dot_general3A_23 = tpu.matmul %get3A_21, %get3A_1, %dot_general3A_22 {dimension_numbers = #tpu.dot_dimension_numbers<[1], [0], [0], [1], [0, 0, 1, 1], [], []>, transpose_lhs_hint = false} : vector<128x128xf32>, vector<128x2560xf32>, vector<128x2560xf32> -> vector<128x2560xf32>
    %add3A_24 = vector.broadcast %get3A_4 : vector<128x1xf32> to vector<128x2560xf32>
    %add3A_25 = arith.addf %dot_general3A_23, %add3A_24 : vector<128x2560xf32>
    %convert_element_type3A_26 = arith.truncf %add3A_25 : vector<128x2560xf32> to vector<128x2560xbf16>
    %slice3A_27 = vector.extract_strided_slice %convert_element_type3A_26 {offsets = [0, 0], sizes = [64, 2560], strides = [1, 1]} : vector<128x2560xbf16> to vector<64x2560xbf16>
    %bitcast_convert_type3A_28 = tpu.bitcast %slice3A_27 : vector<64x2560xbf16> -> vector<64x2560xi16>
    %convert_element_type3A_29 = arith.extui %bitcast_convert_type3A_28 : vector<64x2560xi16> to vector<64x2560xi32>
    %slice3A_30 = vector.extract_strided_slice %convert_element_type3A_26 {offsets = [64, 0], sizes = [64, 2560], strides = [1, 1]} : vector<128x2560xbf16> to vector<64x2560xbf16>
    %bitcast_convert_type3A_31 = tpu.bitcast %slice3A_30 : vector<64x2560xbf16> -> vector<64x2560xi16>
    %convert_element_type3A_32 = arith.extui %bitcast_convert_type3A_31 : vector<64x2560xi16> to vector<64x2560xi32>
    %shift_left3A_33 = arith.constant 16 : i32
    %shift_left3A_34 = vector.broadcast %shift_left3A_33 : i32 to vector<64x2560xi32>
    %shift_left3A_35 = arith.shli %convert_element_type3A_32, %shift_left3A_34 : vector<64x2560xi32>
    %or3A_36 = arith.ori %convert_element_type3A_29, %shift_left3A_35 : vector<64x2560xi32>
    %bitcast_convert_type3A_37 = tpu.bitcast %or3A_36 : vector<64x2560xi32> -> vector<64x2560xi32>
    %swap3A_38 = arith.constant 0 : index
    %swap3A_39 = arith.constant 0 : index
    %swap3A_40 = vector.load %arg6[%swap3A_38, %swap3A_39] : memref<64x2560xi32, #tpu.memory_space<vmem>>, vector<64x2560xi32>
    tpu.vector_store %arg6[%swap3A_38, %swap3A_39], %bitcast_convert_type3A_37 {strides = array<i32>} : memref<64x2560xi32, #tpu.memory_space<vmem>>, vector<64x2560xi32>,
    return
  }
  func.func @transform_0(%arg0: i32) -> (i32, i32) {
    %c0_i32 = arith.constant 0 : i32
    %c0_i32_0 = arith.constant 0 : i32
    return %c0_i32, %arg0 : i32, i32
  }
  func.func @transform_1(%arg0: i32) -> (i32, i32) {
    %c0_i32 = arith.constant 0 : i32
    %c0_i32_0 = arith.constant 0 : i32
    %c0_i32_1 = arith.constant 0 : i32
    return %c0_i32, %c0_i32_0 : i32, i32
  }
  func.func @transform_2(%arg0: i32) -> (i32, i32) {
    %c0_i32 = arith.constant 0 : i32
    %c0_i32_0 = arith.constant 0 : i32
    %c0_i32_1 = arith.constant 0 : i32
    return %c0_i32, %c0_i32_0 : i32, i32
  }
  func.func @transform_3(%arg0: i32) -> (i32, i32) {
    %c0_i32 = arith.constant 0 : i32
    %c0_i32_0 = arith.constant 0 : i32
    %c0_i32_1 = arith.constant 0 : i32
    return %c0_i32, %c0_i32_0 : i32, i32
  }
  func.func @transform_4(%arg0: i32) -> (i32, i32) {
    %c0_i32 = arith.constant 0 : i32
    %c0_i32_0 = arith.constant 0 : i32
    return %c0_i32, %arg0 : i32, i32
  }
  func.func @transform_5(%arg0: i32) -> (i32, i32) {
    %c0_i32 = arith.constant 0 : i32
    %c0_i32_0 = arith.constant 0 : i32
    return %c0_i32, %arg0 : i32, i32
  }
}

module attributes {stable_mosaic.version = 14 : i64} {
  func.func @_unpack_body(%arg0: i32, %arg1: memref<64x2560xi32, #tpu.memory_space<vmem>>, %arg2: memref<128x2560xf32, #tpu.memory_space<vmem>>) attributes {dimension_semantics = [#tpu.dimension_semantics<arbitrary>], iteration_bounds = array<i64: 4>, scalar_prefetch = 0 : i64, scratch_operands = 0 : i64, tpu.core_type = #tpu.core_type<tc>, window_params = [{transform_indices = @transform_0, window_bounds = array<i64: 64, 2560>}, {transform_indices = @transform_1, window_bounds = array<i64: 128, 2560>}]} {
    %get3A = arith.constant 0 : index
    %get3A_0 = arith.constant 0 : index
    %get3A_1 = vector.load %arg1[%get3A, %get3A_0] : memref<64x2560xi32, #tpu.memory_space<vmem>>, vector<64x2560xi32>
    %bitcast_convert_type3A = tpu.bitcast %get3A_1 : vector<64x2560xi32> -> vector<64x2560xi32>
    %and3A = arith.constant 65535 : i32
    %and3A_2 = vector.broadcast %and3A : i32 to vector<64x2560xi32>
    %and3A_3 = arith.andi %bitcast_convert_type3A, %and3A_2 : vector<64x2560xi32>
    %convert_element_type3A = arith.trunci %and3A_3 : vector<64x2560xi32> to vector<64x2560xi16>
    %bitcast_convert_type3A_4 = tpu.bitcast %convert_element_type3A : vector<64x2560xi16> -> vector<64x2560xbf16>
    %convert_element_type3A_5 = arith.extf %bitcast_convert_type3A_4 : vector<64x2560xbf16> to vector<64x2560xf32>
    %shift_right_logical3A = arith.constant 16 : i32
    %shift_right_logical3A_6 = vector.broadcast %shift_right_logical3A : i32 to vector<64x2560xi32>
    %shift_right_logical3A_7 = arith.shrui %bitcast_convert_type3A, %shift_right_logical3A_6 : vector<64x2560xi32>
    %convert_element_type3A_8 = arith.trunci %shift_right_logical3A_7 : vector<64x2560xi32> to vector<64x2560xi16>
    %bitcast_convert_type3A_9 = tpu.bitcast %convert_element_type3A_8 : vector<64x2560xi16> -> vector<64x2560xbf16>
    %convert_element_type3A_10 = arith.extf %bitcast_convert_type3A_9 : vector<64x2560xbf16> to vector<64x2560xf32>
    %swap3A = arith.constant 0 : index
    %swap3A_11 = arith.constant 0 : index
    %swap3A_12 = vector.load %arg2[%swap3A, %swap3A_11] : memref<128x2560xf32, #tpu.memory_space<vmem>>, vector<64x2560xf32>
    tpu.vector_store %arg2[%swap3A, %swap3A_11], %convert_element_type3A_5 {strides = array<i32>} : memref<128x2560xf32, #tpu.memory_space<vmem>>, vector<64x2560xf32>,
    %swap3A_13 = arith.constant 64 : index
    %swap3A_14 = arith.constant 0 : index
    %swap3A_15 = vector.load %arg2[%swap3A_13, %swap3A_14] : memref<128x2560xf32, #tpu.memory_space<vmem>>, vector<64x2560xf32>
    tpu.vector_store %arg2[%swap3A_13, %swap3A_14], %convert_element_type3A_10 {strides = array<i32>} : memref<128x2560xf32, #tpu.memory_space<vmem>>, vector<64x2560xf32>,
    return
  }
  func.func @transform_0(%arg0: i32) -> (i32, i32) {
    %c0_i32 = arith.constant 0 : i32
    %c0_i32_0 = arith.constant 0 : i32
    return %c0_i32, %arg0 : i32, i32
  }
  func.func @transform_1(%arg0: i32) -> (i32, i32) {
    %c0_i32 = arith.constant 0 : i32
    %c0_i32_0 = arith.constant 0 : i32
    return %c0_i32, %arg0 : i32, i32
  }
}

</mosaic_0001>

<sc_bundles>
// kernel: kernel.5.cloned.1.call-start
scs
__scs_entry_jumppad:
0x0: {  	(pc) =	sbr.rel $0x88, $3  }
0x1: {  	(tag) =	ssettag $0x0;
	lr =	simm.s32 $0x1  }
0x2: {  	[smem:$0x3F9D] =	sst lr;
	_ =	strace $0xD0000000  }
0x3: {  	_ = 	snop  }
0x4: {  	_ = 	snop  }
0x5: {  	_ = 	snop  }
0x6: {  	_ = 	snop  }
0x7: {  	_ = 	snop  }
__scs_overlays_trampoline_lowered:
0x8: {  	[smem:$0x3FAC] =	sst s0  }
0x9: {  	[smem:$0x3FAD] =	sst s1  }
0xa: {  	[smem:$0x3FAE] =	sst s2  }
0xb: {  	[smem:$0x3FAF] =	sst s3  }
0xc: {  	[smem:$0x3FB0] =	sst s4  }
0xd: {  	[smem:$0x3FB1] =	sst s5  }
0xe: {  	[smem:$0x3FB2] =	sst s6  }
0xf: {  	[smem:$0x3FB3] =	sst s7  }
0x10: {  	[smem:$0x3FB4] =	sst s8  }
0x11: {  	[smem:$0x3FB5] =	sst s9;
	s0 =	simm.s32 @!p0 $0x0  }
0x12: {  	s1 =	sld [smem:$0x3F9B];
	s0 =	simm.s32 @p0 $0x1  }
0x13: {  	[smem:$0x3FB6] =	sst s0;
	s0 =	simm.s32 @!p1 $0x0  }
0x14: {  	s2 =	sld [smem:$0x3F9A];
	s0 =	simm.s32 @p1 $0x1  }
0x15: {  	[smem:$0x3FB7] =	sst s0;
	s0 =	simm.s32 @!p2 $0x0  }
0x16: {  	s3 =	sld [smem:$0x3FDB];
	s0 =	simm.s32 @p2 $0x1  }
0x17: {  	s4 =	simm.s32 $0x1BF5;
	[smem:$0x3FB9] =	sst s0  }
0x18: {  	s0 =	sld [smem:$0x3F9C];
	_ =	swait.ge [sflag:s4], $0x0  }
0x19: {  	s7 =	sld [smem:$0x3F9D]  }
0x1a: {  	s8 =	sadd.s32 $0xFFFFE003, lr  }
0x1b: {  	s9 =	sadd.s32 $0xFFFFFEF7, lr;
	s5 =	simm.s32 $0xFFFFFFFF;
	p2 =	slt.u32 s8, $0xFFFFF086  }
0x1c: {  	p1 =	slt.u32 s9, $0xF7A;
	s5 =	simm.s32 @!p2 $0x0  }
0x1d: {  	s5 =	simm.s32 @p1 $0x1;
	p0 =	seq.s32 s7, s2  }
0x1e: {  	s7 =	smul.u32 @!p0 $0xF7A, s2;
	p2 =	seq.s32 @!p0 s5, $0x0  }
0x1f: {  	s9 =	smul.u32 $0xF7A, s1;
	s8 =	simm.s32 @!p0 $0x1BF5;
	p2 =	por !p2, p0  }
0x20: {  	[sflag:s8] =	ssyncset.s32 @!p0 $0xFFFFF086;
	s6 =	sadd.s32 @!p0 s3, s7;
	s7 =	simm.s32 @!p0 $0x108  }
0x21: {  	s3 =	sadd.s32 s3, s9;
	s6 =	sadd.s32 @!p0 $0x88, s6;
	s7 =	simm.s32 @p2 $0x1082  }
0x22: {  	[simem:s7], [sflag:s8] =	dma.local @!p0 [hbm:s6], $0xF7A  }
0x23: {  	s9 =	sor.u32 $0xD0000000, s2;
	s6 =	simm.s32 $0x108;
	_ =	swait.ge @!p0 [sflag:s8], $0x0  }
0x24: {  	s3 =	sadd.s32 $0x88, s3;
	s6 =	simm.s32 @!p1 $0x1082;
	[sflag:s4] =	ssyncset.s32 $0xFFFFF086  }
0x25: {  	[simem:s6], [sflag:s4] =	dma.local [hbm:s3], $0xF7A  }
0x26: {  	[smem:$0x3F9D] =	sst s1;
	(tag) =	ssettag s2;
	_ =	strace s9  }
0x27: {  	s1 =	sld [smem:$0x3FAD]  }
0x28: {  	s2 =	sld [smem:$0x3FAE]  }
0x29: {  	s4 =	sld [smem:$0x3FB0]  }
0x2a: {  	p0 =	seq.s32 s5, $0x0;
	s5 =	sld [smem:$0x3FB1]  }
0x2b: {  	s6 =	sld [smem:$0x3FB2]  }
0x2c: {  	s7 =	sld [smem:$0x3FB3]  }
0x2d: {  	s3 =	simm.s32 $0x108;
	s8 =	sld [smem:$0x3FB4]  }
0x2e: {  	s3 =	simm.s32 @!p0 $0x1082;
	s9 =	sld [smem:$0x3FB5]  }
0x2f: {  	lr =	sadd.s32 s0, s3;
	s0 =	sld [smem:$0x3FAC]  }
0x30: {  	s3 =	sld [smem:$0x3FAF]  }
0x31: {  	[smem:$0x3FB8] =	sst s10  }
0x32: {  	s10 =	sld [smem:$0x3FB6];
	_ =	sdelay $0x3  }
0x33: {  	p0 =	seq.s32 s10, $0x1;
	s10 =	sld [smem:$0x3FB8];
	_ =	sdelay $0x3  }
0x34: {  	[smem:$0x3FB8] =	sst s10  }
0x35: {  	s10 =	sld [smem:$0x3FB7];
	_ =	sdelay $0x3  }
0x36: {  	p1 =	seq.s32 s10, $0x1;
	s10 =	sld [smem:$0x3FB8];
	_ =	sdelay $0x3  }
0x37: {  	[smem:$0x3FB8] =	sst s10  }
0x38: {  	s10 =	sld [smem:$0x3FB9]  }
0x39: {  	_ = 	snop;
	(pc) =	sbr.ind lr, $3  }
0x3a: {  	_ = 	snop  }
0x3b: {  	_ = 	snop  }
0x3c: {  	p2 =	seq.s32 s10, $0x1;
	s10 =	sld [smem:$0x3FB8]  }
0x3d: {  	_ =	shalt  }
0x3e: {  	_ =	shalt  }
0x3f: {  	_ =	shalt  }
0x40: {  	_ =	shalt  }
0x41: {  	_ =	shalt  }
0x42: {  	_ =	shalt  }
0x43: {  	_ =	shalt  }
0x44: {  	_ =	shalt  }
0x45: {  	_ =	shalt  }
0x46: {  	_ =	shalt  }
0x47: {  	_ =	shalt  }
0x48: {  	_ =	shalt  }
0x49: {  	_ =	shalt  }
0x4a: {  	_ =	shalt  }
0x4b: {  	_ =	shalt  }
0x4c: {  	_ =	shalt  }
0x4d: {  	_ =	shalt  }
0x4e: {  	_ =	shalt  }
0x4f: {  	_ =	shalt  }
0x50: {  	_ =	shalt  }
0x51: {  	_ =	shalt  }
0x52: {  	_ =	shalt  }
0x53: {  	_ =	shalt  }
0x54: {  	_ =	shalt  }
0x55: {  	_ =	shalt  }
0x56: {  	_ =	shalt  }
0x57: {  	_ =	shalt  }
0x58: {  	_ =	shalt  }
0x59: {  	_ =	shalt  }
0x5a: {  	_ =	shalt  }
0x5b: {  	_ =	shalt  }
0x5c: {  	_ =	shalt  }
0x5d: {  	_ =	shalt  }
0x5e: {  	_ =	shalt  }
0x5f: {  	_ =	shalt  }
0x60: {  	_ =	shalt  }
0x61: {  	_ =	shalt  }
0x62: {  	_ =	shalt  }
0x63: {  	_ =	shalt  }
0x64: {  	_ =	shalt  }
0x65: {  	_ =	shalt  }
0x66: {  	_ =	shalt  }
0x67: {  	_ =	shalt  }
0x68: {  	_ =	shalt  }
0x69: {  	_ =	shalt  }
0x6a: {  	_ =	shalt  }
0x6b: {  	_ =	shalt  }
0x6c: {  	_ =	shalt  }
0x6d: {  	_ =	shalt  }
0x6e: {  	_ =	shalt  }
0x6f: {  	_ =	shalt  }
0x70: {  	_ =	shalt  }
0x71: {  	_ =	shalt  }
0x72: {  	_ =	shalt  }
0x73: {  	_ =	shalt  }
0x74: {  	_ =	shalt  }
0x75: {  	_ =	shalt  }
0x76: {  	_ =	shalt  }
0x77: {  	_ =	shalt  }
0x78: {  	_ =	shalt  }
0x79: {  	_ =	shalt  }
0x7a: {  	_ =	shalt  }
0x7b: {  	_ =	shalt  }
0x7c: {  	_ =	shalt  }
0x7d: {  	_ =	shalt  }
0x7e: {  	_ =	shalt  }
0x7f: {  	_ =	shalt  }
0x80: {  	_ =	shalt  }
0x81: {  	_ =	shalt  }
0x82: {  	_ =	shalt  }
0x83: {  	_ =	shalt  }
0x84: {  	_ =	shalt  }
0x85: {  	_ =	shalt  }
0x86: {  	_ =	shalt  }
0x87: {  	_ =	shalt  }
.Lfunc_end0:
.L_simem_size_0:
called_computation_lowered:
.L_overlay_start_0:
0x88: {  	s2 =	sld [smem:$0x3FD9]  }
0x89: {  	s3 =	sld [smem:$0x3FFE];
	_ =	sdelay $0x1  }
0x8a: {  	s1 =	srdreg.scid  }
0x8b: {  	s0 =	sand.u32 $0x1, s1  }
0x8c: {  	s17 =	sshll.u32 s0, $0xA;
	s2 =	sadd.s32 s3, s2  }
0x8d: {  	s2 =	sadd.s32 s2, s17  }
0x8e: {  	[smem:$0x3FC4] =	sst s2  }
0x8f: {  	_ = 	snop  }
0x90: {  	s2 =	sld [smem:$0x3FD0];
	(tm) =	ssettm $0x1  }
0x91: {  	s18 =	sld [smem:$0x3FFB];
	_ =	sdelay $0x3  }
0x92: {  	_ =	strace s18  }
0x93: {  	s3 =	sld [smem:$0x3FFC];
	_ =	sdelay $0x3  }
0x94: {  	_ =	strace s3  }
0x95: {  	s3 =	sld [smem:$0x3FFD];
	_ =	sdelay $0x3  }
0x96: {  	_ =	strace s3  }
0x97: {  	_ =	strace $0x8FFFFFFF  }
0x98: {  	s19 =	sld [smem:$0x3FDB];
	_ =	sdelay $0x1  }
0x99: {  	s4 =	simm.s32 $_scs_section_size  }
0x9a: {  	s5 =	simm.s32 $_size__tile_overlayer_lowered;
	s6 =	simm.s32 $_tile_overlayer_lowered  }
0x9b: {  	s22 =	simm.s32 $0x1BFF;
	s21 =	sshll.u32 s6, $0x1;
	s3 =	sadd.s32 s4, s19  }
0x9c: {  	s7 =	simm.s32 $0x0;
	s20 =	sshll.u32 s5, $0x1;
	s5 =	sadd.s32 s21, s3  }
0x9d: {  	[timem:s7], [sflag:s22] =	dma.local [hbm:s5], s20  }
0x9e: {  	_ =	swait.ge [sflag:s22], s20  }
0x9f: {  	s4 =	ssub.s32 $0x0, s20;
	[sflag:s22] =	ssyncset.done $0x0  }
0xa0: {  	[sflag:s22] =	ssyncadd.s32 s4;
	_ =	sdelay $0x1  }
0xa1: {  	s23 =	simm.s32 $0x1B8B  }
0xa2: {  	_ =	swait.ge [sflag:s23], $0x1  }
0xa3: {  	[sflag:s23] =	ssyncset.done $0x0  }
0xa4: {  	s25 =	simm.s32 $0x1B8E;
	s24 =	sld [smem:$0x3FFE];
	[sflag:s23] =	ssyncadd.s32 $0xFFFFFFFF  }
0xa5: {  	s26 =	simm.s32 $execute0_lowered;
	[smem:$0x3FD2] =	sst s25  }
0xa6: {  	s5 =	sshll.u32 s26, $0x1;
	_ =	strace $0x80000046;
	[dreg:$0x1] =	wrdreg $0xFFFFFFFF  }
0xa7: {  	s28 =	simm.s32 $_size_execute0_lowered;
	s3 =	sadd.s32 s3, s5;
	[dreg:$0x0] =	wrdreg $0x0  }
0xa8: {  	s5 =	sshll.u32 s28, $0x1;
	[dreg:$0x2] =	wrdreg s3  }
0xa9: {  	[dreg:$0x3] =	wrdreg s5  }
0xaa: {  	[dreg:$0x4] =	wrdreg $0xC0  }
0xab: {  	_ =	task [dreg:s7], $0x5FFFF  }
0xac: {  	[dreg:$0x1] =	wrdreg $0xFFFFFFFF  }
0xad: {  	[dreg:$0x0] =	wrdreg $0x60  }
0xae: {  	[dreg:$0x2] =	wrdreg s2  }
0xaf: {  	[dreg:$0x3] =	wrdreg s24  }
0xb0: {  	[dreg:$0x4] =	wrdreg $0x9  }
0xb1: {  	_ =	task.clear_ibuf [dreg:s7], $0x5FFFF;
	_ =	strace $0x90000046  }
0xb2: {  	s29 =	simm.s32 $0x9;
	_ =	strace $0x80000048  }
0xb3: {  	_ =	swait.ge [sflag:s29], $0x1  }
0xb4: {  	[sflag:s29] =	ssyncadd.s32 $0xFFFFFFFF  }
0xb5: {  	_ =	strace $0x90000048  }
0xb6: {  	_ =	sfence  }
0xb7: {  	s30 =	sld [smem:$0x0];
	_ =	sdelay $0x2  }
0xb8: {  	s31 =	sshll.u32 s1, $0xD;
	s1 =	sshrl.u32 s1, $0x2  }
0xb9: {  	s3 =	sand.u32 $0x4000, s31;
	s1 =	sadd.s32 s1, s30  }
0xba: {  	s0 =	sor.u32 s3, s0;
	s1 =	sshll.u32 s1, $0x11  }
0xbb: {  	s0 =	sor.u32 s1, s0  }
0xbc: {  	s0 =	sadd.s32 $0x8F2B, s0  }
0xbd: {  	[sflag:s0] =	ssyncadd.remote.s32 $0x1  }
0xbe: {  	_ =	sfence.sel $0xFFFF  }
0xbf: {  	[dreg:$0x0] =	wrdreg $0xFFFFFFFF;
	(pc) =	sbr.abs _section_cstart, $3  }
0xc0: {  	[dreg:$0x1] =	wrdreg $0xFFFFFFFF  }
0xc1: {  	_ =	task.clear_ibuf [dreg:s7], $0x2FFFF;
	_ =	strace $0x9FFFFFFF  }
0xc2: {  	(tm) =	ssettm $0x7FFFFFFF  }
0xc3: {  	_ =	shalt  }
tec
execute0_lowered:
.L_overlay_start_1:
0x0: {  	(tag) =	ssettag $0x1  }
0x1: {  	s0 =	rddreg [dreg:$0x0];
	s2 =	stileid.u32  }
0x2: {  	s1 =	rddreg [dreg:$0x1];
	s3 =	srdreg.scid;
	s17 =	simm.s32 $0x5  }
0x3: {  	s18 =	simm.s32 $0xA000;
	s21 =	simm.s32 $0x15000;
	s28 =	simm.s32 $0x2  }
0x4: {  	s29 =	simm.s32 $0x18400;
	s30 =	simm.s32 $0x3;
	s31 =	simm.s32 $0x4  }
0x5: {  	s6 =	smul.u32 $0xA000, s2;
	s2 =	simm.s32 $0x0;
	s9 =	sand.u32 $0x1, s3  }
0x6: {  	s3 =	sadd.s32 $0x1A000, s1;
	s4 =	sadd.s32 $0x15000, s1;
	s5 =	sadd.s32 $0x1F000, s1  }
0x7: {  	[smem:$0x7FF] =	sst s2;
	s10 =	ssub.s32 $0x2, s9;
	s15 =	smul.u32 $0x14000, s9  }
0x8: {  	s12 =	smul.u32 $0x1400, s9;
	s7 =	sshrl.u32 s6, $0x3;
	s22 =	sshrl.u32 s10, $0x1  }
0x9: {  	_ =	strace $0x80000047;
	s8 =	sadd.s32 s7, s1;
	s1 =	ssub.s32 s10, s22  }
0xa: {  	s0 =	sadd.s32 s0, s7;
	s23 =	sshrl.u32 s15, $0x3;
	s12 =	sor.u32 s12, s6  }
0xb: {  	s13 =	sor.u32 $0x2000, s15;
	s15 =	sor.u32 $0x3000, s15;
	s22 =	simm.s32 $0x17000  }
0xc: {  	[dreg:$0x3] =	wrdreg s0;
	s24 =	sadd.s32 $0x1000, s8;
	s25 =	sor.u32 $0x200, s23  }
.Ltmp0:
0xd: {  	s26 =	sadd.s32 s3, s23;
	s0 =	sadd.s32 s4, s23;
	(pc) =	sbr.rel .LBB2_1-.Ltmp0, $4  }
0xe: {  	s14 =	sor.u32 $0x100, s12;
	s16 =	smax.u32 s1, $0x1;
	[dreg:$0x4] =	wrdreg s24  }
0xf: {  	s23 =	simm.s32 $0x1;
	s1 =	simm.s32 $0x0;
	[dreg:$0x5] =	wrdreg s26  }
0x10: {  	[dreg:$0x6] =	wrdreg s0;
	s10 =	sadd.s32 s3, s25;
	s11 =	sadd.s32 s4, s25  }
0x11: {  	s24 =	simm.s32 $0x100;
	s25 =	simm.s32 $0x2800;
	s26 =	simm.s32 $0x18000  }
.LBB2_8:
0x12: {  	s1 =	sadd.s32 $0x1, s1  }
0x13: {  	_ =	swait.ge [sflag:s30], $0x400;
	p0 =	sne.s32 s1, s16  }
.Ltmp1:
0x14: {  	[sflag:s30] =	ssyncset.done $0x0;
	(pc) =	sbr.rel @!p0 .LBB2_9-.Ltmp1, $4  }
0x15: {  	[sflag:s30] =	ssyncadd.s32 $0xFFFFFC00  }
0x16: {  	_ =	swait.ge [sflag:s31], $0x400  }
0x17: {  	[sflag:s31] =	ssyncset.done $0x0  }
0x18: {  	[sflag:s31] =	ssyncadd.s32 $0xFFFFFC00  }
.LBB2_1:
0x19: {  	s0 =	rddreg [dreg:$0x3]  }
0x1a: {  	[tilespmem:s2], [sflag:$0x5] =	stream.linear.gather [hbm4b:s0+s2], $0xA000, $0x38;
	[tilespmem:$0x18800] =	vst v63  }
0x1b: {  	_ =	swait.ge [sflag:s17], $0xA000  }
0x1c: {  	[sflag:s17] =	ssyncset.done $0x0  }
0x1d: {  	s8 =	rddreg [dreg:$0x4];
	[sflag:s17] =	ssyncadd.s32 $0xFFFF6000  }
0x1e: {  	[tilespmem:s18], [sflag:$0x5] =	stream.linear.gather [hbm4b:s8+s2], $0xA000, $0x38;
	[tilespmem:$0x18800] =	vst v63  }
0x1f: {  	_ =	swait.ge [sflag:s17], $0xA000  }
0x20: {  	[sflag:s17] =	ssyncset.done $0x0  }
0x21: {  	s6 =	simm.s32 $0x14000;
	s9 =	rddreg [dreg:$0x5];
	[sflag:s17] =	ssyncadd.s32 $0xFFFF6000  }
0x22: {  	[tilespmem:s6], [sflag:$0x1] =	stream.linear.gather [hbm4b:s9+s2], $0x1000, $0x38;
	[tilespmem:$0x18800] =	vst v63  }
0x23: {  	s20 =	simm.s32 $0x16000;
	s19 =	rddreg [dreg:$0x6]  }
0x24: {  	[tilespmem:s20], [sflag:$0x1] =	stream.linear.gather [hbm4b:s19+s2], $0x1000, $0x38;
	[tilespmem:$0x18800] =	vst v63  }
0x25: {  	_ = 	snop  }
0x26: {  	[tilespmem:s21], [sflag:$0x2] =	stream.linear.gather [hbm4b:s10+s2], $0x1000, $0x38;
	[tilespmem:$0x18800] =	vst v63  }
0x27: {  	s0 =	simm.s32 $0x0  }
0x28: {  	[tilespmem:s22], [sflag:$0x2] =	stream.linear.gather [hbm4b:s11+s2], $0x1000, $0x38;
	[tilespmem:$0x18800] =	vst v63  }
.LBB2_2:
0x29: {  	_ =	swait.ge [sflag:s23], $0x1000  }
0x2a: {  	[sflag:s23] =	ssyncset.done $0x0  }
0x2b: {  	[sflag:s23] =	ssyncadd.s32 $0xFFFFF000  }
0x2c: {  	_ =	swait.ge [sflag:s23], $0x1000  }
0x2d: {  	p0 =	seq.s32 s0, $0x0;
	[sflag:s23] =	ssyncset.done $0x0  }
0x2e: {  	s6 =	simm.s32 @!p0 $0x3;
	[sflag:s23] =	ssyncadd.s32 $0xFFFFF000  }
0x2f: {  	_ =	swait.ge @!p0 [sflag:s6], $0x400  }
0x30: {  	[sflag:s6] =	ssyncset.done @!p0 $0x0  }
0x31: {  	s19 =	sshll.u32 s0, $0xD;
	s20 =	simm.s32 $0x0;
	[sflag:s6] =	ssyncadd.s32 @!p0 $0xFFFFFC00  }
.LBB2_3:
0x32: {  	s6 =	sshra.s32 s20, $0x2  }
0x33: {  	v0 =	vld [tilespmem:s6+$0x14000]  }
0x34: {  	v1 =	vld [tilespmem:s6+$0x16000]  }
0x35: {  	v6 =	vld [tilespmem:s6+$0x14100]  }
0x36: {  	v7 =	vld [tilespmem:s6+$0x16100]  }
0x37: {  	v42 =	vld [tilespmem:s6+$0x14200]  }
0x38: {  	v44 =	vld [tilespmem:s6+$0x16200]  }
0x39: {  	v55 =	vld [tilespmem:s6+$0x14300]  }
0x3a: {  	v56 =	vld [tilespmem:s6+$0x16300]  }
0x3b: {  	v20 =	vld [tilespmem:s6+$0x14400]  }
0x3c: {  	v21 =	vld [tilespmem:s6+$0x16400]  }
0x3d: {  	v36 =	vld [tilespmem:s6+$0x14500]  }
0x3e: {  	v37 =	vld [tilespmem:s6+$0x16500]  }
0x3f: {  	v8 =	vld.idx.msk [tilespmem:v0+s2+$0x0], $0xffff  }
0x40: {  	v10 =	vld.idx.msk [tilespmem:v1+s18+$0x0], $0xffff  }
0x41: {  	v19 =	vld.idx.msk [tilespmem:v6+s2+$0x0], $0xffff  }
0x42: {  	v22 =	vld.idx.msk [tilespmem:v7+s18+$0x0], $0xffff  }
0x43: {  	v50 =	vld.idx.msk [tilespmem:v42+s2+$0x0], $0xffff  }
0x44: {  	v2 =	vadd.s32 $0x2800, v0;
	v52 =	vld.idx.msk [tilespmem:v44+s18+$0x0], $0xffff  }
0x45: {  	v3 =	vadd.s32 $0x2800, v1;
	v62 =	vld.idx.msk [tilespmem:v55+s2+$0x0], $0xffff  }
0x46: {  	v4 =	vadd.s32 $0x5000, v0;
	v9 =	vld.idx.msk [tilespmem:v56+s18+$0x0], $0xffff  }
0x47: {  	v5 =	vadd.s32 $0x5000, v1;
	v29 =	vld.idx.msk [tilespmem:v20+s2+$0x0], $0xffff  }
0x48: {  	v38 =	vadd.s32 $0x2800, v6;
	v32 =	vld.idx.msk [tilespmem:v21+s18+$0x0], $0xffff  }
0x49: {  	v40 =	vadd.s32 $0x5000, v6;
	v11 =	vld.idx.msk [tilespmem:v2+s2+$0x0], $0xffff  }
0x4a: {  	v41 =	vadd.s32 $0x5000, v7;
	v16 =	vld.idx.msk [tilespmem:v3+s18+$0x0], $0xffff  }
0x4b: {  	v43 =	vadd.s32 $0x7800, v6;
	v13 =	vld.idx.msk [tilespmem:v4+s2+$0x0], $0xffff  }
0x4c: {  	v49 =	vadd.s32 $0x2800, v42;
	v14 =	vld.idx.msk [tilespmem:v5+s18+$0x0], $0xffff  }
0x4d: {  	v51 =	vadd.s32 $0x2800, v44;
	v26 =	vld.idx.msk [tilespmem:v38+s2+$0x0], $0xffff  }
0x4e: {  	v53 =	vadd.s32 $0x5000, v42;
	v46 =	vld.idx.msk [tilespmem:v40+s2+$0x0], $0xffff  }
0x4f: {  	v54 =	vadd.s32 $0x5000, v44;
	v47 =	vld.idx.msk [tilespmem:v41+s18+$0x0], $0xffff  }
0x50: {  	v12 =	vadd.s32 $0x5000, v55;
	v48 =	vld.idx.msk [tilespmem:v43+s2+$0x0], $0xffff  }
0x51: {  	v18 =	vadd.s32 $0x5000, v56;
	v30 =	vld.idx.msk [tilespmem:v49+s2+$0x0], $0xffff  }
0x52: {  	v35 =	vadd.s32 $0x5000, v21;
	v34 =	vld.idx.msk [tilespmem:v51+s18+$0x0], $0xffff  }
0x53: {  	v58 =	vld.idx.msk [tilespmem:v53+s2+$0x0], $0xffff  }
0x54: {  	v59 =	vld.idx.msk [tilespmem:v54+s18+$0x0], $0xffff  }
0x55: {  	v24 =	vld.idx.msk [tilespmem:v12+s2+$0x0], $0xffff  }
0x56: {  	v25 =	vld.idx.msk [tilespmem:v18+s18+$0x0], $0xffff  }
0x57: {  	v40 =	vld.idx.msk [tilespmem:v35+s18+$0x0], $0xffff  }
0x58: {  	v0 =	vadd.s32 $0x7800, v0;
	v43 =	vld.idx.msk [tilespmem:v36+s2+$0x0], $0xffff  }
0x59: {  	v1 =	vadd.s32 $0x7800, v1;
	v49 =	vld [tilespmem:s6+$0x14600]  }
0x5a: {  	v39 =	vadd.s32 $0x2800, v7;
	v51 =	vld [tilespmem:s6+$0x16600]  }
0x5b: {  	v45 =	vadd.s32 $0x7800, v7;
	v12 =	vld [tilespmem:s6+$0x14700]  }
0x5c: {  	v33 =	vadd.s32 $0x5000, v20;
	v35 =	vld [tilespmem:s6+$0x16800]  }
0x5d: {  	v15 =	vld.idx.msk [tilespmem:v0+s2+$0x0], $0xffff  }
0x5e: {  	v17 =	vld.idx.msk [tilespmem:v1+s18+$0x0], $0xffff  }
0x5f: {  	v4 =	vadd.s32 $0x7800, v42;
	v1 =	vld.idx.msk [tilespmem:v39+s18+$0x0], $0xffff  }
0x60: {  	v5 =	vadd.s32 $0x7800, v55;
	v0 =	vld.idx.msk [tilespmem:v45+s18+$0x0], $0xffff  }
0x61: {  	v39 =	vld.idx.msk [tilespmem:v33+s2+$0x0], $0xffff  }
0x62: {  	v45 =	vld.idx.msk [tilespmem:v37+s18+$0x0], $0xffff  }
0x63: {  	v57 =	vadd.s32 $0x7800, v44;
	[tilespmem:$0x1FEC0] =	vst v32;
	v32 =	vld [tilespmem:s6+$0x14800]  }
0x64: {  	v63 =	vadd.s32 $0x2800, v56;
	[tilespmem:$0x1FDD0] =	vst v50;
	v60 =	vld.idx.msk [tilespmem:v4+s2+$0x0], $0xffff  }
0x65: {  	v50 =	vadd.s32 $0x7800, v37;
	[tilespmem:$0x1FD90] =	vst v46;
	v27 =	vld.idx.msk [tilespmem:v5+s2+$0x0], $0xffff  }
0x66: {  	[tilespmem:$0x1FE80] =	vst v25;
	v25 =	vld [tilespmem:s6+$0x16700]  }
0x67: {  	[tilespmem:$0x1FF30] =	vst v43;
	v43 =	vld [tilespmem:s6+$0x14900]  }
0x68: {  	v4 =	vadd.s32 $0x7800, v20;
	[tilespmem:$0x1FDC0] =	vst v0;
	v0 =	vld.idx.msk [tilespmem:v57+s18+$0x0], $0xffff  }
0x69: {  	v46 =	vadd.s32 $0x5000, v36;
	[tilespmem:$0x1FD80] =	vst v1;
	v1 =	vld.idx.msk [tilespmem:v63+s18+$0x0], $0xffff  }
0x6a: {  	v61 =	vadd.s32 $0x2800, v55;
	[tilespmem:$0x1FDB0] =	vst v48;
	v48 =	vadd.s32 $0x7800, v36;
	v55 =	vld.idx.msk [tilespmem:v50+s18+$0x0], $0xffff  }
0x6b: {  	v28 =	vadd.s32 $0x2800, v20;
	v20 =	vadd.s32 $0x5000, v49;
	v18 =	vld.idx.msk [tilespmem:v49+s2+$0x0], $0xffff  }
0x6c: {  	v31 =	vadd.s32 $0x2800, v21;
	v38 =	vadd.s32 $0x7800, v21;
	[tilespmem:$0x1FDF0] =	vst v58;
	v21 =	vadd.s32 $0x5000, v51;
	v58 =	vld.idx.msk [tilespmem:v51+s18+$0x0], $0xffff  }
0x6d: {  	[tilespmem:$0x1FE70] =	vst v24;
	v24 =	vadd.s32 $0x7800, v51;
	v42 =	vld.idx.msk [tilespmem:v4+s2+$0x0], $0xffff  }
0x6e: {  	[tilespmem:$0x1FE10] =	vst v60;
	v60 =	vld.idx.msk [tilespmem:v46+s2+$0x0], $0xffff  }
0x6f: {  	[tilespmem:$0x1FE30] =	vst v62;
	v62 =	vld.idx.msk [tilespmem:v48+s2+$0x0], $0xffff  }
0x70: {  	v3 =	vld.idx.msk [tilespmem:v20+s2+$0x0], $0xffff  }
0x71: {  	[tilespmem:$0x1FDA0] =	vst v47;
	v47 =	vadd.s32 $0x5000, v37;
	v53 =	vld.idx.msk [tilespmem:v21+s18+$0x0], $0xffff  }
0x72: {  	v23 =	vadd.s32 $0x7800, v56;
	v2 =	vadd.s32 $0x7800, v12;
	v56 =	vld.idx.msk [tilespmem:v24+s18+$0x0], $0xffff  }
0x73: {  	[tilespmem:$0x1FF00] =	vst v40;
	v40 =	vadd.s32 $0x2800, v32;
	v48 =	vld.idx.msk [tilespmem:v32+s2+$0x0], $0xffff  }
0x74: {  	[tilespmem:$0x1FE20] =	vst v0;
	v0 =	vld.idx.msk [tilespmem:v61+s2+$0x0], $0xffff  }
0x75: {  	[tilespmem:$0x1FE60] =	vst v1;
	v1 =	vld.idx.msk [tilespmem:v31+s18+$0x0], $0xffff  }
0x76: {  	[tilespmem:$0x1FEB0] =	vst v29;
	v29 =	vadd.s32 $0x2800, v25;
	v61 =	vld.idx.msk [tilespmem:v47+s18+$0x0], $0xffff  }
0x77: {  	v33 =	vadd.s32 $0x5000, v25;
	v47 =	vld.idx.msk [tilespmem:v2+s2+$0x0], $0xffff  }
0x78: {  	v46 =	vadd.s32 $0x5000, v32;
	v57 =	vld.idx.msk [tilespmem:v40+s2+$0x0], $0xffff  }
0x79: {  	[tilespmem:$0x1FF70] =	vst v60;
	v60 =	vld.idx.msk [tilespmem:v12+s2+$0x0], $0xffff  }
0x7a: {  	[tilespmem:$0x1FF90] =	vst v62;
	v62 =	vld.idx.msk [tilespmem:v25+s18+$0x0], $0xffff  }
0x7b: {  	v41 =	vadd.s32 $0x2800, v36;
	v50 =	vld.idx.msk [tilespmem:v29+s18+$0x0], $0xffff  }
0x7c: {  	[tilespmem:$0x1FE40] =	vst v9;
	v9 =	vadd.s32 $0x2800, v51;
	v31 =	vadd.s32 $0x5000, v12;
	v51 =	vld.idx.msk [tilespmem:v33+s18+$0x0], $0xffff  }
0x7d: {  	v44 =	vadd.s32 $0x2800, v37;
	[tilespmem:$0x1FE90] =	vst v27;
	v2 =	vadd.s32 $0x7800, v43;
	v37 =	vld.idx.msk [tilespmem:v46+s2+$0x0], $0xffff  }
0x7e: {  	[tilespmem:$0x1FFD0] =	vst v3;
	v3 =	vadd.s32 $0x7800, v32;
	v46 =	vld.idx.msk [tilespmem:v43+s2+$0x0], $0xffff  }
0x7f: {  	[tilespmem:$0x1FE50] =	vst v0;
	v0 =	vld.idx.msk [tilespmem:v23+s18+$0x0], $0xffff  }
0x80: {  	v27 =	vadd.s32 $0x2800, v12;
	v12 =	vadd.s32 $0x2800, v43;
	[tilespmem:$0x1FEE0] =	vst v1;
	v1 =	vld.idx.msk [tilespmem:v41+s2+$0x0], $0xffff  }
0x81: {  	[tilespmem:$0x1FF80] =	vst v61;
	v61 =	vld.idx.msk [tilespmem:v31+s2+$0x0], $0xffff  }
0x82: {  	v33 =	vld.idx.msk [tilespmem:v2+s2+$0x0], $0xffff  }
0x83: {  	[tilespmem:$0x1FF40] =	vst v45;
	v23 =	vadd.s32 $0x7800, v49;
	v45 =	vld.idx.msk [tilespmem:v3+s2+$0x0], $0xffff  }
0x84: {  	[tilespmem:$0x1FEA0] =	vst v0;
	v0 =	vld.idx.msk [tilespmem:v28+s2+$0x0], $0xffff  }
0x85: {  	[tilespmem:$0x1FFA0] =	vst v18;
	v18 =	vld.idx.msk [tilespmem:v12+s2+$0x0], $0xffff  }
0x86: {  	v12 =	vld [tilespmem:s6+$0x14B00]  }
0x87: {  	[tilespmem:$0x1FF50] =	vst v1;
	v1 =	vld.idx.msk [tilespmem:v9+s18+$0x0], $0xffff  }
0x88: {  	v41 =	vadd.s32 $0x2800, v35;
	v54 =	vld.idx.msk [tilespmem:v23+s2+$0x0], $0xffff  }
0x89: {  	[tilespmem:$0x1FED0] =	vst v0;
	v0 =	vld.idx.msk [tilespmem:v38+s18+$0x0], $0xffff  }
0x8a: {  	[tilespmem:$0x1FDE0] =	vst v52;
	v52 =	vadd.s32 $0x5000, v35;
	v28 =	vld.idx.msk [tilespmem:v27+s2+$0x0], $0xffff  }
0x8b: {  	v21 =	vadd.s32 $0x5000, v43;
	v9 =	vld [tilespmem:s6+$0x16900]  }
0x8c: {  	v23 =	vld [tilespmem:s6+$0x14A00]  }
0x8d: {  	[tilespmem:$0x1FE00] =	vst v59;
	v59 =	vld.idx.msk [tilespmem:v41+s18+$0x0], $0xffff  }
0x8e: {  	v63 =	vadd.s32 $0x2800, v49;
	[tilespmem:$0x1FF20] =	vst v0;
	v0 =	vld.idx.msk [tilespmem:v44+s18+$0x0], $0xffff  }
0x8f: {  	v27 =	vld.idx.msk [tilespmem:v52+s18+$0x0], $0xffff  }
0x90: {  	v41 =	vld.idx.msk [tilespmem:v21+s2+$0x0], $0xffff  }
0x91: {  	v38 =	vld.idx.msk [tilespmem:v35+s18+$0x0], $0xffff;
	v7 =	vadd.s32 $0x2800, v23  }
0x92: {  	v4 =	vadd.s32 $0x7800, v25;
	v25 =	vld.idx.msk [tilespmem:v12+s2+$0x0], $0xffff  }
0x93: {  	[tilespmem:$0x1FF60] =	vst v0;
	v0 =	vld.idx.msk [tilespmem:v63+s2+$0x0], $0xffff;
	v63 =	vadd.s32 $0x7800, v35  }
0x94: {  	v32 =	vld.idx.msk [tilespmem:v9+s18+$0x0], $0xffff  }
0x95: {  	v24 =	vld.idx.msk [tilespmem:v23+s2+$0x0], $0xffff  }
0x96: {  	v49 =	vld.idx.msk [tilespmem:v7+s2+$0x0], $0xffff  }
0x97: {  	v20 =	vadd.s32 $0x2800, v9;
	v7 =	vadd.bf16 v14, v13;
	v14 =	vld [tilespmem:$0x1FD80]  }
0x98: {  	[tilespmem:$0x1FEF0] =	vst v39;
	v52 =	vadd.s32 $0x5000, v9;
	v39 =	vld.idx.msk [tilespmem:v63+s18+$0x0], $0xffff  }
0x99: {  	[tilespmem:$0x1FFF0] =	vst v18;
	v5 =	vadd.s32 $0x7800, v9;
	v63 =	vld [tilespmem:s6+$0x16A00]  }
0x9a: {  	v18 =	vadd.s32 $0x5000, v12;
	[tilespmem:$0x1FFB0] =	vst v0;
	v0 =	vld [tilespmem:s6+$0x16B00]  }
0x9b: {  	v44 =	vld.idx.msk [tilespmem:v4+s18+$0x0], $0xffff  }
0x9c: {  	v40 =	vld.idx.msk [tilespmem:v20+s18+$0x0], $0xffff  }
0x9d: {  	[tilespmem:$0x1FFE0] =	vst v28;
	v28 =	vld.idx.msk [tilespmem:v52+s18+$0x0], $0xffff  }
0x9e: {  	v31 =	vld.idx.msk [tilespmem:v5+s18+$0x0], $0xffff;
	v9 =	vadd.s32 $0x2800, v63  }
0x9f: {  	v5 =	vadd.bf16 v14, v26;
	v26 =	vld.idx.msk [tilespmem:v18+s2+$0x0], $0xffff;
	v36 =	vadd.s32 $0x5000, v63  }
0xa0: {  	v18 =	vld [tilespmem:$0x1FDC0];
	v6 =	vadd.s32 $0x7800, v63  }
0xa1: {  	v43 =	vadd.s32 $0x7800, v23;
	v35 =	vadd.s32 $0x5000, v23;
	v52 =	vadd.s32 $0x2800, v0;
	v23 =	vld.idx.msk [tilespmem:v63+s18+$0x0], $0xffff  }
0xa2: {  	v20 =	vld.idx.msk [tilespmem:v0+s18+$0x0], $0xffff  }
0xa3: {  	[tilespmem:$0x1FF10] =	vst v42;
	v42 =	vld.idx.msk [tilespmem:v9+s18+$0x0], $0xffff  }
0xa4: {  	v29 =	vld.idx.msk [tilespmem:v36+s18+$0x0], $0xffff  }
0xa5: {  	v36 =	vld.idx.msk [tilespmem:v6+s18+$0x0], $0xffff  }
0xa6: {  	v21 =	vld.idx.msk [tilespmem:v52+s18+$0x0], $0xffff  }
0xa7: {  	v6 =	vadd.bf16 v10, v8;
	v8 =	vadd.bf16 v17, v15;
	v15 =	vld [tilespmem:$0x1FD90]  }
0xa8: {  	v10 =	vadd.bf16 v16, v11;
	v11 =	vadd.s32 $0x7800, v0;
	v16 =	vld [tilespmem:$0x1FDA0]  }
0xa9: {  	v52 =	vadd.bf16 v22, v19;
	v17 =	vld [tilespmem:$0x1FDB0]  }
0xaa: {  	v30 =	vadd.bf16 v34, v30;
	v19 =	vld [tilespmem:$0x1FDD0]  }
0xab: {  	v9 =	vadd.s32 $0x5000, v0;
	v0 =	vmax.bf16 v6, v52;
	v52 =	vld [tilespmem:$0x1FDE0];
	v5 =	vmax.bf16 v10, v5  }
0xac: {  	v5 =	vmax.bf16 v5, v30;
	v30 =	vld [tilespmem:$0x1FE50]  }
0xad: {  	v63 =	vadd.s32 $0x2800, v12;
	v12 =	vadd.s32 $0x7800, v12;
	v34 =	vld.idx.msk [tilespmem:v11+s18+$0x0], $0xffff  }
0xae: {  	v11 =	vld [tilespmem:$0x1FDF0]  }
0xaf: {  	v2 =	vadd.bf16 v16, v15;
	v15 =	vld [tilespmem:$0x1FE10]  }
0xb0: {  	v16 =	vld [tilespmem:$0x1FE20]  }
0xb1: {  	v4 =	vadd.bf16 v18, v17;
	v17 =	vld [tilespmem:$0x1FE30]  }
0xb2: {  	v6 =	vadd.bf16 v52, v19;
	v19 =	vld.idx.msk [tilespmem:v12+s2+$0x0], $0xffff  }
0xb3: {  	v12 =	vld [tilespmem:$0x1FE00]  }
0xb4: {  	v18 =	vld [tilespmem:$0x1FE40]  }
0xb5: {  	v52 =	vld [tilespmem:$0x1FE60]  }
0xb6: {  	[tilespmem:$0x1FFC0] =	vst v1;
	v1 =	vld [tilespmem:s6+$0x14C00]  }
0xb7: {  	v3 =	vld [tilespmem:s6+$0x16C00]  }
0xb8: {  	v0 =	vmax.bf16 v0, v6;
	v6 =	vadd.bf16 v12, v11  }
0xb9: {  	v2 =	vmax.bf16 v7, v2;
	v4 =	vmax.bf16 v8, v4;
	v10 =	vadd.bf16 v18, v17  }
0xba: {  	v22 =	vld.idx.msk [tilespmem:v9+s18+$0x0], $0xffff;
	v8 =	vadd.bf16 v16, v15;
	v9 =	vmax.bf16 v2, v6;
	v6 =	vadd.bf16 v52, v30  }
0xbb: {  	v13 =	vadd.s32 $0x2800, v1;
	v11 =	vmax.bf16 v0, v10;
	v10 =	vld [tilespmem:$0x1FE90]  }
0xbc: {  	v14 =	vadd.s32 $0x2800, v3;
	v4 =	vmax.bf16 v4, v8;
	v8 =	vmax.bf16 v5, v6;
	v5 =	vld [tilespmem:$0x1FE70]  }
0xbd: {  	v6 =	vld [tilespmem:$0x1FE80]  }
0xbe: {  	v52 =	vld [tilespmem:$0x1FEA0];
	_ =	sdelay $0x1  }
0xbf: {  	v18 =	vld.idx.msk [tilespmem:v13+s2+$0x0], $0xffff  }
0xc0: {  	v17 =	vld.idx.msk [tilespmem:v14+s18+$0x0], $0xffff  }
0xc1: {  	v16 =	vld.idx.msk [tilespmem:v1+s2+$0x0], $0xffff;
	v6 =	vadd.bf16 v6, v5  }
0xc2: {  	v13 =	vadd.s32 $0x5000, v1;
	v14 =	vadd.s32 $0x7800, v1;
	v1 =	vadd.bf16 v52, v10;
	v52 =	vld [tilespmem:$0x1FED0]  }
0xc3: {  	v6 =	vmax.bf16 v9, v6;
	v9 =	vld [tilespmem:$0x1FEE0];
	_ =	sdelay $0x3  }
0xc4: {  	v2 =	vld [tilespmem:$0x1FEF0]  }
0xc5: {  	v9 =	vadd.bf16 v9, v52;
	v52 =	vld [tilespmem:$0x1FF00]  }
0xc6: {  	v60 =	vadd.bf16 v62, v60;
	v62 =	vld [tilespmem:$0x1FFE0]  }
0xc7: {  	v43 =	vld.idx.msk [tilespmem:v43+s2+$0x0], $0xffff  }
0xc8: {  	v15 =	vld.idx.msk [tilespmem:v3+s18+$0x0], $0xffff  }
0xc9: {  	v12 =	vadd.s32 $0x7800, v3;
	v30 =	vadd.s32 $0x5000, v3;
	v3 =	vmax.bf16 v4, v1;
	v1 =	vld [tilespmem:$0x1FF10]  }
0xca: {  	v2 =	vadd.bf16 v52, v2;
	v52 =	vld [tilespmem:$0x1FF20]  }
0xcb: {  	v10 =	vld [tilespmem:$0x1FEC0]  }
0xcc: {  	v5 =	vld [tilespmem:$0x1FEB0]  }
0xcd: {  	v35 =	vld.idx.msk [tilespmem:v35+s2+$0x0], $0xffff  }
0xce: {  	v0 =	vld [tilespmem:s6+$0x16D00]  }
0xcf: {  	v4 =	vadd.bf16 v52, v1;
	v1 =	vld [tilespmem:$0x1FF30]  }
0xd0: {  	v52 =	vld [tilespmem:$0x1FF40]  }
0xd1: {  	v63 =	vld.idx.msk [tilespmem:v63+s2+$0x0], $0xffff;
	v5 =	vadd.bf16 v10, v5  }
0xd2: {  	v7 =	vld [tilespmem:s6+$0x14D00]  }
0xd3: {  	v5 =	vmax.bf16 v11, v5;
	v11 =	vld [tilespmem:$0x1FF60]  }
0xd4: {  	v8 =	vmax.bf16 v8, v9;
	v9 =	vld [tilespmem:$0x1FF50]  }
0xd5: {  	v1 =	vadd.bf16 v52, v1;
	v52 =	vld [tilespmem:$0x1FF90]  }
0xd6: {  	v13 =	vld.idx.msk [tilespmem:v13+s2+$0x0], $0xffff  }
0xd7: {  	v30 =	vld.idx.msk [tilespmem:v30+s18+$0x0], $0xffff  }
0xd8: {  	v54 =	vadd.bf16 v56, v54;
	v56 =	vld.idx.msk [tilespmem:v0+s18+$0x0], $0xffff  }
0xd9: {  	v10 =	vadd.s32 $0x2800, v7;
	v2 =	vmax.bf16 v6, v2;
	v6 =	vld.idx.msk [tilespmem:v14+s2+$0x0], $0xffff  }
0xda: {  	v3 =	vmax.bf16 v3, v4;
	v4 =	vadd.bf16 v11, v9;
	v11 =	vadd.bf16 v55, v52;
	v55 =	vld [tilespmem:$0x1FFA0]  }
0xdb: {  	v14 =	vld [tilespmem:$0x1FF80]  }
0xdc: {  	v1 =	vmax.bf16 v5, v1;
	v5 =	vld.idx.msk [tilespmem:v12+s18+$0x0], $0xffff  }
0xdd: {  	v12 =	vld [tilespmem:$0x1FF70]  }
0xde: {  	v10 =	vld.idx.msk [tilespmem:v10+s2+$0x0], $0xffff;
	v4 =	vmax.bf16 v8, v4  }
0xdf: {  	v52 =	vadd.s32 $0x5000, v7;
	v3 =	vmax.bf16 v3, v11;
	v11 =	vld [tilespmem:s6+$0x14E00];
	v8 =	vadd.bf16 v58, v55  }
0xe0: {  	v58 =	vld [tilespmem:$0x1FFC0]  }
0xe1: {  	v1 =	vmax.bf16 v1, v8;
	v8 =	vld [tilespmem:$0x1FFB0]  }
0xe2: {  	v9 =	vadd.bf16 v14, v12;
	v12 =	vadd.s32 $0x2800, v0;
	v14 =	vld.idx.msk [tilespmem:v7+s2+$0x0], $0xffff  }
0xe3: {  	v44 =	vadd.bf16 v44, v47;
	v7 =	vadd.s32 $0x7800, v7;
	v55 =	vld [tilespmem:s6+$0x16E00]  }
0xe4: {  	v2 =	vmax.bf16 v2, v9;
	v9 =	vadd.s32 $0x5000, v0;
	v0 =	vadd.s32 $0x7800, v0;
	v47 =	vld.idx.msk [tilespmem:v52+s2+$0x0], $0xffff  }
0xe5: {  	v52 =	vld [tilespmem:$0x1FFF0]  }
0xe6: {  	v50 =	vadd.bf16 v50, v62;
	v62 =	vadd.s32 $0x5000, v11;
	v8 =	vadd.bf16 v58, v8;
	v58 =	vld [tilespmem:$0x1FFD0]  }
0xe7: {  	v51 =	vadd.bf16 v51, v61;
	v3 =	vmax.bf16 v3, v54;
	v54 =	vadd.bf16 v38, v48;
	v12 =	vld.idx.msk [tilespmem:v12+s18+$0x0], $0xffff  }
0xe8: {  	v27 =	vadd.bf16 v27, v37;
	v48 =	vadd.bf16 v32, v46;
	v7 =	vld.idx.msk [tilespmem:v7+s2+$0x0], $0xffff;
	v1 =	vmax.bf16 v1, v60  }
0xe9: {  	v28 =	vadd.bf16 v28, v41;
	v23 =	vadd.bf16 v23, v24;
	v0 =	vld.idx.msk [tilespmem:v0+s18+$0x0], $0xffff;
	v1 =	vmax.bf16 v1, v54  }
0xea: {  	v60 =	vadd.bf16 v39, v45;
	v39 =	vld.idx.msk [tilespmem:v11+s2+$0x0], $0xffff;
	v61 =	vadd.s32 $0x2800, v55;
	v1 =	vmax.bf16 v1, v48  }
0xeb: {  	v54 =	vadd.s32 $0x7800, v55;
	v1 =	vmax.bf16 v1, v23;
	v23 =	vld.idx.msk [tilespmem:v62+s2+$0x0], $0xffff;
	v53 =	vadd.bf16 v53, v58  }
0xec: {  	v31 =	vadd.bf16 v31, v33;
	v20 =	vadd.bf16 v20, v25;
	v4 =	vmax.bf16 v4, v8;
	v8 =	vld.idx.msk [tilespmem:v9+s18+$0x0], $0xffff  }
0xed: {  	v58 =	vadd.bf16 v59, v57;
	v59 =	vadd.s32 $0x2800, v11;
	v2 =	vmax.bf16 v2, v53;
	v53 =	vld [tilespmem:s6+$0x16F00]  }
0xee: {  	v4 =	vmax.bf16 v4, v50;
	v50 =	vadd.s32 $0x5000, v55;
	v2 =	vmax.bf16 v2, v51;
	v51 =	vld [tilespmem:s6+$0x14F00]  }
0xef: {  	v19 =	vadd.bf16 v34, v19;
	v15 =	vadd.bf16 v15, v16;
	v37 =	vld.idx.msk [tilespmem:v61+s18+$0x0], $0xffff;
	v11 =	vadd.s32 $0x7800, v11  }
0xf0: {  	v13 =	vadd.bf16 v30, v13;
	v5 =	vadd.bf16 v5, v6;
	v3 =	vmax.bf16 v3, v44;
	v62 =	vld.idx.msk [tilespmem:v54+s18+$0x0], $0xffff  }
0xf1: {  	v46 =	vadd.bf16 v17, v18;
	v3 =	vmax.bf16 v3, v60;
	v2 =	vmax.bf16 v2, v27;
	v27 =	vld.idx.msk [tilespmem:v55+s18+$0x0], $0xffff  }
0xf2: {  	v40 =	vadd.bf16 v40, v52;
	v3 =	vmax.bf16 v3, v31;
	v24 =	vld.idx.msk [tilespmem:v59+s2+$0x0], $0xffff;
	v60 =	vadd.s32 $0x2800, v53  }
0xf3: {  	v1 =	vmax.bf16 v1, v20;
	v2 =	vmax.bf16 v2, v28;
	v28 =	vld.idx.msk [tilespmem:v50+s18+$0x0], $0xffff;
	v38 =	vadd.s32 $0x5000, v53  }
0xf4: {  	v52 =	vadd.bf16 v12, v10;
	v1 =	vmax.bf16 v1, v15;
	v11 =	vld.idx.msk [tilespmem:v11+s2+$0x0], $0xffff;
	v45 =	vadd.s32 $0x7800, v53  }
0xf5: {  	v4 =	vmax.bf16 v4, v58;
	v55 =	vadd.bf16 v42, v49;
	v58 =	vadd.s32 $0x2800, v51;
	v42 =	vld.idx.msk [tilespmem:v53+s18+$0x0], $0xffff  }
0xf6: {  	v61 =	vadd.bf16 v21, v63;
	v59 =	vadd.bf16 v36, v43;
	v63 =	vadd.s32 $0x5000, v51;
	v36 =	vld.idx.msk [tilespmem:v51+s2+$0x0], $0xffff  }
0xf7: {  	v0 =	vadd.bf16 v0, v7;
	v57 =	vadd.bf16 v29, v35;
	v43 =	vadd.s32 $0x7800, v51;
	v48 =	vld.idx.msk [tilespmem:v60+s18+$0x0], $0xffff  }
0xf8: {  	v8 =	vadd.bf16 v8, v47;
	v4 =	vmax.bf16 v4, v40;
	v40 =	vadd.bf16 v22, v26;
	v51 =	vld.idx.msk [tilespmem:v38+s18+$0x0], $0xffff  }
0xf9: {  	v50 =	vadd.bf16 v56, v14;
	v4 =	vmax.bf16 v4, v55;
	v2 =	vmax.bf16 v2, v57;
	v55 =	vld.idx.msk [tilespmem:v45+s18+$0x0], $0xffff  }
0xfa: {  	v3 =	vmax.bf16 v3, v59;
	v4 =	vmax.bf16 v4, v61;
	v2 =	vmax.bf16 v2, v40;
	v44 =	vld.idx.msk [tilespmem:v58+s2+$0x0], $0xffff  }
0xfb: {  	v1 =	vmax.bf16 v1, v50;
	v3 =	vmax.bf16 v3, v19;
	v4 =	vmax.bf16 v4, v46;
	v49 =	vld.idx.msk [tilespmem:v63+s2+$0x0], $0xffff  }
0xfc: {  	v2 =	vmax.bf16 v2, v13;
	v3 =	vmax.bf16 v3, v5;
	v54 =	vadd.bf16 v27, v39;
	v53 =	vld.idx.msk [tilespmem:v43+s2+$0x0], $0xffff  }
0xfd: {  	v4 =	vmax.bf16 v4, v52;
	v2 =	vmax.bf16 v2, v8;
	v56 =	vadd.bf16 v37, v24  }
0xfe: {  	v0 =	vmax.bf16 v3, v0;
	v1 =	vmax.bf16 v1, v54;
	v57 =	vadd.bf16 v42, v36  }
0xff: {  	p1 =	sne.s32 s20, $0x3C0;
	v4 =	vmax.bf16 v4, v56;
	v58 =	vadd.bf16 v28, v23;
	v59 =	vadd.bf16 v48, v44  }
.Ltmp2:
0x100: {  	v60 =	vadd.bf16 v62, v11;
	v1 =	vmax.bf16 v1, v57;
	v61 =	vadd.bf16 v51, v49;
	(pc) =	sbr.rel @p1 .LBB2_3-.Ltmp2, $4  }
0x101: {  	v2 =	vmax.bf16 v2, v58;
	v62 =	vadd.bf16 v55, v53;
	[tilespmem:s6+$0x18000] =	vst v1;
	v4 =	vmax.bf16 v4, v59  }
0x102: {  	v0 =	vmax.bf16 v0, v60;
	v63 =	vmax.bf16 v2, v61;
	[tilespmem:s6+$0x18100] =	vst v4  }
0x103: {  	v0 =	vmax.bf16 v0, v62;
	[tilespmem:s6+$0x18200] =	vst v63  }
0x104: {  	s20 =	sadd.s32 $0x40, s20;
	[tilespmem:s6+$0x18300] =	vst v0  }
0x105: {  	s20 =	sshll.u32 s0, $0x9  }
0x106: {  	s6 =	sadd.s32 s20, s12  }
0x107: {  	s6 =	sshrl.u32 s6, $0x3  }
0x108: {  	p1 =	seq.s32 s0, $0x9;
	s6 =	sadd.s32 s5, s6  }
0x109: {  	[hbm4b:s6+s24] =	stream.strided.scatter [tilespmem:s26], [sflag:$0x3], $0x400, s25, s24, $0x38;
	[tilespmem:$0x18800] =	vst v63  }
0x10a: {  	s6 =	sadd.s32 @!p1 s19, s13  }
0x10b: {  	s6 =	sshrl.u32 @!p1 s6, $0x3  }
0x10c: {  	s8 =	simm.s32 @!p1 $0x0;
	s9 =	simm.s32 @!p1 $0x14000;
	s7 =	sadd.s32 @!p1 s3, s6  }
0x10d: {  	[tilespmem:s9], [sflag:$0x1] =	stream.linear.gather @!p1 [hbm4b:s7+s8], $0x1000, $0x38;
	[tilespmem:$0x18800] =	vst v63  }
0x10e: {  	s6 =	sadd.s32 @!p1 s4, s6;
	s7 =	simm.s32 @!p1 $0x16000  }
0x10f: {  	[tilespmem:s7], [sflag:$0x1] =	stream.linear.gather @!p1 [hbm4b:s6+s8], $0x1000, $0x38;
	[tilespmem:$0x18800] =	vst v63  }
0x110: {  	_ =	swait.ge [sflag:s28], $0x1000  }
0x111: {  	[sflag:s28] =	ssyncset.done $0x0  }
0x112: {  	[sflag:s28] =	ssyncadd.s32 $0xFFFFF000  }
0x113: {  	_ =	swait.ge [sflag:s28], $0x1000  }
0x114: {  	[sflag:s28] =	ssyncset.done $0x0  }
0x115: {  	s6 =	simm.s32 @!p0 $0x4;
	[sflag:s28] =	ssyncadd.s32 $0xFFFFF000  }
0x116: {  	_ =	swait.ge @!p0 [sflag:s6], $0x400  }
0x117: {  	[sflag:s6] =	ssyncset.done @!p0 $0x0  }
0x118: {  	[sflag:s6] =	ssyncadd.s32 @!p0 $0xFFFFFC00;
	s6 =	simm.s32 $0x0  }
.LBB2_5:
0x119: {  	s7 =	sshra.s32 s6, $0x2  }
0x11a: {  	v0 =	vld [tilespmem:s7+$0x15000]  }
0x11b: {  	v1 =	vld [tilespmem:s7+$0x17000]  }
0x11c: {  	v6 =	vld [tilespmem:s7+$0x15100]  }
0x11d: {  	v7 =	vld [tilespmem:s7+$0x17100]  }
0x11e: {  	v42 =	vld [tilespmem:s7+$0x15200]  }
0x11f: {  	v44 =	vld [tilespmem:s7+$0x17200]  }
0x120: {  	v55 =	vld [tilespmem:s7+$0x15300]  }
0x121: {  	v56 =	vld [tilespmem:s7+$0x17300]  }
0x122: {  	v20 =	vld [tilespmem:s7+$0x15400]  }
0x123: {  	v21 =	vld [tilespmem:s7+$0x17400]  }
0x124: {  	v36 =	vld [tilespmem:s7+$0x15500]  }
0x125: {  	v37 =	vld [tilespmem:s7+$0x17500]  }
0x126: {  	v8 =	vld.idx.msk [tilespmem:v0+s2+$0x0], $0xffff  }
0x127: {  	v10 =	vld.idx.msk [tilespmem:v1+s18+$0x0], $0xffff  }
0x128: {  	v19 =	vld.idx.msk [tilespmem:v6+s2+$0x0], $0xffff  }
0x129: {  	v22 =	vld.idx.msk [tilespmem:v7+s18+$0x0], $0xffff  }
0x12a: {  	v50 =	vld.idx.msk [tilespmem:v42+s2+$0x0], $0xffff  }
0x12b: {  	v2 =	vadd.s32 $0x2800, v0;
	v52 =	vld.idx.msk [tilespmem:v44+s18+$0x0], $0xffff  }
0x12c: {  	v3 =	vadd.s32 $0x2800, v1;
	v62 =	vld.idx.msk [tilespmem:v55+s2+$0x0], $0xffff  }
0x12d: {  	v4 =	vadd.s32 $0x5000, v0;
	v9 =	vld.idx.msk [tilespmem:v56+s18+$0x0], $0xffff  }
0x12e: {  	v5 =	vadd.s32 $0x5000, v1;
	v29 =	vld.idx.msk [tilespmem:v20+s2+$0x0], $0xffff  }
0x12f: {  	v38 =	vadd.s32 $0x2800, v6;
	v32 =	vld.idx.msk [tilespmem:v21+s18+$0x0], $0xffff  }
0x130: {  	v40 =	vadd.s32 $0x5000, v6;
	v11 =	vld.idx.msk [tilespmem:v2+s2+$0x0], $0xffff  }
0x131: {  	v41 =	vadd.s32 $0x5000, v7;
	v16 =	vld.idx.msk [tilespmem:v3+s18+$0x0], $0xffff  }
0x132: {  	v43 =	vadd.s32 $0x7800, v6;
	v13 =	vld.idx.msk [tilespmem:v4+s2+$0x0], $0xffff  }
0x133: {  	v49 =	vadd.s32 $0x2800, v42;
	v14 =	vld.idx.msk [tilespmem:v5+s18+$0x0], $0xffff  }
0x134: {  	v51 =	vadd.s32 $0x2800, v44;
	v26 =	vld.idx.msk [tilespmem:v38+s2+$0x0], $0xffff  }
0x135: {  	v53 =	vadd.s32 $0x5000, v42;
	v46 =	vld.idx.msk [tilespmem:v40+s2+$0x0], $0xffff  }
0x136: {  	v54 =	vadd.s32 $0x5000, v44;
	v47 =	vld.idx.msk [tilespmem:v41+s18+$0x0], $0xffff  }
0x137: {  	v12 =	vadd.s32 $0x5000, v55;
	v48 =	vld.idx.msk [tilespmem:v43+s2+$0x0], $0xffff  }
0x138: {  	v18 =	vadd.s32 $0x5000, v56;
	v30 =	vld.idx.msk [tilespmem:v49+s2+$0x0], $0xffff  }
0x139: {  	v35 =	vadd.s32 $0x5000, v21;
	v34 =	vld.idx.msk [tilespmem:v51+s18+$0x0], $0xffff  }
0x13a: {  	v58 =	vld.idx.msk [tilespmem:v53+s2+$0x0], $0xffff  }
0x13b: {  	v59 =	vld.idx.msk [tilespmem:v54+s18+$0x0], $0xffff  }
0x13c: {  	v24 =	vld.idx.msk [tilespmem:v12+s2+$0x0], $0xffff  }
0x13d: {  	v25 =	vld.idx.msk [tilespmem:v18+s18+$0x0], $0xffff  }
0x13e: {  	v40 =	vld.idx.msk [tilespmem:v35+s18+$0x0], $0xffff  }
0x13f: {  	v0 =	vadd.s32 $0x7800, v0;
	v43 =	vld.idx.msk [tilespmem:v36+s2+$0x0], $0xffff  }
0x140: {  	v1 =	vadd.s32 $0x7800, v1;
	v49 =	vld [tilespmem:s7+$0x15600]  }
0x141: {  	v39 =	vadd.s32 $0x2800, v7;
	v51 =	vld [tilespmem:s7+$0x17600]  }
0x142: {  	v45 =	vadd.s32 $0x7800, v7;
	v12 =	vld [tilespmem:s7+$0x15700]  }
0x143: {  	v33 =	vadd.s32 $0x5000, v20;
	v35 =	vld [tilespmem:s7+$0x17800]  }
0x144: {  	v15 =	vld.idx.msk [tilespmem:v0+s2+$0x0], $0xffff  }
0x145: {  	v17 =	vld.idx.msk [tilespmem:v1+s18+$0x0], $0xffff  }
0x146: {  	v4 =	vadd.s32 $0x7800, v42;
	v1 =	vld.idx.msk [tilespmem:v39+s18+$0x0], $0xffff  }
0x147: {  	v5 =	vadd.s32 $0x7800, v55;
	v0 =	vld.idx.msk [tilespmem:v45+s18+$0x0], $0xffff  }
0x148: {  	v39 =	vld.idx.msk [tilespmem:v33+s2+$0x0], $0xffff  }
0x149: {  	v45 =	vld.idx.msk [tilespmem:v37+s18+$0x0], $0xffff  }
0x14a: {  	v57 =	vadd.s32 $0x7800, v44;
	[tilespmem:$0x1FC40] =	vst v32;
	v32 =	vld [tilespmem:s7+$0x15800]  }
0x14b: {  	v63 =	vadd.s32 $0x2800, v56;
	[tilespmem:$0x1FB50] =	vst v50;
	v60 =	vld.idx.msk [tilespmem:v4+s2+$0x0], $0xffff  }
0x14c: {  	v50 =	vadd.s32 $0x7800, v37;
	[tilespmem:$0x1FB10] =	vst v46;
	v27 =	vld.idx.msk [tilespmem:v5+s2+$0x0], $0xffff  }
0x14d: {  	[tilespmem:$0x1FC00] =	vst v25;
	v25 =	vld [tilespmem:s7+$0x17700]  }
0x14e: {  	[tilespmem:$0x1FCB0] =	vst v43;
	v43 =	vld [tilespmem:s7+$0x15900]  }
0x14f: {  	v4 =	vadd.s32 $0x7800, v20;
	[tilespmem:$0x1FB40] =	vst v0;
	v0 =	vld.idx.msk [tilespmem:v57+s18+$0x0], $0xffff  }
0x150: {  	v46 =	vadd.s32 $0x5000, v36;
	[tilespmem:$0x1FB00] =	vst v1;
	v1 =	vld.idx.msk [tilespmem:v63+s18+$0x0], $0xffff  }
0x151: {  	v61 =	vadd.s32 $0x2800, v55;
	[tilespmem:$0x1FB30] =	vst v48;
	v48 =	vadd.s32 $0x7800, v36;
	v55 =	vld.idx.msk [tilespmem:v50+s18+$0x0], $0xffff  }
0x152: {  	v28 =	vadd.s32 $0x2800, v20;
	v20 =	vadd.s32 $0x5000, v49;
	v18 =	vld.idx.msk [tilespmem:v49+s2+$0x0], $0xffff  }
0x153: {  	v31 =	vadd.s32 $0x2800, v21;
	v38 =	vadd.s32 $0x7800, v21;
	[tilespmem:$0x1FB70] =	vst v58;
	v21 =	vadd.s32 $0x5000, v51;
	v58 =	vld.idx.msk [tilespmem:v51+s18+$0x0], $0xffff  }
0x154: {  	[tilespmem:$0x1FBF0] =	vst v24;
	v24 =	vadd.s32 $0x7800, v51;
	v42 =	vld.idx.msk [tilespmem:v4+s2+$0x0], $0xffff  }
0x155: {  	[tilespmem:$0x1FB90] =	vst v60;
	v60 =	vld.idx.msk [tilespmem:v46+s2+$0x0], $0xffff  }
0x156: {  	[tilespmem:$0x1FBB0] =	vst v62;
	v62 =	vld.idx.msk [tilespmem:v48+s2+$0x0], $0xffff  }
0x157: {  	v3 =	vld.idx.msk [tilespmem:v20+s2+$0x0], $0xffff  }
0x158: {  	[tilespmem:$0x1FB20] =	vst v47;
	v47 =	vadd.s32 $0x5000, v37;
	v53 =	vld.idx.msk [tilespmem:v21+s18+$0x0], $0xffff  }
0x159: {  	v23 =	vadd.s32 $0x7800, v56;
	v2 =	vadd.s32 $0x7800, v12;
	v56 =	vld.idx.msk [tilespmem:v24+s18+$0x0], $0xffff  }
0x15a: {  	[tilespmem:$0x1FC80] =	vst v40;
	v40 =	vadd.s32 $0x2800, v32;
	v48 =	vld.idx.msk [tilespmem:v32+s2+$0x0], $0xffff  }
0x15b: {  	[tilespmem:$0x1FBA0] =	vst v0;
	v0 =	vld.idx.msk [tilespmem:v61+s2+$0x0], $0xffff  }
0x15c: {  	[tilespmem:$0x1FBE0] =	vst v1;
	v1 =	vld.idx.msk [tilespmem:v31+s18+$0x0], $0xffff  }
0x15d: {  	[tilespmem:$0x1FC30] =	vst v29;
	v29 =	vadd.s32 $0x2800, v25;
	v61 =	vld.idx.msk [tilespmem:v47+s18+$0x0], $0xffff  }
0x15e: {  	v33 =	vadd.s32 $0x5000, v25;
	v47 =	vld.idx.msk [tilespmem:v2+s2+$0x0], $0xffff  }
0x15f: {  	v46 =	vadd.s32 $0x5000, v32;
	v57 =	vld.idx.msk [tilespmem:v40+s2+$0x0], $0xffff  }
0x160: {  	[tilespmem:$0x1FCF0] =	vst v60;
	v60 =	vld.idx.msk [tilespmem:v12+s2+$0x0], $0xffff  }
0x161: {  	[tilespmem:$0x1FD10] =	vst v62;
	v62 =	vld.idx.msk [tilespmem:v25+s18+$0x0], $0xffff  }
0x162: {  	v41 =	vadd.s32 $0x2800, v36;
	v50 =	vld.idx.msk [tilespmem:v29+s18+$0x0], $0xffff  }
0x163: {  	[tilespmem:$0x1FBC0] =	vst v9;
	v9 =	vadd.s32 $0x2800, v51;
	v31 =	vadd.s32 $0x5000, v12;
	v51 =	vld.idx.msk [tilespmem:v33+s18+$0x0], $0xffff  }
0x164: {  	v44 =	vadd.s32 $0x2800, v37;
	[tilespmem:$0x1FC10] =	vst v27;
	v2 =	vadd.s32 $0x7800, v43;
	v37 =	vld.idx.msk [tilespmem:v46+s2+$0x0], $0xffff  }
0x165: {  	[tilespmem:$0x1FD50] =	vst v3;
	v3 =	vadd.s32 $0x7800, v32;
	v46 =	vld.idx.msk [tilespmem:v43+s2+$0x0], $0xffff  }
0x166: {  	[tilespmem:$0x1FBD0] =	vst v0;
	v0 =	vld.idx.msk [tilespmem:v23+s18+$0x0], $0xffff  }
0x167: {  	v27 =	vadd.s32 $0x2800, v12;
	v12 =	vadd.s32 $0x2800, v43;
	[tilespmem:$0x1FC60] =	vst v1;
	v1 =	vld.idx.msk [tilespmem:v41+s2+$0x0], $0xffff  }
0x168: {  	[tilespmem:$0x1FD00] =	vst v61;
	v61 =	vld.idx.msk [tilespmem:v31+s2+$0x0], $0xffff  }
0x169: {  	v33 =	vld.idx.msk [tilespmem:v2+s2+$0x0], $0xffff  }
0x16a: {  	[tilespmem:$0x1FCC0] =	vst v45;
	v23 =	vadd.s32 $0x7800, v49;
	v45 =	vld.idx.msk [tilespmem:v3+s2+$0x0], $0xffff  }
0x16b: {  	[tilespmem:$0x1FC20] =	vst v0;
	v0 =	vld.idx.msk [tilespmem:v28+s2+$0x0], $0xffff  }
0x16c: {  	[tilespmem:$0x1FD20] =	vst v18;
	v18 =	vld.idx.msk [tilespmem:v12+s2+$0x0], $0xffff  }
0x16d: {  	v12 =	vld [tilespmem:s7+$0x15B00]  }
0x16e: {  	[tilespmem:$0x1FCD0] =	vst v1;
	v1 =	vld.idx.msk [tilespmem:v9+s18+$0x0], $0xffff  }
0x16f: {  	v41 =	vadd.s32 $0x2800, v35;
	v54 =	vld.idx.msk [tilespmem:v23+s2+$0x0], $0xffff  }
0x170: {  	[tilespmem:$0x1FC50] =	vst v0;
	v0 =	vld.idx.msk [tilespmem:v38+s18+$0x0], $0xffff  }
0x171: {  	[tilespmem:$0x1FB60] =	vst v52;
	v52 =	vadd.s32 $0x5000, v35;
	v28 =	vld.idx.msk [tilespmem:v27+s2+$0x0], $0xffff  }
0x172: {  	v21 =	vadd.s32 $0x5000, v43;
	v9 =	vld [tilespmem:s7+$0x17900]  }
0x173: {  	v23 =	vld [tilespmem:s7+$0x15A00]  }
0x174: {  	[tilespmem:$0x1FB80] =	vst v59;
	v59 =	vld.idx.msk [tilespmem:v41+s18+$0x0], $0xffff  }
0x175: {  	v63 =	vadd.s32 $0x2800, v49;
	[tilespmem:$0x1FCA0] =	vst v0;
	v0 =	vld.idx.msk [tilespmem:v44+s18+$0x0], $0xffff  }
0x176: {  	v27 =	vld.idx.msk [tilespmem:v52+s18+$0x0], $0xffff  }
0x177: {  	v41 =	vld.idx.msk [tilespmem:v21+s2+$0x0], $0xffff  }
0x178: {  	v38 =	vld.idx.msk [tilespmem:v35+s18+$0x0], $0xffff;
	v7 =	vadd.s32 $0x2800, v23  }
0x179: {  	v4 =	vadd.s32 $0x7800, v25;
	v25 =	vld.idx.msk [tilespmem:v12+s2+$0x0], $0xffff  }
0x17a: {  	[tilespmem:$0x1FCE0] =	vst v0;
	v0 =	vld.idx.msk [tilespmem:v63+s2+$0x0], $0xffff;
	v63 =	vadd.s32 $0x7800, v35  }
0x17b: {  	v32 =	vld.idx.msk [tilespmem:v9+s18+$0x0], $0xffff  }
0x17c: {  	v24 =	vld.idx.msk [tilespmem:v23+s2+$0x0], $0xffff  }
0x17d: {  	v49 =	vld.idx.msk [tilespmem:v7+s2+$0x0], $0xffff  }
0x17e: {  	v20 =	vadd.s32 $0x2800, v9;
	v7 =	vadd.bf16 v14, v13;
	v14 =	vld [tilespmem:$0x1FB00]  }
0x17f: {  	[tilespmem:$0x1FC70] =	vst v39;
	v52 =	vadd.s32 $0x5000, v9;
	v39 =	vld.idx.msk [tilespmem:v63+s18+$0x0], $0xffff  }
0x180: {  	[tilespmem:$0x1FD70] =	vst v18;
	v5 =	vadd.s32 $0x7800, v9;
	v63 =	vld [tilespmem:s7+$0x17A00]  }
0x181: {  	v18 =	vadd.s32 $0x5000, v12;
	[tilespmem:$0x1FD30] =	vst v0;
	v0 =	vld [tilespmem:s7+$0x17B00]  }
0x182: {  	v44 =	vld.idx.msk [tilespmem:v4+s18+$0x0], $0xffff  }
0x183: {  	v40 =	vld.idx.msk [tilespmem:v20+s18+$0x0], $0xffff  }
0x184: {  	[tilespmem:$0x1FD60] =	vst v28;
	v28 =	vld.idx.msk [tilespmem:v52+s18+$0x0], $0xffff  }
0x185: {  	v31 =	vld.idx.msk [tilespmem:v5+s18+$0x0], $0xffff;
	v9 =	vadd.s32 $0x2800, v63  }
0x186: {  	v5 =	vadd.bf16 v14, v26;
	v26 =	vld.idx.msk [tilespmem:v18+s2+$0x0], $0xffff;
	v36 =	vadd.s32 $0x5000, v63  }
0x187: {  	v18 =	vld [tilespmem:$0x1FB40];
	v6 =	vadd.s32 $0x7800, v63  }
0x188: {  	v43 =	vadd.s32 $0x7800, v23;
	v35 =	vadd.s32 $0x5000, v23;
	v52 =	vadd.s32 $0x2800, v0;
	v23 =	vld.idx.msk [tilespmem:v63+s18+$0x0], $0xffff  }
0x189: {  	v20 =	vld.idx.msk [tilespmem:v0+s18+$0x0], $0xffff  }
0x18a: {  	[tilespmem:$0x1FC90] =	vst v42;
	v42 =	vld.idx.msk [tilespmem:v9+s18+$0x0], $0xffff  }
0x18b: {  	v29 =	vld.idx.msk [tilespmem:v36+s18+$0x0], $0xffff  }
0x18c: {  	v36 =	vld.idx.msk [tilespmem:v6+s18+$0x0], $0xffff  }
0x18d: {  	v21 =	vld.idx.msk [tilespmem:v52+s18+$0x0], $0xffff  }
0x18e: {  	v6 =	vadd.bf16 v10, v8;
	v8 =	vadd.bf16 v17, v15;
	v15 =	vld [tilespmem:$0x1FB10]  }
0x18f: {  	v10 =	vadd.bf16 v16, v11;
	v11 =	vadd.s32 $0x7800, v0;
	v16 =	vld [tilespmem:$0x1FB20]  }
0x190: {  	v52 =	vadd.bf16 v22, v19;
	v17 =	vld [tilespmem:$0x1FB30]  }
0x191: {  	v30 =	vadd.bf16 v34, v30;
	v19 =	vld [tilespmem:$0x1FB50]  }
0x192: {  	v9 =	vadd.s32 $0x5000, v0;
	v0 =	vmax.bf16 v6, v52;
	v52 =	vld [tilespmem:$0x1FB60];
	v5 =	vmax.bf16 v10, v5  }
0x193: {  	v5 =	vmax.bf16 v5, v30;
	v30 =	vld [tilespmem:$0x1FBD0]  }
0x194: {  	v63 =	vadd.s32 $0x2800, v12;
	v12 =	vadd.s32 $0x7800, v12;
	v34 =	vld.idx.msk [tilespmem:v11+s18+$0x0], $0xffff  }
0x195: {  	v11 =	vld [tilespmem:$0x1FB70]  }
0x196: {  	v2 =	vadd.bf16 v16, v15;
	v15 =	vld [tilespmem:$0x1FB90]  }
0x197: {  	v16 =	vld [tilespmem:$0x1FBA0]  }
0x198: {  	v4 =	vadd.bf16 v18, v17;
	v17 =	vld [tilespmem:$0x1FBB0]  }
0x199: {  	v6 =	vadd.bf16 v52, v19;
	v19 =	vld.idx.msk [tilespmem:v12+s2+$0x0], $0xffff  }
0x19a: {  	v12 =	vld [tilespmem:$0x1FB80]  }
0x19b: {  	v18 =	vld [tilespmem:$0x1FBC0]  }
0x19c: {  	v52 =	vld [tilespmem:$0x1FBE0]  }
0x19d: {  	[tilespmem:$0x1FD40] =	vst v1;
	v1 =	vld [tilespmem:s7+$0x15C00]  }
0x19e: {  	v3 =	vld [tilespmem:s7+$0x17C00]  }
0x19f: {  	v0 =	vmax.bf16 v0, v6;
	v6 =	vadd.bf16 v12, v11  }
0x1a0: {  	v2 =	vmax.bf16 v7, v2;
	v4 =	vmax.bf16 v8, v4;
	v10 =	vadd.bf16 v18, v17  }
0x1a1: {  	v22 =	vld.idx.msk [tilespmem:v9+s18+$0x0], $0xffff;
	v8 =	vadd.bf16 v16, v15;
	v9 =	vmax.bf16 v2, v6;
	v6 =	vadd.bf16 v52, v30  }
0x1a2: {  	v13 =	vadd.s32 $0x2800, v1;
	v11 =	vmax.bf16 v0, v10;
	v10 =	vld [tilespmem:$0x1FC10]  }
0x1a3: {  	v14 =	vadd.s32 $0x2800, v3;
	v4 =	vmax.bf16 v4, v8;
	v8 =	vmax.bf16 v5, v6;
	v5 =	vld [tilespmem:$0x1FBF0]  }
0x1a4: {  	v6 =	vld [tilespmem:$0x1FC00]  }
0x1a5: {  	v52 =	vld [tilespmem:$0x1FC20];
	_ =	sdelay $0x1  }
0x1a6: {  	v18 =	vld.idx.msk [tilespmem:v13+s2+$0x0], $0xffff  }
0x1a7: {  	v17 =	vld.idx.msk [tilespmem:v14+s18+$0x0], $0xffff  }
0x1a8: {  	v16 =	vld.idx.msk [tilespmem:v1+s2+$0x0], $0xffff;
	v6 =	vadd.bf16 v6, v5  }
0x1a9: {  	v13 =	vadd.s32 $0x5000, v1;
	v14 =	vadd.s32 $0x7800, v1;
	v1 =	vadd.bf16 v52, v10;
	v52 =	vld [tilespmem:$0x1FC50]  }
0x1aa: {  	v6 =	vmax.bf16 v9, v6;
	v9 =	vld [tilespmem:$0x1FC60];
	_ =	sdelay $0x3  }
0x1ab: {  	v2 =	vld [tilespmem:$0x1FC70]  }
0x1ac: {  	v9 =	vadd.bf16 v9, v52;
	v52 =	vld [tilespmem:$0x1FC80]  }
0x1ad: {  	v60 =	vadd.bf16 v62, v60;
	v62 =	vld [tilespmem:$0x1FD60]  }
0x1ae: {  	v43 =	vld.idx.msk [tilespmem:v43+s2+$0x0], $0xffff  }
0x1af: {  	v15 =	vld.idx.msk [tilespmem:v3+s18+$0x0], $0xffff  }
0x1b0: {  	v12 =	vadd.s32 $0x7800, v3;
	v30 =	vadd.s32 $0x5000, v3;
	v3 =	vmax.bf16 v4, v1;
	v1 =	vld [tilespmem:$0x1FC90]  }
0x1b1: {  	v2 =	vadd.bf16 v52, v2;
	v52 =	vld [tilespmem:$0x1FCA0]  }
0x1b2: {  	v10 =	vld [tilespmem:$0x1FC40]  }
0x1b3: {  	v5 =	vld [tilespmem:$0x1FC30]  }
0x1b4: {  	v35 =	vld.idx.msk [tilespmem:v35+s2+$0x0], $0xffff  }
0x1b5: {  	v0 =	vld [tilespmem:s7+$0x17D00]  }
0x1b6: {  	v4 =	vadd.bf16 v52, v1;
	v1 =	vld [tilespmem:$0x1FCB0]  }
0x1b7: {  	v52 =	vld [tilespmem:$0x1FCC0]  }
0x1b8: {  	v63 =	vld.idx.msk [tilespmem:v63+s2+$0x0], $0xffff;
	v5 =	vadd.bf16 v10, v5  }
0x1b9: {  	v7 =	vld [tilespmem:s7+$0x15D00]  }
0x1ba: {  	v5 =	vmax.bf16 v11, v5;
	v11 =	vld [tilespmem:$0x1FCE0]  }
0x1bb: {  	v8 =	vmax.bf16 v8, v9;
	v9 =	vld [tilespmem:$0x1FCD0]  }
0x1bc: {  	v1 =	vadd.bf16 v52, v1;
	v52 =	vld [tilespmem:$0x1FD10]  }
0x1bd: {  	v13 =	vld.idx.msk [tilespmem:v13+s2+$0x0], $0xffff  }
0x1be: {  	v30 =	vld.idx.msk [tilespmem:v30+s18+$0x0], $0xffff  }
0x1bf: {  	v54 =	vadd.bf16 v56, v54;
	v56 =	vld.idx.msk [tilespmem:v0+s18+$0x0], $0xffff  }
0x1c0: {  	v10 =	vadd.s32 $0x2800, v7;
	v2 =	vmax.bf16 v6, v2;
	v6 =	vld.idx.msk [tilespmem:v14+s2+$0x0], $0xffff  }
0x1c1: {  	v3 =	vmax.bf16 v3, v4;
	v4 =	vadd.bf16 v11, v9;
	v11 =	vadd.bf16 v55, v52;
	v55 =	vld [tilespmem:$0x1FD20]  }
0x1c2: {  	v14 =	vld [tilespmem:$0x1FD00]  }
0x1c3: {  	v1 =	vmax.bf16 v5, v1;
	v5 =	vld.idx.msk [tilespmem:v12+s18+$0x0], $0xffff  }
0x1c4: {  	v12 =	vld [tilespmem:$0x1FCF0]  }
0x1c5: {  	v10 =	vld.idx.msk [tilespmem:v10+s2+$0x0], $0xffff;
	v4 =	vmax.bf16 v8, v4  }
0x1c6: {  	v52 =	vadd.s32 $0x5000, v7;
	v3 =	vmax.bf16 v3, v11;
	v11 =	vld [tilespmem:s7+$0x15E00];
	v8 =	vadd.bf16 v58, v55  }
0x1c7: {  	v58 =	vld [tilespmem:$0x1FD40]  }
0x1c8: {  	v1 =	vmax.bf16 v1, v8;
	v8 =	vld [tilespmem:$0x1FD30]  }
0x1c9: {  	v9 =	vadd.bf16 v14, v12;
	v12 =	vadd.s32 $0x2800, v0;
	v14 =	vld.idx.msk [tilespmem:v7+s2+$0x0], $0xffff  }
0x1ca: {  	v44 =	vadd.bf16 v44, v47;
	v7 =	vadd.s32 $0x7800, v7;
	v55 =	vld [tilespmem:s7+$0x17E00]  }
0x1cb: {  	v2 =	vmax.bf16 v2, v9;
	v9 =	vadd.s32 $0x5000, v0;
	v0 =	vadd.s32 $0x7800, v0;
	v47 =	vld.idx.msk [tilespmem:v52+s2+$0x0], $0xffff  }
0x1cc: {  	v52 =	vld [tilespmem:$0x1FD70]  }
0x1cd: {  	v50 =	vadd.bf16 v50, v62;
	v62 =	vadd.s32 $0x5000, v11;
	v8 =	vadd.bf16 v58, v8;
	v58 =	vld [tilespmem:$0x1FD50]  }
0x1ce: {  	v51 =	vadd.bf16 v51, v61;
	v3 =	vmax.bf16 v3, v54;
	v54 =	vadd.bf16 v38, v48;
	v12 =	vld.idx.msk [tilespmem:v12+s18+$0x0], $0xffff  }
0x1cf: {  	v27 =	vadd.bf16 v27, v37;
	v48 =	vadd.bf16 v32, v46;
	v7 =	vld.idx.msk [tilespmem:v7+s2+$0x0], $0xffff;
	v1 =	vmax.bf16 v1, v60  }
0x1d0: {  	v28 =	vadd.bf16 v28, v41;
	v23 =	vadd.bf16 v23, v24;
	v0 =	vld.idx.msk [tilespmem:v0+s18+$0x0], $0xffff;
	v1 =	vmax.bf16 v1, v54  }
0x1d1: {  	v60 =	vadd.bf16 v39, v45;
	v39 =	vld.idx.msk [tilespmem:v11+s2+$0x0], $0xffff;
	v61 =	vadd.s32 $0x2800, v55;
	v1 =	vmax.bf16 v1, v48  }
0x1d2: {  	v54 =	vadd.s32 $0x7800, v55;
	v1 =	vmax.bf16 v1, v23;
	v23 =	vld.idx.msk [tilespmem:v62+s2+$0x0], $0xffff;
	v53 =	vadd.bf16 v53, v58  }
0x1d3: {  	v31 =	vadd.bf16 v31, v33;
	v20 =	vadd.bf16 v20, v25;
	v4 =	vmax.bf16 v4, v8;
	v8 =	vld.idx.msk [tilespmem:v9+s18+$0x0], $0xffff  }
0x1d4: {  	v58 =	vadd.bf16 v59, v57;
	v59 =	vadd.s32 $0x2800, v11;
	v2 =	vmax.bf16 v2, v53;
	v53 =	vld [tilespmem:s7+$0x17F00]  }
0x1d5: {  	v4 =	vmax.bf16 v4, v50;
	v50 =	vadd.s32 $0x5000, v55;
	v2 =	vmax.bf16 v2, v51;
	v51 =	vld [tilespmem:s7+$0x15F00]  }
0x1d6: {  	v19 =	vadd.bf16 v34, v19;
	v15 =	vadd.bf16 v15, v16;
	v37 =	vld.idx.msk [tilespmem:v61+s18+$0x0], $0xffff;
	v11 =	vadd.s32 $0x7800, v11  }
0x1d7: {  	v13 =	vadd.bf16 v30, v13;
	v5 =	vadd.bf16 v5, v6;
	v3 =	vmax.bf16 v3, v44;
	v62 =	vld.idx.msk [tilespmem:v54+s18+$0x0], $0xffff  }
0x1d8: {  	v46 =	vadd.bf16 v17, v18;
	v3 =	vmax.bf16 v3, v60;
	v2 =	vmax.bf16 v2, v27;
	v27 =	vld.idx.msk [tilespmem:v55+s18+$0x0], $0xffff  }
0x1d9: {  	v40 =	vadd.bf16 v40, v52;
	v3 =	vmax.bf16 v3, v31;
	v24 =	vld.idx.msk [tilespmem:v59+s2+$0x0], $0xffff;
	v60 =	vadd.s32 $0x2800, v53  }
0x1da: {  	v1 =	vmax.bf16 v1, v20;
	v2 =	vmax.bf16 v2, v28;
	v28 =	vld.idx.msk [tilespmem:v50+s18+$0x0], $0xffff;
	v38 =	vadd.s32 $0x5000, v53  }
0x1db: {  	v52 =	vadd.bf16 v12, v10;
	v1 =	vmax.bf16 v1, v15;
	v11 =	vld.idx.msk [tilespmem:v11+s2+$0x0], $0xffff;
	v45 =	vadd.s32 $0x7800, v53  }
0x1dc: {  	v4 =	vmax.bf16 v4, v58;
	v55 =	vadd.bf16 v42, v49;
	v58 =	vadd.s32 $0x2800, v51;
	v42 =	vld.idx.msk [tilespmem:v53+s18+$0x0], $0xffff  }
0x1dd: {  	v61 =	vadd.bf16 v21, v63;
	v59 =	vadd.bf16 v36, v43;
	v63 =	vadd.s32 $0x5000, v51;
	v36 =	vld.idx.msk [tilespmem:v51+s2+$0x0], $0xffff  }
0x1de: {  	v0 =	vadd.bf16 v0, v7;
	v57 =	vadd.bf16 v29, v35;
	v43 =	vadd.s32 $0x7800, v51;
	v48 =	vld.idx.msk [tilespmem:v60+s18+$0x0], $0xffff  }
0x1df: {  	v8 =	vadd.bf16 v8, v47;
	v4 =	vmax.bf16 v4, v40;
	v40 =	vadd.bf16 v22, v26;
	v51 =	vld.idx.msk [tilespmem:v38+s18+$0x0], $0xffff  }
0x1e0: {  	v50 =	vadd.bf16 v56, v14;
	v4 =	vmax.bf16 v4, v55;
	v2 =	vmax.bf16 v2, v57;
	v55 =	vld.idx.msk [tilespmem:v45+s18+$0x0], $0xffff  }
0x1e1: {  	v3 =	vmax.bf16 v3, v59;
	v4 =	vmax.bf16 v4, v61;
	v2 =	vmax.bf16 v2, v40;
	v44 =	vld.idx.msk [tilespmem:v58+s2+$0x0], $0xffff  }
0x1e2: {  	v1 =	vmax.bf16 v1, v50;
	v3 =	vmax.bf16 v3, v19;
	v4 =	vmax.bf16 v4, v46;
	v49 =	vld.idx.msk [tilespmem:v63+s2+$0x0], $0xffff  }
0x1e3: {  	v2 =	vmax.bf16 v2, v13;
	v3 =	vmax.bf16 v3, v5;
	v54 =	vadd.bf16 v27, v39;
	v53 =	vld.idx.msk [tilespmem:v43+s2+$0x0], $0xffff  }
0x1e4: {  	v4 =	vmax.bf16 v4, v52;
	v2 =	vmax.bf16 v2, v8;
	v56 =	vadd.bf16 v37, v24  }
0x1e5: {  	v0 =	vmax.bf16 v3, v0;
	v1 =	vmax.bf16 v1, v54;
	v57 =	vadd.bf16 v42, v36  }
0x1e6: {  	p0 =	sne.s32 s6, $0x3C0;
	v4 =	vmax.bf16 v4, v56;
	v58 =	vadd.bf16 v28, v23;
	v59 =	vadd.bf16 v48, v44  }
.Ltmp3:
0x1e7: {  	v60 =	vadd.bf16 v62, v11;
	v1 =	vmax.bf16 v1, v57;
	v61 =	vadd.bf16 v51, v49;
	(pc) =	sbr.rel @p0 .LBB2_5-.Ltmp3, $4  }
0x1e8: {  	v2 =	vmax.bf16 v2, v58;
	v62 =	vadd.bf16 v55, v53;
	[tilespmem:s7+$0x18400] =	vst v1;
	v4 =	vmax.bf16 v4, v59  }
0x1e9: {  	v0 =	vmax.bf16 v0, v60;
	v63 =	vmax.bf16 v2, v61;
	[tilespmem:s7+$0x18500] =	vst v4  }
0x1ea: {  	v0 =	vmax.bf16 v0, v62;
	[tilespmem:s7+$0x18600] =	vst v63  }
0x1eb: {  	s6 =	sadd.s32 $0x40, s6;
	[tilespmem:s7+$0x18700] =	vst v0  }
.Ltmp4:
0x1ec: {  	(pc) =	sbr.rel @p1 .LBB2_8-.Ltmp4, $4  }
0x1ed: {  	s6 =	sadd.s32 s20, s14  }
0x1ee: {  	s6 =	sshrl.u32 s6, $0x3  }
0x1ef: {  	s6 =	sadd.s32 s5, s6  }
0x1f0: {  	[hbm4b:s6+s24] =	stream.strided.scatter [tilespmem:s29], [sflag:$0x4], $0x400, s25, s24, $0x38;
	[tilespmem:$0x18800] =	vst v63  }
0x1f1: {  	s6 =	sadd.s32 s19, s15  }
.Ltmp5:
0x1f2: {  	s6 =	sshrl.u32 s6, $0x3;
	(pc) =	sbr.rel .LBB2_2-.Ltmp5, $4  }
0x1f3: {  	s7 =	sadd.s32 s3, s6  }
0x1f4: {  	[tilespmem:s21], [sflag:$0x2] =	stream.linear.gather [hbm4b:s7+s2], $0x1000, $0x38;
	[tilespmem:$0x18800] =	vst v63  }
0x1f5: {  	s0 =	sadd.s32 $0x1, s0;
	s6 =	sadd.s32 s4, s6  }
0x1f6: {  	[tilespmem:s22], [sflag:$0x2] =	stream.linear.gather [hbm4b:s6+s2], $0x1000, $0x38;
	[tilespmem:$0x18800] =	vst v63  }
.LBB2_9:
0x1f7: {  	_ =	sfence.sel $0x180000  }
0x1f8: {  	[bflag:$0x0] =	sbarrier.arrive $0xFFFF  }
0x1f9: {  	_ =	strace $0x90000047  }
0x1fa: {  	s0 =	stileid.u32;
	[bflag:$0x2] =	sbarrier.arrive $0xFFFF  }
0x1fb: {  	p0 =	sne.s32 s0, $0x0;
	s0 =	rddreg [dreg:$0x2]  }
0x1fc: {  	s0 =	sadd.s32 @!p0 $0x100000, s0  }
0x1fd: {  	[sflag:s0] =	ssyncadd.tile.s32 @!p0 $0x1;
	_ =	shalt  }
.Lfunc_end2:
_tile_overlayer_lowered:
.L_overlay_start_2:
0x1fe: {  	(tag) =	ssettag $0x2  }
0x1ff: {  	s0 =	rddreg [dreg:$0x0];
	s2 =	stileid.u32  }
0x200: {  	s1 =	rddreg [dreg:$0x1];
	p0 =	sne.s32 s2, $0x0  }
0x201: {  	s3 =	rddreg [dreg:$0x2];
	[bflag:$0x3] =	sbarrier.arrive $0xFFFF;
	s2 =	simm.s32 @!p0 $0x1C05  }
0x202: {  	[timem:s3], [sflag:s2] =	dma.local @!p0 [hbm:s0], s1  }
0x203: {  	s0 =	simm.s32 @!p0 $0x5  }
0x204: {  	_ =	swait.ge @!p0 [sflag:s0], s1  }
0x205: {  	s1 =	ssub.s32 @!p0 $0x0, s1;
	[sflag:s0] =	ssyncset.done @!p0 $0x0  }
0x206: {  	[sflag:s0] =	ssyncadd.s32 @!p0 s1  }
0x207: {  	[bflag:$0x3] =	sbarrier.arrive $0xFFFF  }
0x208: {  	_ =	shalt  }

</sc_bundles>
